<compile_context>
chip_gen: v7x
topology: tpu7x:2x2x1
jax: 0.10.2.dev20260603
libtpu: 0.0.44.dev20260713+nightly
codegen_flags: <defaults>
</compile_context>

<pallas_src>
import functools

import jax
import jax.numpy as jnp
from jax import lax
from jax.experimental import pallas as pl
from jax.experimental.pallas import tpu as pltpu
from jax.experimental.pallas import tpu_sc as plsc

B = 4096
L = 16
D = 300
DP = 384
O = 2048

NC = 2
NS = 16
NW = NC * NS

ROWS = B * L
R_PER_W = ROWS // NW
CH = 128
N_CHUNKS = R_PER_W // CH

BB = 128
NB = B // BB


def _sc_gather(idx, table):
    mesh = plsc.VectorSubcoreMesh(core_axis_name="c", subcore_axis_name="s")

    @functools.partial(
        pl.kernel,
        out_type=jax.ShapeDtypeStruct((ROWS, DP), jnp.float32),
        mesh=mesh,
        scratch_types=[
            pltpu.VMEM((R_PER_W,), jnp.int32),
            pltpu.VMEM((CH, DP), jnp.float32),
            pltpu.VMEM((CH, DP), jnp.float32),
            pltpu.SemaphoreType.DMA,
            pltpu.SemaphoreType.DMA,
            pltpu.SemaphoreType.DMA,
            pltpu.SemaphoreType.DMA,
        ],
    )
    def k(idx_hbm, table_hbm, out_hbm, idx_v, rows0, rows1, g0, g1, o0, o1):
        wid = lax.axis_index("s") * NC + lax.axis_index("c")
        base = wid * R_PER_W
        bufs = (rows0, rows1)
        gsems = (g0, g1)
        osems = (o0, o1)

        pltpu.sync_copy(idx_hbm.at[pl.ds(base, R_PER_W)], idx_v)

        def gather(c):
            return pltpu.async_copy(
                table_hbm.at[idx_v.at[pl.ds(c * CH, CH)]],
                bufs[c % 2],
                gsems[c % 2],
            )

        ghs = [gather(0)]
        ohs = [None] * N_CHUNKS
        for c in range(N_CHUNKS):
            ghs[c].wait()
            if c + 1 < N_CHUNKS:
                if c >= 1:
                    ohs[c - 1].wait()
                ghs.append(gather(c + 1))
            ohs[c] = pltpu.async_copy(
                bufs[c % 2], out_hbm.at[pl.ds(base + c * CH, CH)], osems[c % 2]
            )
        ohs[N_CHUNKS - 2].wait()
        ohs[N_CHUNKS - 1].wait()

    return k(idx, table)


PAD_BLK = 4096


def _pad_body(t_ref, out_ref):
    blk = out_ref.shape[0]
    out_ref[...] = jnp.concatenate(
        [t_ref[...].T, jnp.zeros((blk, DP - D), jnp.float32)], axis=1
    )


def _tc_pad(table_t):
    v = table_t.shape[1]
    grid = ((v + PAD_BLK - 1) // PAD_BLK,)
    return pl.pallas_call(
        _pad_body,
        grid=grid,
        in_specs=[pl.BlockSpec((D, PAD_BLK), lambda i: (0, i))],
        out_specs=pl.BlockSpec((PAD_BLK, DP), lambda i: (i, 0)),
        out_shape=jax.ShapeDtypeStruct((v, DP), jnp.float32),
    )(table_t)


def _tc_body(emb_ref, wt_ref, b_ref, out_ref):
    h = jnp.dot(
        emb_ref[...].astype(jnp.bfloat16),
        wt_ref[...],
        preferred_element_type=jnp.float32,
    )
    h = jnp.maximum(h + b_ref[...], 0.0)
    out_ref[...] = jnp.max(h.reshape(BB, L, O), axis=1)


def _tc_fused(emb, wt, b2):
    return pl.pallas_call(
        _tc_body,
        grid=(NB,),
        in_specs=[
            pl.BlockSpec((BB * L, DP), lambda i: (i, 0)),
            pl.BlockSpec((DP, O), lambda i: (0, 0)),
            pl.BlockSpec((1, O), lambda i: (0, 0)),
        ],
        out_specs=pl.BlockSpec((BB, O), lambda i: (i, 0)),
        out_shape=jax.ShapeDtypeStruct((B, O), jnp.float32),
        compiler_params=pltpu.CompilerParams(
            dimension_semantics=("parallel",),
        ),
    )(emb, wt, b2)


def kernel(x, table, W, b):
    idx = x.astype(jnp.int32).reshape(ROWS)
    table_p = _tc_pad(table.T)
    emb = _sc_gather(idx, table_p)
    wt = jnp.pad(W.T, ((0, DP - D), (0, 0))).astype(jnp.bfloat16)
    b2 = b.reshape(1, O)
    return _tc_fused(emb, wt, b2)

# --- scband reference (transcript-rebuilt; emitter-appended) ---
"""Pipeline reference for scband-text-encoder-55654186221677 (READ-ONLY COPY).

The authoritative reference and input builder live on the scoring server;
editing this copy changes nothing except your own understanding.
"""

import jax, jax.numpy as jnp
import numpy as np

NUM_EMBEDDINGS = 66250
WORD_EMBEDDING_DIM = 300
OUTPUT_DIM = 2048
BATCH = 4096
MAX_WORDS = 16


def setup_inputs(seed: int = 0) -> dict:
    key = jax.random.key(seed)
    k1, k2, k3, k4 = jax.random.split(key, 4)
    x = jax.random.randint(k1, (BATCH, MAX_WORDS), 0, NUM_EMBEDDINGS, dtype=jnp.int64 if jax.config.jax_enable_x64 else jnp.int32)
    table = jax.random.normal(k2, (NUM_EMBEDDINGS, WORD_EMBEDDING_DIM), dtype=jnp.float32)
    # fc1: Linear(word_embedding_dim, output_dim); torch stores weight as [out, in]
    bound = 1.0 / np.sqrt(WORD_EMBEDDING_DIM)
    W = jax.random.uniform(k3, (OUTPUT_DIM, WORD_EMBEDDING_DIM), minval=-bound, maxval=bound, dtype=jnp.float32)
    b = jax.random.uniform(k4, (OUTPUT_DIM,), minval=-bound, maxval=bound, dtype=jnp.float32)
    return {"x": x, "table": table, "W": W, "b": b}


def reference(x, table, W, b):
    # with torch.no_grad(): x = self.word_embd(x)
    emb = jax.lax.stop_gradient(jnp.take(table, x, axis=0))  # [B, L, D]
    # x = F.relu(self.fc1(x))
    h = jax.nn.relu(jnp.einsum('bld,od->blo', emb, W) + b)  # [B, L, O]
    # x = torch.max(x, dim=1)[0]
    out = jnp.max(h, axis=1)  # [B, O]
    return out

if __name__ == "__main__":
    import jax
    _d = setup_inputs()
    print(jax.jit(kernel)(*tuple(_d.values())))

</pallas_src>

<mosaic_0001>
#map = affine_map<(d0, d1) -> (0)>
#map1 = affine_map<(d0, d1) -> (0, 0)>
module attributes {stable_mosaic.version = 14 : i64} {
  func.func @k(%arg0: i32, %arg1: i32, %arg2: memref<65536xi32, #tpu.memory_space<hbm>>, %arg3: memref<66250x384xf32, #tpu.memory_space<hbm>>, %arg4: memref<65536x384xf32, #tpu.memory_space<hbm>>, %arg5: memref<2048xi32, #tpu.memory_space<vmem>>, %arg6: memref<128x384xf32, #tpu.memory_space<vmem>>, %arg7: memref<128x384xf32, #tpu.memory_space<vmem>>, %arg8: memref<!tpu.dma_semaphore, #tpu.memory_space<semaphore_mem>>, %arg9: memref<!tpu.dma_semaphore, #tpu.memory_space<semaphore_mem>>, %arg10: memref<!tpu.dma_semaphore, #tpu.memory_space<semaphore_mem>>, %arg11: memref<!tpu.dma_semaphore, #tpu.memory_space<semaphore_mem>>) attributes {dimension_semantics = [#tpu.dimension_semantics<core_parallel>, #tpu.dimension_semantics<subcore_parallel>], iteration_bounds = array<i64: 2, 16>, scalar_prefetch = 0 : i64, scratch_operands = 7 : i64, tpu.core_type = #tpu.core_type<sc_vector_subcore>, window_params = [{transform_indices = #map}, {transform_indices = #map1}, {transform_indices = #map1}]} {
    %mul3A = arith.constant 2 : i32
    %mul3A_0 = arith.muli %arg1, %mul3A : i32
    %add3A = arith.addi %mul3A_0, %arg0 : i32
    %mul3A_1 = arith.constant 2048 : i32
    %mul3A_2 = arith.muli %add3A, %mul3A_1 : i32
    "tpu.region"() ({
      %run_scoped3A = tpu.sem_alloc : memref<!tpu.dma_semaphore, #tpu.memory_space<semaphore_mem>>
      %dma_start3A_321 = tpu.memref_slice %arg2[%mul3A_2] : memref<65536xi32, #tpu.memory_space<hbm>> -> memref<2048xi32, #tpu.memory_space<hbm>>
      %dma_start3A_322 = tpu.memref_slice %arg2[%mul3A_2] : memref<65536xi32, #tpu.memory_space<hbm>> -> memref<2048xi32, #tpu.memory_space<hbm>>
      tpu.enqueue_dma source(%dma_start3A_322 : memref<2048xi32, #tpu.memory_space<hbm>>) target(%arg5 : memref<2048xi32, #tpu.memory_space<vmem>>) target_semaphore(%run_scoped3A : memref<!tpu.dma_semaphore, #tpu.memory_space<semaphore_mem>>)
      %dma_wait3A_323 = tpu.memref_slice %arg2[%mul3A_2] : memref<65536xi32, #tpu.memory_space<hbm>> -> memref<2048xi32, #tpu.memory_space<hbm>>
      %dma_wait3A_324 = tpu.memref_slice %arg2[%mul3A_2] : memref<65536xi32, #tpu.memory_space<hbm>> -> memref<2048xi32, #tpu.memory_space<hbm>>
      tpu.wait_dma2 semaphore(%run_scoped3A : memref<!tpu.dma_semaphore, #tpu.memory_space<semaphore_mem>>) src(%dma_wait3A_324 : memref<2048xi32, #tpu.memory_space<hbm>>) dst(%arg5 : memref<2048xi32, #tpu.memory_space<vmem>>)
      tpu.yield
    }) : () -> ()
    %dma_start3A = arith.constant 0 : i32
    %dma_start3A_3 = tpu.memref_slice %arg5[%dma_start3A] : memref<2048xi32, #tpu.memory_space<vmem>> -> memref<128xi32, #tpu.memory_space<vmem>>
    %dma_start3A_4 = arith.constant 0 : i32
    %dma_start3A_5 = arith.constant 0 : i32
    %dma_start3A_6 = tpu.memref_slice %arg3[%dma_start3A_4, %dma_start3A_5] : memref<66250x384xf32, #tpu.memory_space<hbm>> -> memref<66250x384xf32, #tpu.memory_space<hbm>>
    tpu.enqueue_indirect_dma source(%dma_start3A_6 : memref<66250x384xf32, #tpu.memory_space<hbm>>) target(%arg6 : memref<128x384xf32, #tpu.memory_space<vmem>>) offsets(%dma_start3A_3 : memref<128xi32, #tpu.memory_space<vmem>>) semaphore(%arg8 : memref<!tpu.dma_semaphore, #tpu.memory_space<semaphore_mem>>)
    %dma_wait3A = arith.constant 0 : i32
    %dma_wait3A_7 = tpu.memref_slice %arg5[%dma_wait3A] : memref<2048xi32, #tpu.memory_space<vmem>> -> memref<128xi32, #tpu.memory_space<vmem>>
    %dma_wait3A_8 = arith.constant 0 : i32
    %dma_wait3A_9 = arith.constant 0 : i32
    %dma_wait3A_10 = tpu.memref_slice %arg3[%dma_wait3A_8, %dma_wait3A_9] : memref<66250x384xf32, #tpu.memory_space<hbm>> -> memref<66250x384xf32, #tpu.memory_space<hbm>>
    tpu.wait_indirect_dma semaphore(%arg8 : memref<!tpu.dma_semaphore, #tpu.memory_space<semaphore_mem>>) src(%dma_wait3A_10 : memref<66250x384xf32, #tpu.memory_space<hbm>>) dst(%arg6 : memref<128x384xf32, #tpu.memory_space<vmem>>)
    %dma_start3A_11 = arith.constant 128 : i32
    %dma_start3A_12 = tpu.memref_slice %arg5[%dma_start3A_11] : memref<2048xi32, #tpu.memory_space<vmem>> -> memref<128xi32, #tpu.memory_space<vmem>>
    %dma_start3A_13 = arith.constant 0 : i32
    %dma_start3A_14 = arith.constant 0 : i32
    %dma_start3A_15 = tpu.memref_slice %arg3[%dma_start3A_13, %dma_start3A_14] : memref<66250x384xf32, #tpu.memory_space<hbm>> -> memref<66250x384xf32, #tpu.memory_space<hbm>>
    tpu.enqueue_indirect_dma source(%dma_start3A_15 : memref<66250x384xf32, #tpu.memory_space<hbm>>) target(%arg7 : memref<128x384xf32, #tpu.memory_space<vmem>>) offsets(%dma_start3A_12 : memref<128xi32, #tpu.memory_space<vmem>>) semaphore(%arg9 : memref<!tpu.dma_semaphore, #tpu.memory_space<semaphore_mem>>)
    %add3A_16 = arith.constant 0 : i32
    %add3A_17 = arith.addi %mul3A_2, %add3A_16 : i32
    %dma_start3A_18 = arith.constant 0 : i32
    %dma_start3A_19 = tpu.memref_slice %arg4[%add3A_17, %dma_start3A_18] : memref<65536x384xf32, #tpu.memory_space<hbm>> -> memref<128x384xf32, #tpu.memory_space<hbm>>
    %dma_start3A_20 = arith.constant 0 : i32
    %dma_start3A_21 = tpu.memref_slice %arg4[%add3A_17, %dma_start3A_20] : memref<65536x384xf32, #tpu.memory_space<hbm>> -> memref<128x384xf32, #tpu.memory_space<hbm>>
    tpu.enqueue_dma source(%arg6 : memref<128x384xf32, #tpu.memory_space<vmem>>) target(%dma_start3A_21 : memref<128x384xf32, #tpu.memory_space<hbm>>) target_semaphore(%arg10 : memref<!tpu.dma_semaphore, #tpu.memory_space<semaphore_mem>>)
    %dma_wait3A_22 = arith.constant 128 : i32
    %dma_wait3A_23 = tpu.memref_slice %arg5[%dma_wait3A_22] : memref<2048xi32, #tpu.memory_space<vmem>> -> memref<128xi32, #tpu.memory_space<vmem>>
    %dma_wait3A_24 = arith.constant 0 : i32
    %dma_wait3A_25 = arith.constant 0 : i32
    %dma_wait3A_26 = tpu.memref_slice %arg3[%dma_wait3A_24, %dma_wait3A_25] : memref<66250x384xf32, #tpu.memory_space<hbm>> -> memref<66250x384xf32, #tpu.memory_space<hbm>>
    tpu.wait_indirect_dma semaphore(%arg9 : memref<!tpu.dma_semaphore, #tpu.memory_space<semaphore_mem>>) src(%dma_wait3A_26 : memref<66250x384xf32, #tpu.memory_space<hbm>>) dst(%arg7 : memref<128x384xf32, #tpu.memory_space<vmem>>)
    %dma_wait3A_27 = arith.constant 0 : i32
    %dma_wait3A_28 = tpu.memref_slice %arg4[%add3A_17, %dma_wait3A_27] : memref<65536x384xf32, #tpu.memory_space<hbm>> -> memref<128x384xf32, #tpu.memory_space<hbm>>
    %dma_wait3A_29 = arith.constant 0 : i32
    %dma_wait3A_30 = tpu.memref_slice %arg4[%add3A_17, %dma_wait3A_29] : memref<65536x384xf32, #tpu.memory_space<hbm>> -> memref<128x384xf32, #tpu.memory_space<hbm>>
    tpu.wait_dma2 semaphore(%arg10 : memref<!tpu.dma_semaphore, #tpu.memory_space<semaphore_mem>>) src(%arg6 : memref<128x384xf32, #tpu.memory_space<vmem>>) dst(%dma_wait3A_30 : memref<128x384xf32, #tpu.memory_space<hbm>>)
    %dma_start3A_31 = arith.constant 256 : i32
    %dma_start3A_32 = tpu.memref_slice %arg5[%dma_start3A_31] : memref<2048xi32, #tpu.memory_space<vmem>> -> memref<128xi32, #tpu.memory_space<vmem>>
    %dma_start3A_33 = arith.constant 0 : i32
    %dma_start3A_34 = arith.constant 0 : i32
    %dma_start3A_35 = tpu.memref_slice %arg3[%dma_start3A_33, %dma_start3A_34] : memref<66250x384xf32, #tpu.memory_space<hbm>> -> memref<66250x384xf32, #tpu.memory_space<hbm>>
    tpu.enqueue_indirect_dma source(%dma_start3A_35 : memref<66250x384xf32, #tpu.memory_space<hbm>>) target(%arg6 : memref<128x384xf32, #tpu.memory_space<vmem>>) offsets(%dma_start3A_32 : memref<128xi32, #tpu.memory_space<vmem>>) semaphore(%arg8 : memref<!tpu.dma_semaphore, #tpu.memory_space<semaphore_mem>>)
    %add3A_36 = arith.constant 128 : i32
    %add3A_37 = arith.addi %mul3A_2, %add3A_36 : i32
    %dma_start3A_38 = arith.constant 0 : i32
    %dma_start3A_39 = tpu.memref_slice %arg4[%add3A_37, %dma_start3A_38] : memref<65536x384xf32, #tpu.memory_space<hbm>> -> memref<128x384xf32, #tpu.memory_space<hbm>>
    %dma_start3A_40 = arith.constant 0 : i32
    %dma_start3A_41 = tpu.memref_slice %arg4[%add3A_37, %dma_start3A_40] : memref<65536x384xf32, #tpu.memory_space<hbm>> -> memref<128x384xf32, #tpu.memory_space<hbm>>
    tpu.enqueue_dma source(%arg7 : memref<128x384xf32, #tpu.memory_space<vmem>>) target(%dma_start3A_41 : memref<128x384xf32, #tpu.memory_space<hbm>>) target_semaphore(%arg11 : memref<!tpu.dma_semaphore, #tpu.memory_space<semaphore_mem>>)
    %dma_wait3A_42 = arith.constant 256 : i32
    %dma_wait3A_43 = tpu.memref_slice %arg5[%dma_wait3A_42] : memref<2048xi32, #tpu.memory_space<vmem>> -> memref<128xi32, #tpu.memory_space<vmem>>
    %dma_wait3A_44 = arith.constant 0 : i32
    %dma_wait3A_45 = arith.constant 0 : i32
    %dma_wait3A_46 = tpu.memref_slice %arg3[%dma_wait3A_44, %dma_wait3A_45] : memref<66250x384xf32, #tpu.memory_space<hbm>> -> memref<66250x384xf32, #tpu.memory_space<hbm>>
    tpu.wait_indirect_dma semaphore(%arg8 : memref<!tpu.dma_semaphore, #tpu.memory_space<semaphore_mem>>) src(%dma_wait3A_46 : memref<66250x384xf32, #tpu.memory_space<hbm>>) dst(%arg6 : memref<128x384xf32, #tpu.memory_space<vmem>>)
    %dma_wait3A_47 = arith.constant 0 : i32
    %dma_wait3A_48 = tpu.memref_slice %arg4[%add3A_37, %dma_wait3A_47] : memref<65536x384xf32, #tpu.memory_space<hbm>> -> memref<128x384xf32, #tpu.memory_space<hbm>>
    %dma_wait3A_49 = arith.constant 0 : i32
    %dma_wait3A_50 = tpu.memref_slice %arg4[%add3A_37, %dma_wait3A_49] : memref<65536x384xf32, #tpu.memory_space<hbm>> -> memref<128x384xf32, #tpu.memory_space<hbm>>
    tpu.wait_dma2 semaphore(%arg11 : memref<!tpu.dma_semaphore, #tpu.memory_space<semaphore_mem>>) src(%arg7 : memref<128x384xf32, #tpu.memory_space<vmem>>) dst(%dma_wait3A_50 : memref<128x384xf32, #tpu.memory_space<hbm>>)
    %dma_start3A_51 = arith.constant 384 : i32
    %dma_start3A_52 = tpu.memref_slice %arg5[%dma_start3A_51] : memref<2048xi32, #tpu.memory_space<vmem>> -> memref<128xi32, #tpu.memory_space<vmem>>
    %dma_start3A_53 = arith.constant 0 : i32
    %dma_start3A_54 = arith.constant 0 : i32
    %dma_start3A_55 = tpu.memref_slice %arg3[%dma_start3A_53, %dma_start3A_54] : memref<66250x384xf32, #tpu.memory_space<hbm>> -> memref<66250x384xf32, #tpu.memory_space<hbm>>
    tpu.enqueue_indirect_dma source(%dma_start3A_55 : memref<66250x384xf32, #tpu.memory_space<hbm>>) target(%arg7 : memref<128x384xf32, #tpu.memory_space<vmem>>) offsets(%dma_start3A_52 : memref<128xi32, #tpu.memory_space<vmem>>) semaphore(%arg9 : memref<!tpu.dma_semaphore, #tpu.memory_space<semaphore_mem>>)
    %add3A_56 = arith.constant 256 : i32
    %add3A_57 = arith.addi %mul3A_2, %add3A_56 : i32
    %dma_start3A_58 = arith.constant 0 : i32
    %dma_start3A_59 = tpu.memref_slice %arg4[%add3A_57, %dma_start3A_58] : memref<65536x384xf32, #tpu.memory_space<hbm>> -> memref<128x384xf32, #tpu.memory_space<hbm>>
    %dma_start3A_60 = arith.constant 0 : i32
    %dma_start3A_61 = tpu.memref_slice %arg4[%add3A_57, %dma_start3A_60] : memref<65536x384xf32, #tpu.memory_space<hbm>> -> memref<128x384xf32, #tpu.memory_space<hbm>>
    tpu.enqueue_dma source(%arg6 : memref<128x384xf32, #tpu.memory_space<vmem>>) target(%dma_start3A_61 : memref<128x384xf32, #tpu.memory_space<hbm>>) target_semaphore(%arg10 : memref<!tpu.dma_semaphore, #tpu.memory_space<semaphore_mem>>)
    %dma_wait3A_62 = arith.constant 384 : i32
    %dma_wait3A_63 = tpu.memref_slice %arg5[%dma_wait3A_62] : memref<2048xi32, #tpu.memory_space<vmem>> -> memref<128xi32, #tpu.memory_space<vmem>>
    %dma_wait3A_64 = arith.constant 0 : i32
    %dma_wait3A_65 = arith.constant 0 : i32
    %dma_wait3A_66 = tpu.memref_slice %arg3[%dma_wait3A_64, %dma_wait3A_65] : memref<66250x384xf32, #tpu.memory_space<hbm>> -> memref<66250x384xf32, #tpu.memory_space<hbm>>
    tpu.wait_indirect_dma semaphore(%arg9 : memref<!tpu.dma_semaphore, #tpu.memory_space<semaphore_mem>>) src(%dma_wait3A_66 : memref<66250x384xf32, #tpu.memory_space<hbm>>) dst(%arg7 : memref<128x384xf32, #tpu.memory_space<vmem>>)
    %dma_wait3A_67 = arith.constant 0 : i32
    %dma_wait3A_68 = tpu.memref_slice %arg4[%add3A_57, %dma_wait3A_67] : memref<65536x384xf32, #tpu.memory_space<hbm>> -> memref<128x384xf32, #tpu.memory_space<hbm>>
    %dma_wait3A_69 = arith.constant 0 : i32
    %dma_wait3A_70 = tpu.memref_slice %arg4[%add3A_57, %dma_wait3A_69] : memref<65536x384xf32, #tpu.memory_space<hbm>> -> memref<128x384xf32, #tpu.memory_space<hbm>>
    tpu.wait_dma2 semaphore(%arg10 : memref<!tpu.dma_semaphore, #tpu.memory_space<semaphore_mem>>) src(%arg6 : memref<128x384xf32, #tpu.memory_space<vmem>>) dst(%dma_wait3A_70 : memref<128x384xf32, #tpu.memory_space<hbm>>)
    %dma_start3A_71 = arith.constant 512 : i32
    %dma_start3A_72 = tpu.memref_slice %arg5[%dma_start3A_71] : memref<2048xi32, #tpu.memory_space<vmem>> -> memref<128xi32, #tpu.memory_space<vmem>>
    %dma_start3A_73 = arith.constant 0 : i32
    %dma_start3A_74 = arith.constant 0 : i32
    %dma_start3A_75 = tpu.memref_slice %arg3[%dma_start3A_73, %dma_start3A_74] : memref<66250x384xf32, #tpu.memory_space<hbm>> -> memref<66250x384xf32, #tpu.memory_space<hbm>>
    tpu.enqueue_indirect_dma source(%dma_start3A_75 : memref<66250x384xf32, #tpu.memory_space<hbm>>) target(%arg6 : memref<128x384xf32, #tpu.memory_space<vmem>>) offsets(%dma_start3A_72 : memref<128xi32, #tpu.memory_space<vmem>>) semaphore(%arg8 : memref<!tpu.dma_semaphore, #tpu.memory_space<semaphore_mem>>)
    %add3A_76 = arith.constant 384 : i32
    %add3A_77 = arith.addi %mul3A_2, %add3A_76 : i32
    %dma_start3A_78 = arith.constant 0 : i32
    %dma_start3A_79 = tpu.memref_slice %arg4[%add3A_77, %dma_start3A_78] : memref<65536x384xf32, #tpu.memory_space<hbm>> -> memref<128x384xf32, #tpu.memory_space<hbm>>
    %dma_start3A_80 = arith.constant 0 : i32
    %dma_start3A_81 = tpu.memref_slice %arg4[%add3A_77, %dma_start3A_80] : memref<65536x384xf32, #tpu.memory_space<hbm>> -> memref<128x384xf32, #tpu.memory_space<hbm>>
    tpu.enqueue_dma source(%arg7 : memref<128x384xf32, #tpu.memory_space<vmem>>) target(%dma_start3A_81 : memref<128x384xf32, #tpu.memory_space<hbm>>) target_semaphore(%arg11 : memref<!tpu.dma_semaphore, #tpu.memory_space<semaphore_mem>>)
    %dma_wait3A_82 = arith.constant 512 : i32
    %dma_wait3A_83 = tpu.memref_slice %arg5[%dma_wait3A_82] : memref<2048xi32, #tpu.memory_space<vmem>> -> memref<128xi32, #tpu.memory_space<vmem>>
    %dma_wait3A_84 = arith.constant 0 : i32
    %dma_wait3A_85 = arith.constant 0 : i32
    %dma_wait3A_86 = tpu.memref_slice %arg3[%dma_wait3A_84, %dma_wait3A_85] : memref<66250x384xf32, #tpu.memory_space<hbm>> -> memref<66250x384xf32, #tpu.memory_space<hbm>>
    tpu.wait_indirect_dma semaphore(%arg8 : memref<!tpu.dma_semaphore, #tpu.memory_space<semaphore_mem>>) src(%dma_wait3A_86 : memref<66250x384xf32, #tpu.memory_space<hbm>>) dst(%arg6 : memref<128x384xf32, #tpu.memory_space<vmem>>)
    %dma_wait3A_87 = arith.constant 0 : i32
    %dma_wait3A_88 = tpu.memref_slice %arg4[%add3A_77, %dma_wait3A_87] : memref<65536x384xf32, #tpu.memory_space<hbm>> -> memref<128x384xf32, #tpu.memory_space<hbm>>
    %dma_wait3A_89 = arith.constant 0 : i32
    %dma_wait3A_90 = tpu.memref_slice %arg4[%add3A_77, %dma_wait3A_89] : memref<65536x384xf32, #tpu.memory_space<hbm>> -> memref<128x384xf32, #tpu.memory_space<hbm>>
    tpu.wait_dma2 semaphore(%arg11 : memref<!tpu.dma_semaphore, #tpu.memory_space<semaphore_mem>>) src(%arg7 : memref<128x384xf32, #tpu.memory_space<vmem>>) dst(%dma_wait3A_90 : memref<128x384xf32, #tpu.memory_space<hbm>>)
    %dma_start3A_91 = arith.constant 640 : i32
    %dma_start3A_92 = tpu.memref_slice %arg5[%dma_start3A_91] : memref<2048xi32, #tpu.memory_space<vmem>> -> memref<128xi32, #tpu.memory_space<vmem>>
    %dma_start3A_93 = arith.constant 0 : i32
    %dma_start3A_94 = arith.constant 0 : i32
    %dma_start3A_95 = tpu.memref_slice %arg3[%dma_start3A_93, %dma_start3A_94] : memref<66250x384xf32, #tpu.memory_space<hbm>> -> memref<66250x384xf32, #tpu.memory_space<hbm>>
    tpu.enqueue_indirect_dma source(%dma_start3A_95 : memref<66250x384xf32, #tpu.memory_space<hbm>>) target(%arg7 : memref<128x384xf32, #tpu.memory_space<vmem>>) offsets(%dma_start3A_92 : memref<128xi32, #tpu.memory_space<vmem>>) semaphore(%arg9 : memref<!tpu.dma_semaphore, #tpu.memory_space<semaphore_mem>>)
    %add3A_96 = arith.constant 512 : i32
    %add3A_97 = arith.addi %mul3A_2, %add3A_96 : i32
    %dma_start3A_98 = arith.constant 0 : i32
    %dma_start3A_99 = tpu.memref_slice %arg4[%add3A_97, %dma_start3A_98] : memref<65536x384xf32, #tpu.memory_space<hbm>> -> memref<128x384xf32, #tpu.memory_space<hbm>>
    %dma_start3A_100 = arith.constant 0 : i32
    %dma_start3A_101 = tpu.memref_slice %arg4[%add3A_97, %dma_start3A_100] : memref<65536x384xf32, #tpu.memory_space<hbm>> -> memref<128x384xf32, #tpu.memory_space<hbm>>
    tpu.enqueue_dma source(%arg6 : memref<128x384xf32, #tpu.memory_space<vmem>>) target(%dma_start3A_101 : memref<128x384xf32, #tpu.memory_space<hbm>>) target_semaphore(%arg10 : memref<!tpu.dma_semaphore, #tpu.memory_space<semaphore_mem>>)
    %dma_wait3A_102 = arith.constant 640 : i32
    %dma_wait3A_103 = tpu.memref_slice %arg5[%dma_wait3A_102] : memref<2048xi32, #tpu.memory_space<vmem>> -> memref<128xi32, #tpu.memory_space<vmem>>
    %dma_wait3A_104 = arith.constant 0 : i32
    %dma_wait3A_105 = arith.constant 0 : i32
    %dma_wait3A_106 = tpu.memref_slice %arg3[%dma_wait3A_104, %dma_wait3A_105] : memref<66250x384xf32, #tpu.memory_space<hbm>> -> memref<66250x384xf32, #tpu.memory_space<hbm>>
    tpu.wait_indirect_dma semaphore(%arg9 : memref<!tpu.dma_semaphore, #tpu.memory_space<semaphore_mem>>) src(%dma_wait3A_106 : memref<66250x384xf32, #tpu.memory_space<hbm>>) dst(%arg7 : memref<128x384xf32, #tpu.memory_space<vmem>>)
    %dma_wait3A_107 = arith.constant 0 : i32
    %dma_wait3A_108 = tpu.memref_slice %arg4[%add3A_97, %dma_wait3A_107] : memref<65536x384xf32, #tpu.memory_space<hbm>> -> memref<128x384xf32, #tpu.memory_space<hbm>>
    %dma_wait3A_109 = arith.constant 0 : i32
    %dma_wait3A_110 = tpu.memref_slice %arg4[%add3A_97, %dma_wait3A_109] : memref<65536x384xf32, #tpu.memory_space<hbm>> -> memref<128x384xf32, #tpu.memory_space<hbm>>
    tpu.wait_dma2 semaphore(%arg10 : memref<!tpu.dma_semaphore, #tpu.memory_space<semaphore_mem>>) src(%arg6 : memref<128x384xf32, #tpu.memory_space<vmem>>) dst(%dma_wait3A_110 : memref<128x384xf32, #tpu.memory_space<hbm>>)
    %dma_start3A_111 = arith.constant 768 : i32
    %dma_start3A_112 = tpu.memref_slice %arg5[%dma_start3A_111] : memref<2048xi32, #tpu.memory_space<vmem>> -> memref<128xi32, #tpu.memory_space<vmem>>
    %dma_start3A_113 = arith.constant 0 : i32
    %dma_start3A_114 = arith.constant 0 : i32
    %dma_start3A_115 = tpu.memref_slice %arg3[%dma_start3A_113, %dma_start3A_114] : memref<66250x384xf32, #tpu.memory_space<hbm>> -> memref<66250x384xf32, #tpu.memory_space<hbm>>
    tpu.enqueue_indirect_dma source(%dma_start3A_115 : memref<66250x384xf32, #tpu.memory_space<hbm>>) target(%arg6 : memref<128x384xf32, #tpu.memory_space<vmem>>) offsets(%dma_start3A_112 : memref<128xi32, #tpu.memory_space<vmem>>) semaphore(%arg8 : memref<!tpu.dma_semaphore, #tpu.memory_space<semaphore_mem>>)
    %add3A_116 = arith.constant 640 : i32
    %add3A_117 = arith.addi %mul3A_2, %add3A_116 : i32
    %dma_start3A_118 = arith.constant 0 : i32
    %dma_start3A_119 = tpu.memref_slice %arg4[%add3A_117, %dma_start3A_118] : memref<65536x384xf32, #tpu.memory_space<hbm>> -> memref<128x384xf32, #tpu.memory_space<hbm>>
    %dma_start3A_120 = arith.constant 0 : i32
    %dma_start3A_121 = tpu.memref_slice %arg4[%add3A_117, %dma_start3A_120] : memref<65536x384xf32, #tpu.memory_space<hbm>> -> memref<128x384xf32, #tpu.memory_space<hbm>>
    tpu.enqueue_dma source(%arg7 : memref<128x384xf32, #tpu.memory_space<vmem>>) target(%dma_start3A_121 : memref<128x384xf32, #tpu.memory_space<hbm>>) target_semaphore(%arg11 : memref<!tpu.dma_semaphore, #tpu.memory_space<semaphore_mem>>)
    %dma_wait3A_122 = arith.constant 768 : i32
    %dma_wait3A_123 = tpu.memref_slice %arg5[%dma_wait3A_122] : memref<2048xi32, #tpu.memory_space<vmem>> -> memref<128xi32, #tpu.memory_space<vmem>>
    %dma_wait3A_124 = arith.constant 0 : i32
    %dma_wait3A_125 = arith.constant 0 : i32
    %dma_wait3A_126 = tpu.memref_slice %arg3[%dma_wait3A_124, %dma_wait3A_125] : memref<66250x384xf32, #tpu.memory_space<hbm>> -> memref<66250x384xf32, #tpu.memory_space<hbm>>
    tpu.wait_indirect_dma semaphore(%arg8 : memref<!tpu.dma_semaphore, #tpu.memory_space<semaphore_mem>>) src(%dma_wait3A_126 : memref<66250x384xf32, #tpu.memory_space<hbm>>) dst(%arg6 : memref<128x384xf32, #tpu.memory_space<vmem>>)
    %dma_wait3A_127 = arith.constant 0 : i32
    %dma_wait3A_128 = tpu.memref_slice %arg4[%add3A_117, %dma_wait3A_127] : memref<65536x384xf32, #tpu.memory_space<hbm>> -> memref<128x384xf32, #tpu.memory_space<hbm>>
    %dma_wait3A_129 = arith.constant 0 : i32
    %dma_wait3A_130 = tpu.memref_slice %arg4[%add3A_117, %dma_wait3A_129] : memref<65536x384xf32, #tpu.memory_space<hbm>> -> memref<128x384xf32, #tpu.memory_space<hbm>>
    tpu.wait_dma2 semaphore(%arg11 : memref<!tpu.dma_semaphore, #tpu.memory_space<semaphore_mem>>) src(%arg7 : memref<128x384xf32, #tpu.memory_space<vmem>>) dst(%dma_wait3A_130 : memref<128x384xf32, #tpu.memory_space<hbm>>)
    %dma_start3A_131 = arith.constant 896 : i32
    %dma_start3A_132 = tpu.memref_slice %arg5[%dma_start3A_131] : memref<2048xi32, #tpu.memory_space<vmem>> -> memref<128xi32, #tpu.memory_space<vmem>>
    %dma_start3A_133 = arith.constant 0 : i32
    %dma_start3A_134 = arith.constant 0 : i32
    %dma_start3A_135 = tpu.memref_slice %arg3[%dma_start3A_133, %dma_start3A_134] : memref<66250x384xf32, #tpu.memory_space<hbm>> -> memref<66250x384xf32, #tpu.memory_space<hbm>>
    tpu.enqueue_indirect_dma source(%dma_start3A_135 : memref<66250x384xf32, #tpu.memory_space<hbm>>) target(%arg7 : memref<128x384xf32, #tpu.memory_space<vmem>>) offsets(%dma_start3A_132 : memref<128xi32, #tpu.memory_space<vmem>>) semaphore(%arg9 : memref<!tpu.dma_semaphore, #tpu.memory_space<semaphore_mem>>)
    %add3A_136 = arith.constant 768 : i32
    %add3A_137 = arith.addi %mul3A_2, %add3A_136 : i32
    %dma_start3A_138 = arith.constant 0 : i32
    %dma_start3A_139 = tpu.memref_slice %arg4[%add3A_137, %dma_start3A_138] : memref<65536x384xf32, #tpu.memory_space<hbm>> -> memref<128x384xf32, #tpu.memory_space<hbm>>
    %dma_start3A_140 = arith.constant 0 : i32
    %dma_start3A_141 = tpu.memref_slice %arg4[%add3A_137, %dma_start3A_140] : memref<65536x384xf32, #tpu.memory_space<hbm>> -> memref<128x384xf32, #tpu.memory_space<hbm>>
    tpu.enqueue_dma source(%arg6 : memref<128x384xf32, #tpu.memory_space<vmem>>) target(%dma_start3A_141 : memref<128x384xf32, #tpu.memory_space<hbm>>) target_semaphore(%arg10 : memref<!tpu.dma_semaphore, #tpu.memory_space<semaphore_mem>>)
    %dma_wait3A_142 = arith.constant 896 : i32
    %dma_wait3A_143 = tpu.memref_slice %arg5[%dma_wait3A_142] : memref<2048xi32, #tpu.memory_space<vmem>> -> memref<128xi32, #tpu.memory_space<vmem>>
    %dma_wait3A_144 = arith.constant 0 : i32
    %dma_wait3A_145 = arith.constant 0 : i32
    %dma_wait3A_146 = tpu.memref_slice %arg3[%dma_wait3A_144, %dma_wait3A_145] : memref<66250x384xf32, #tpu.memory_space<hbm>> -> memref<66250x384xf32, #tpu.memory_space<hbm>>
    tpu.wait_indirect_dma semaphore(%arg9 : memref<!tpu.dma_semaphore, #tpu.memory_space<semaphore_mem>>) src(%dma_wait3A_146 : memref<66250x384xf32, #tpu.memory_space<hbm>>) dst(%arg7 : memref<128x384xf32, #tpu.memory_space<vmem>>)
    %dma_wait3A_147 = arith.constant 0 : i32
    %dma_wait3A_148 = tpu.memref_slice %arg4[%add3A_137, %dma_wait3A_147] : memref<65536x384xf32, #tpu.memory_space<hbm>> -> memref<128x384xf32, #tpu.memory_space<hbm>>
    %dma_wait3A_149 = arith.constant 0 : i32
    %dma_wait3A_150 = tpu.memref_slice %arg4[%add3A_137, %dma_wait3A_149] : memref<65536x384xf32, #tpu.memory_space<hbm>> -> memref<128x384xf32, #tpu.memory_space<hbm>>
    tpu.wait_dma2 semaphore(%arg10 : memref<!tpu.dma_semaphore, #tpu.memory_space<semaphore_mem>>) src(%arg6 : memref<128x384xf32, #tpu.memory_space<vmem>>) dst(%dma_wait3A_150 : memref<128x384xf32, #tpu.memory_space<hbm>>)
    %dma_start3A_151 = arith.constant 1024 : i32
    %dma_start3A_152 = tpu.memref_slice %arg5[%dma_start3A_151] : memref<2048xi32, #tpu.memory_space<vmem>> -> memref<128xi32, #tpu.memory_space<vmem>>
    %dma_start3A_153 = arith.constant 0 : i32
    %dma_start3A_154 = arith.constant 0 : i32
    %dma_start3A_155 = tpu.memref_slice %arg3[%dma_start3A_153, %dma_start3A_154] : memref<66250x384xf32, #tpu.memory_space<hbm>> -> memref<66250x384xf32, #tpu.memory_space<hbm>>
    tpu.enqueue_indirect_dma source(%dma_start3A_155 : memref<66250x384xf32, #tpu.memory_space<hbm>>) target(%arg6 : memref<128x384xf32, #tpu.memory_space<vmem>>) offsets(%dma_start3A_152 : memref<128xi32, #tpu.memory_space<vmem>>) semaphore(%arg8 : memref<!tpu.dma_semaphore, #tpu.memory_space<semaphore_mem>>)
    %add3A_156 = arith.constant 896 : i32
    %add3A_157 = arith.addi %mul3A_2, %add3A_156 : i32
    %dma_start3A_158 = arith.constant 0 : i32
    %dma_start3A_159 = tpu.memref_slice %arg4[%add3A_157, %dma_start3A_158] : memref<65536x384xf32, #tpu.memory_space<hbm>> -> memref<128x384xf32, #tpu.memory_space<hbm>>
    %dma_start3A_160 = arith.constant 0 : i32
    %dma_start3A_161 = tpu.memref_slice %arg4[%add3A_157, %dma_start3A_160] : memref<65536x384xf32, #tpu.memory_space<hbm>> -> memref<128x384xf32, #tpu.memory_space<hbm>>
    tpu.enqueue_dma source(%arg7 : memref<128x384xf32, #tpu.memory_space<vmem>>) target(%dma_start3A_161 : memref<128x384xf32, #tpu.memory_space<hbm>>) target_semaphore(%arg11 : memref<!tpu.dma_semaphore, #tpu.memory_space<semaphore_mem>>)
    %dma_wait3A_162 = arith.constant 1024 : i32
    %dma_wait3A_163 = tpu.memref_slice %arg5[%dma_wait3A_162] : memref<2048xi32, #tpu.memory_space<vmem>> -> memref<128xi32, #tpu.memory_space<vmem>>
    %dma_wait3A_164 = arith.constant 0 : i32
    %dma_wait3A_165 = arith.constant 0 : i32
    %dma_wait3A_166 = tpu.memref_slice %arg3[%dma_wait3A_164, %dma_wait3A_165] : memref<66250x384xf32, #tpu.memory_space<hbm>> -> memref<66250x384xf32, #tpu.memory_space<hbm>>
    tpu.wait_indirect_dma semaphore(%arg8 : memref<!tpu.dma_semaphore, #tpu.memory_space<semaphore_mem>>) src(%dma_wait3A_166 : memref<66250x384xf32, #tpu.memory_space<hbm>>) dst(%arg6 : memref<128x384xf32, #tpu.memory_space<vmem>>)
    %dma_wait3A_167 = arith.constant 0 : i32
    %dma_wait3A_168 = tpu.memref_slice %arg4[%add3A_157, %dma_wait3A_167] : memref<65536x384xf32, #tpu.memory_space<hbm>> -> memref<128x384xf32, #tpu.memory_space<hbm>>
    %dma_wait3A_169 = arith.constant 0 : i32
    %dma_wait3A_170 = tpu.memref_slice %arg4[%add3A_157, %dma_wait3A_169] : memref<65536x384xf32, #tpu.memory_space<hbm>> -> memref<128x384xf32, #tpu.memory_space<hbm>>
    tpu.wait_dma2 semaphore(%arg11 : memref<!tpu.dma_semaphore, #tpu.memory_space<semaphore_mem>>) src(%arg7 : memref<128x384xf32, #tpu.memory_space<vmem>>) dst(%dma_wait3A_170 : memref<128x384xf32, #tpu.memory_space<hbm>>)
    %dma_start3A_171 = arith.constant 1152 : i32
    %dma_start3A_172 = tpu.memref_slice %arg5[%dma_start3A_171] : memref<2048xi32, #tpu.memory_space<vmem>> -> memref<128xi32, #tpu.memory_space<vmem>>
    %dma_start3A_173 = arith.constant 0 : i32
    %dma_start3A_174 = arith.constant 0 : i32
    %dma_start3A_175 = tpu.memref_slice %arg3[%dma_start3A_173, %dma_start3A_174] : memref<66250x384xf32, #tpu.memory_space<hbm>> -> memref<66250x384xf32, #tpu.memory_space<hbm>>
    tpu.enqueue_indirect_dma source(%dma_start3A_175 : memref<66250x384xf32, #tpu.memory_space<hbm>>) target(%arg7 : memref<128x384xf32, #tpu.memory_space<vmem>>) offsets(%dma_start3A_172 : memref<128xi32, #tpu.memory_space<vmem>>) semaphore(%arg9 : memref<!tpu.dma_semaphore, #tpu.memory_space<semaphore_mem>>)
    %add3A_176 = arith.constant 1024 : i32
    %add3A_177 = arith.addi %mul3A_2, %add3A_176 : i32
    %dma_start3A_178 = arith.constant 0 : i32
    %dma_start3A_179 = tpu.memref_slice %arg4[%add3A_177, %dma_start3A_178] : memref<65536x384xf32, #tpu.memory_space<hbm>> -> memref<128x384xf32, #tpu.memory_space<hbm>>
    %dma_start3A_180 = arith.constant 0 : i32
    %dma_start3A_181 = tpu.memref_slice %arg4[%add3A_177, %dma_start3A_180] : memref<65536x384xf32, #tpu.memory_space<hbm>> -> memref<128x384xf32, #tpu.memory_space<hbm>>
    tpu.enqueue_dma source(%arg6 : memref<128x384xf32, #tpu.memory_space<vmem>>) target(%dma_start3A_181 : memref<128x384xf32, #tpu.memory_space<hbm>>) target_semaphore(%arg10 : memref<!tpu.dma_semaphore, #tpu.memory_space<semaphore_mem>>)
    %dma_wait3A_182 = arith.constant 1152 : i32
    %dma_wait3A_183 = tpu.memref_slice %arg5[%dma_wait3A_182] : memref<2048xi32, #tpu.memory_space<vmem>> -> memref<128xi32, #tpu.memory_space<vmem>>
    %dma_wait3A_184 = arith.constant 0 : i32
    %dma_wait3A_185 = arith.constant 0 : i32
    %dma_wait3A_186 = tpu.memref_slice %arg3[%dma_wait3A_184, %dma_wait3A_185] : memref<66250x384xf32, #tpu.memory_space<hbm>> -> memref<66250x384xf32, #tpu.memory_space<hbm>>
    tpu.wait_indirect_dma semaphore(%arg9 : memref<!tpu.dma_semaphore, #tpu.memory_space<semaphore_mem>>) src(%dma_wait3A_186 : memref<66250x384xf32, #tpu.memory_space<hbm>>) dst(%arg7 : memref<128x384xf32, #tpu.memory_space<vmem>>)
    %dma_wait3A_187 = arith.constant 0 : i32
    %dma_wait3A_188 = tpu.memref_slice %arg4[%add3A_177, %dma_wait3A_187] : memref<65536x384xf32, #tpu.memory_space<hbm>> -> memref<128x384xf32, #tpu.memory_space<hbm>>
    %dma_wait3A_189 = arith.constant 0 : i32
    %dma_wait3A_190 = tpu.memref_slice %arg4[%add3A_177, %dma_wait3A_189] : memref<65536x384xf32, #tpu.memory_space<hbm>> -> memref<128x384xf32, #tpu.memory_space<hbm>>
    tpu.wait_dma2 semaphore(%arg10 : memref<!tpu.dma_semaphore, #tpu.memory_space<semaphore_mem>>) src(%arg6 : memref<128x384xf32, #tpu.memory_space<vmem>>) dst(%dma_wait3A_190 : memref<128x384xf32, #tpu.memory_space<hbm>>)
    %dma_start3A_191 = arith.constant 1280 : i32
    %dma_start3A_192 = tpu.memref_slice %arg5[%dma_start3A_191] : memref<2048xi32, #tpu.memory_space<vmem>> -> memref<128xi32, #tpu.memory_space<vmem>>
    %dma_start3A_193 = arith.constant 0 : i32
    %dma_start3A_194 = arith.constant 0 : i32
    %dma_start3A_195 = tpu.memref_slice %arg3[%dma_start3A_193, %dma_start3A_194] : memref<66250x384xf32, #tpu.memory_space<hbm>> -> memref<66250x384xf32, #tpu.memory_space<hbm>>
    tpu.enqueue_indirect_dma source(%dma_start3A_195 : memref<66250x384xf32, #tpu.memory_space<hbm>>) target(%arg6 : memref<128x384xf32, #tpu.memory_space<vmem>>) offsets(%dma_start3A_192 : memref<128xi32, #tpu.memory_space<vmem>>) semaphore(%arg8 : memref<!tpu.dma_semaphore, #tpu.memory_space<semaphore_mem>>)
    %add3A_196 = arith.constant 1152 : i32
    %add3A_197 = arith.addi %mul3A_2, %add3A_196 : i32
    %dma_start3A_198 = arith.constant 0 : i32
    %dma_start3A_199 = tpu.memref_slice %arg4[%add3A_197, %dma_start3A_198] : memref<65536x384xf32, #tpu.memory_space<hbm>> -> memref<128x384xf32, #tpu.memory_space<hbm>>
    %dma_start3A_200 = arith.constant 0 : i32
    %dma_start3A_201 = tpu.memref_slice %arg4[%add3A_197, %dma_start3A_200] : memref<65536x384xf32, #tpu.memory_space<hbm>> -> memref<128x384xf32, #tpu.memory_space<hbm>>
    tpu.enqueue_dma source(%arg7 : memref<128x384xf32, #tpu.memory_space<vmem>>) target(%dma_start3A_201 : memref<128x384xf32, #tpu.memory_space<hbm>>) target_semaphore(%arg11 : memref<!tpu.dma_semaphore, #tpu.memory_space<semaphore_mem>>)
    %dma_wait3A_202 = arith.constant 1280 : i32
    %dma_wait3A_203 = tpu.memref_slice %arg5[%dma_wait3A_202] : memref<2048xi32, #tpu.memory_space<vmem>> -> memref<128xi32, #tpu.memory_space<vmem>>
    %dma_wait3A_204 = arith.constant 0 : i32
    %dma_wait3A_205 = arith.constant 0 : i32
    %dma_wait3A_206 = tpu.memref_slice %arg3[%dma_wait3A_204, %dma_wait3A_205] : memref<66250x384xf32, #tpu.memory_space<hbm>> -> memref<66250x384xf32, #tpu.memory_space<hbm>>
    tpu.wait_indirect_dma semaphore(%arg8 : memref<!tpu.dma_semaphore, #tpu.memory_space<semaphore_mem>>) src(%dma_wait3A_206 : memref<66250x384xf32, #tpu.memory_space<hbm>>) dst(%arg6 : memref<128x384xf32, #tpu.memory_space<vmem>>)
    %dma_wait3A_207 = arith.constant 0 : i32
    %dma_wait3A_208 = tpu.memref_slice %arg4[%add3A_197, %dma_wait3A_207] : memref<65536x384xf32, #tpu.memory_space<hbm>> -> memref<128x384xf32, #tpu.memory_space<hbm>>
    %dma_wait3A_209 = arith.constant 0 : i32
    %dma_wait3A_210 = tpu.memref_slice %arg4[%add3A_197, %dma_wait3A_209] : memref<65536x384xf32, #tpu.memory_space<hbm>> -> memref<128x384xf32, #tpu.memory_space<hbm>>
    tpu.wait_dma2 semaphore(%arg11 : memref<!tpu.dma_semaphore, #tpu.memory_space<semaphore_mem>>) src(%arg7 : memref<128x384xf32, #tpu.memory_space<vmem>>) dst(%dma_wait3A_210 : memref<128x384xf32, #tpu.memory_space<hbm>>)
    %dma_start3A_211 = arith.constant 1408 : i32
    %dma_start3A_212 = tpu.memref_slice %arg5[%dma_start3A_211] : memref<2048xi32, #tpu.memory_space<vmem>> -> memref<128xi32, #tpu.memory_space<vmem>>
    %dma_start3A_213 = arith.constant 0 : i32
    %dma_start3A_214 = arith.constant 0 : i32
    %dma_start3A_215 = tpu.memref_slice %arg3[%dma_start3A_213, %dma_start3A_214] : memref<66250x384xf32, #tpu.memory_space<hbm>> -> memref<66250x384xf32, #tpu.memory_space<hbm>>
    tpu.enqueue_indirect_dma source(%dma_start3A_215 : memref<66250x384xf32, #tpu.memory_space<hbm>>) target(%arg7 : memref<128x384xf32, #tpu.memory_space<vmem>>) offsets(%dma_start3A_212 : memref<128xi32, #tpu.memory_space<vmem>>) semaphore(%arg9 : memref<!tpu.dma_semaphore, #tpu.memory_space<semaphore_mem>>)
    %add3A_216 = arith.constant 1280 : i32
    %add3A_217 = arith.addi %mul3A_2, %add3A_216 : i32
    %dma_start3A_218 = arith.constant 0 : i32
    %dma_start3A_219 = tpu.memref_slice %arg4[%add3A_217, %dma_start3A_218] : memref<65536x384xf32, #tpu.memory_space<hbm>> -> memref<128x384xf32, #tpu.memory_space<hbm>>
    %dma_start3A_220 = arith.constant 0 : i32
    %dma_start3A_221 = tpu.memref_slice %arg4[%add3A_217, %dma_start3A_220] : memref<65536x384xf32, #tpu.memory_space<hbm>> -> memref<128x384xf32, #tpu.memory_space<hbm>>
    tpu.enqueue_dma source(%arg6 : memref<128x384xf32, #tpu.memory_space<vmem>>) target(%dma_start3A_221 : memref<128x384xf32, #tpu.memory_space<hbm>>) target_semaphore(%arg10 : memref<!tpu.dma_semaphore, #tpu.memory_space<semaphore_mem>>)
    %dma_wait3A_222 = arith.constant 1408 : i32
    %dma_wait3A_223 = tpu.memref_slice %arg5[%dma_wait3A_222] : memref<2048xi32, #tpu.memory_space<vmem>> -> memref<128xi32, #tpu.memory_space<vmem>>
    %dma_wait3A_224 = arith.constant 0 : i32
    %dma_wait3A_225 = arith.constant 0 : i32
    %dma_wait3A_226 = tpu.memref_slice %arg3[%dma_wait3A_224, %dma_wait3A_225] : memref<66250x384xf32, #tpu.memory_space<hbm>> -> memref<66250x384xf32, #tpu.memory_space<hbm>>
    tpu.wait_indirect_dma semaphore(%arg9 : memref<!tpu.dma_semaphore, #tpu.memory_space<semaphore_mem>>) src(%dma_wait3A_226 : memref<66250x384xf32, #tpu.memory_space<hbm>>) dst(%arg7 : memref<128x384xf32, #tpu.memory_space<vmem>>)
    %dma_wait3A_227 = arith.constant 0 : i32
    %dma_wait3A_228 = tpu.memref_slice %arg4[%add3A_217, %dma_wait3A_227] : memref<65536x384xf32, #tpu.memory_space<hbm>> -> memref<128x384xf32, #tpu.memory_space<hbm>>
    %dma_wait3A_229 = arith.constant 0 : i32
    %dma_wait3A_230 = tpu.memref_slice %arg4[%add3A_217, %dma_wait3A_229] : memref<65536x384xf32, #tpu.memory_space<hbm>> -> memref<128x384xf32, #tpu.memory_space<hbm>>
    tpu.wait_dma2 semaphore(%arg10 : memref<!tpu.dma_semaphore, #tpu.memory_space<semaphore_mem>>) src(%arg6 : memref<128x384xf32, #tpu.memory_space<vmem>>) dst(%dma_wait3A_230 : memref<128x384xf32, #tpu.memory_space<hbm>>)
    %dma_start3A_231 = arith.constant 1536 : i32
    %dma_start3A_232 = tpu.memref_slice %arg5[%dma_start3A_231] : memref<2048xi32, #tpu.memory_space<vmem>> -> memref<128xi32, #tpu.memory_space<vmem>>
    %dma_start3A_233 = arith.constant 0 : i32
    %dma_start3A_234 = arith.constant 0 : i32
    %dma_start3A_235 = tpu.memref_slice %arg3[%dma_start3A_233, %dma_start3A_234] : memref<66250x384xf32, #tpu.memory_space<hbm>> -> memref<66250x384xf32, #tpu.memory_space<hbm>>
    tpu.enqueue_indirect_dma source(%dma_start3A_235 : memref<66250x384xf32, #tpu.memory_space<hbm>>) target(%arg6 : memref<128x384xf32, #tpu.memory_space<vmem>>) offsets(%dma_start3A_232 : memref<128xi32, #tpu.memory_space<vmem>>) semaphore(%arg8 : memref<!tpu.dma_semaphore, #tpu.memory_space<semaphore_mem>>)
    %add3A_236 = arith.constant 1408 : i32
    %add3A_237 = arith.addi %mul3A_2, %add3A_236 : i32
    %dma_start3A_238 = arith.constant 0 : i32
    %dma_start3A_239 = tpu.memref_slice %arg4[%add3A_237, %dma_start3A_238] : memref<65536x384xf32, #tpu.memory_space<hbm>> -> memref<128x384xf32, #tpu.memory_space<hbm>>
    %dma_start3A_240 = arith.constant 0 : i32
    %dma_start3A_241 = tpu.memref_slice %arg4[%add3A_237, %dma_start3A_240] : memref<65536x384xf32, #tpu.memory_space<hbm>> -> memref<128x384xf32, #tpu.memory_space<hbm>>
    tpu.enqueue_dma source(%arg7 : memref<128x384xf32, #tpu.memory_space<vmem>>) target(%dma_start3A_241 : memref<128x384xf32, #tpu.memory_space<hbm>>) target_semaphore(%arg11 : memref<!tpu.dma_semaphore, #tpu.memory_space<semaphore_mem>>)
    %dma_wait3A_242 = arith.constant 1536 : i32
    %dma_wait3A_243 = tpu.memref_slice %arg5[%dma_wait3A_242] : memref<2048xi32, #tpu.memory_space<vmem>> -> memref<128xi32, #tpu.memory_space<vmem>>
    %dma_wait3A_244 = arith.constant 0 : i32
    %dma_wait3A_245 = arith.constant 0 : i32
    %dma_wait3A_246 = tpu.memref_slice %arg3[%dma_wait3A_244, %dma_wait3A_245] : memref<66250x384xf32, #tpu.memory_space<hbm>> -> memref<66250x384xf32, #tpu.memory_space<hbm>>
    tpu.wait_indirect_dma semaphore(%arg8 : memref<!tpu.dma_semaphore, #tpu.memory_space<semaphore_mem>>) src(%dma_wait3A_246 : memref<66250x384xf32, #tpu.memory_space<hbm>>) dst(%arg6 : memref<128x384xf32, #tpu.memory_space<vmem>>)
    %dma_wait3A_247 = arith.constant 0 : i32
    %dma_wait3A_248 = tpu.memref_slice %arg4[%add3A_237, %dma_wait3A_247] : memref<65536x384xf32, #tpu.memory_space<hbm>> -> memref<128x384xf32, #tpu.memory_space<hbm>>
    %dma_wait3A_249 = arith.constant 0 : i32
    %dma_wait3A_250 = tpu.memref_slice %arg4[%add3A_237, %dma_wait3A_249] : memref<65536x384xf32, #tpu.memory_space<hbm>> -> memref<128x384xf32, #tpu.memory_space<hbm>>
    tpu.wait_dma2 semaphore(%arg11 : memref<!tpu.dma_semaphore, #tpu.memory_space<semaphore_mem>>) src(%arg7 : memref<128x384xf32, #tpu.memory_space<vmem>>) dst(%dma_wait3A_250 : memref<128x384xf32, #tpu.memory_space<hbm>>)
    %dma_start3A_251 = arith.constant 1664 : i32
    %dma_start3A_252 = tpu.memref_slice %arg5[%dma_start3A_251] : memref<2048xi32, #tpu.memory_space<vmem>> -> memref<128xi32, #tpu.memory_space<vmem>>
    %dma_start3A_253 = arith.constant 0 : i32
    %dma_start3A_254 = arith.constant 0 : i32
    %dma_start3A_255 = tpu.memref_slice %arg3[%dma_start3A_253, %dma_start3A_254] : memref<66250x384xf32, #tpu.memory_space<hbm>> -> memref<66250x384xf32, #tpu.memory_space<hbm>>
    tpu.enqueue_indirect_dma source(%dma_start3A_255 : memref<66250x384xf32, #tpu.memory_space<hbm>>) target(%arg7 : memref<128x384xf32, #tpu.memory_space<vmem>>) offsets(%dma_start3A_252 : memref<128xi32, #tpu.memory_space<vmem>>) semaphore(%arg9 : memref<!tpu.dma_semaphore, #tpu.memory_space<semaphore_mem>>)
    %add3A_256 = arith.constant 1536 : i32
    %add3A_257 = arith.addi %mul3A_2, %add3A_256 : i32
    %dma_start3A_258 = arith.constant 0 : i32
    %dma_start3A_259 = tpu.memref_slice %arg4[%add3A_257, %dma_start3A_258] : memref<65536x384xf32, #tpu.memory_space<hbm>> -> memref<128x384xf32, #tpu.memory_space<hbm>>
    %dma_start3A_260 = arith.constant 0 : i32
    %dma_start3A_261 = tpu.memref_slice %arg4[%add3A_257, %dma_start3A_260] : memref<65536x384xf32, #tpu.memory_space<hbm>> -> memref<128x384xf32, #tpu.memory_space<hbm>>
    tpu.enqueue_dma source(%arg6 : memref<128x384xf32, #tpu.memory_space<vmem>>) target(%dma_start3A_261 : memref<128x384xf32, #tpu.memory_space<hbm>>) target_semaphore(%arg10 : memref<!tpu.dma_semaphore, #tpu.memory_space<semaphore_mem>>)
    %dma_wait3A_262 = arith.constant 1664 : i32
    %dma_wait3A_263 = tpu.memref_slice %arg5[%dma_wait3A_262] : memref<2048xi32, #tpu.memory_space<vmem>> -> memref<128xi32, #tpu.memory_space<vmem>>
    %dma_wait3A_264 = arith.constant 0 : i32
    %dma_wait3A_265 = arith.constant 0 : i32
    %dma_wait3A_266 = tpu.memref_slice %arg3[%dma_wait3A_264, %dma_wait3A_265] : memref<66250x384xf32, #tpu.memory_space<hbm>> -> memref<66250x384xf32, #tpu.memory_space<hbm>>
    tpu.wait_indirect_dma semaphore(%arg9 : memref<!tpu.dma_semaphore, #tpu.memory_space<semaphore_mem>>) src(%dma_wait3A_266 : memref<66250x384xf32, #tpu.memory_space<hbm>>) dst(%arg7 : memref<128x384xf32, #tpu.memory_space<vmem>>)
    %dma_wait3A_267 = arith.constant 0 : i32
    %dma_wait3A_268 = tpu.memref_slice %arg4[%add3A_257, %dma_wait3A_267] : memref<65536x384xf32, #tpu.memory_space<hbm>> -> memref<128x384xf32, #tpu.memory_space<hbm>>
    %dma_wait3A_269 = arith.constant 0 : i32
    %dma_wait3A_270 = tpu.memref_slice %arg4[%add3A_257, %dma_wait3A_269] : memref<65536x384xf32, #tpu.memory_space<hbm>> -> memref<128x384xf32, #tpu.memory_space<hbm>>
    tpu.wait_dma2 semaphore(%arg10 : memref<!tpu.dma_semaphore, #tpu.memory_space<semaphore_mem>>) src(%arg6 : memref<128x384xf32, #tpu.memory_space<vmem>>) dst(%dma_wait3A_270 : memref<128x384xf32, #tpu.memory_space<hbm>>)
    %dma_start3A_271 = arith.constant 1792 : i32
    %dma_start3A_272 = tpu.memref_slice %arg5[%dma_start3A_271] : memref<2048xi32, #tpu.memory_space<vmem>> -> memref<128xi32, #tpu.memory_space<vmem>>
    %dma_start3A_273 = arith.constant 0 : i32
    %dma_start3A_274 = arith.constant 0 : i32
    %dma_start3A_275 = tpu.memref_slice %arg3[%dma_start3A_273, %dma_start3A_274] : memref<66250x384xf32, #tpu.memory_space<hbm>> -> memref<66250x384xf32, #tpu.memory_space<hbm>>
    tpu.enqueue_indirect_dma source(%dma_start3A_275 : memref<66250x384xf32, #tpu.memory_space<hbm>>) target(%arg6 : memref<128x384xf32, #tpu.memory_space<vmem>>) offsets(%dma_start3A_272 : memref<128xi32, #tpu.memory_space<vmem>>) semaphore(%arg8 : memref<!tpu.dma_semaphore, #tpu.memory_space<semaphore_mem>>)
    %add3A_276 = arith.constant 1664 : i32
    %add3A_277 = arith.addi %mul3A_2, %add3A_276 : i32
    %dma_start3A_278 = arith.constant 0 : i32
    %dma_start3A_279 = tpu.memref_slice %arg4[%add3A_277, %dma_start3A_278] : memref<65536x384xf32, #tpu.memory_space<hbm>> -> memref<128x384xf32, #tpu.memory_space<hbm>>
    %dma_start3A_280 = arith.constant 0 : i32
    %dma_start3A_281 = tpu.memref_slice %arg4[%add3A_277, %dma_start3A_280] : memref<65536x384xf32, #tpu.memory_space<hbm>> -> memref<128x384xf32, #tpu.memory_space<hbm>>
    tpu.enqueue_dma source(%arg7 : memref<128x384xf32, #tpu.memory_space<vmem>>) target(%dma_start3A_281 : memref<128x384xf32, #tpu.memory_space<hbm>>) target_semaphore(%arg11 : memref<!tpu.dma_semaphore, #tpu.memory_space<semaphore_mem>>)
    %dma_wait3A_282 = arith.constant 1792 : i32
    %dma_wait3A_283 = tpu.memref_slice %arg5[%dma_wait3A_282] : memref<2048xi32, #tpu.memory_space<vmem>> -> memref<128xi32, #tpu.memory_space<vmem>>
    %dma_wait3A_284 = arith.constant 0 : i32
    %dma_wait3A_285 = arith.constant 0 : i32
    %dma_wait3A_286 = tpu.memref_slice %arg3[%dma_wait3A_284, %dma_wait3A_285] : memref<66250x384xf32, #tpu.memory_space<hbm>> -> memref<66250x384xf32, #tpu.memory_space<hbm>>
    tpu.wait_indirect_dma semaphore(%arg8 : memref<!tpu.dma_semaphore, #tpu.memory_space<semaphore_mem>>) src(%dma_wait3A_286 : memref<66250x384xf32, #tpu.memory_space<hbm>>) dst(%arg6 : memref<128x384xf32, #tpu.memory_space<vmem>>)
    %dma_wait3A_287 = arith.constant 0 : i32
    %dma_wait3A_288 = tpu.memref_slice %arg4[%add3A_277, %dma_wait3A_287] : memref<65536x384xf32, #tpu.memory_space<hbm>> -> memref<128x384xf32, #tpu.memory_space<hbm>>
    %dma_wait3A_289 = arith.constant 0 : i32
    %dma_wait3A_290 = tpu.memref_slice %arg4[%add3A_277, %dma_wait3A_289] : memref<65536x384xf32, #tpu.memory_space<hbm>> -> memref<128x384xf32, #tpu.memory_space<hbm>>
    tpu.wait_dma2 semaphore(%arg11 : memref<!tpu.dma_semaphore, #tpu.memory_space<semaphore_mem>>) src(%arg7 : memref<128x384xf32, #tpu.memory_space<vmem>>) dst(%dma_wait3A_290 : memref<128x384xf32, #tpu.memory_space<hbm>>)
    %dma_start3A_291 = arith.constant 1920 : i32
    %dma_start3A_292 = tpu.memref_slice %arg5[%dma_start3A_291] : memref<2048xi32, #tpu.memory_space<vmem>> -> memref<128xi32, #tpu.memory_space<vmem>>
    %dma_start3A_293 = arith.constant 0 : i32
    %dma_start3A_294 = arith.constant 0 : i32
    %dma_start3A_295 = tpu.memref_slice %arg3[%dma_start3A_293, %dma_start3A_294] : memref<66250x384xf32, #tpu.memory_space<hbm>> -> memref<66250x384xf32, #tpu.memory_space<hbm>>
    tpu.enqueue_indirect_dma source(%dma_start3A_295 : memref<66250x384xf32, #tpu.memory_space<hbm>>) target(%arg7 : memref<128x384xf32, #tpu.memory_space<vmem>>) offsets(%dma_start3A_292 : memref<128xi32, #tpu.memory_space<vmem>>) semaphore(%arg9 : memref<!tpu.dma_semaphore, #tpu.memory_space<semaphore_mem>>)
    %add3A_296 = arith.constant 1792 : i32
    %add3A_297 = arith.addi %mul3A_2, %add3A_296 : i32
    %dma_start3A_298 = arith.constant 0 : i32
    %dma_start3A_299 = tpu.memref_slice %arg4[%add3A_297, %dma_start3A_298] : memref<65536x384xf32, #tpu.memory_space<hbm>> -> memref<128x384xf32, #tpu.memory_space<hbm>>
    %dma_start3A_300 = arith.constant 0 : i32
    %dma_start3A_301 = tpu.memref_slice %arg4[%add3A_297, %dma_start3A_300] : memref<65536x384xf32, #tpu.memory_space<hbm>> -> memref<128x384xf32, #tpu.memory_space<hbm>>
    tpu.enqueue_dma source(%arg6 : memref<128x384xf32, #tpu.memory_space<vmem>>) target(%dma_start3A_301 : memref<128x384xf32, #tpu.memory_space<hbm>>) target_semaphore(%arg10 : memref<!tpu.dma_semaphore, #tpu.memory_space<semaphore_mem>>)
    %dma_wait3A_302 = arith.constant 1920 : i32
    %dma_wait3A_303 = tpu.memref_slice %arg5[%dma_wait3A_302] : memref<2048xi32, #tpu.memory_space<vmem>> -> memref<128xi32, #tpu.memory_space<vmem>>
    %dma_wait3A_304 = arith.constant 0 : i32
    %dma_wait3A_305 = arith.constant 0 : i32
    %dma_wait3A_306 = tpu.memref_slice %arg3[%dma_wait3A_304, %dma_wait3A_305] : memref<66250x384xf32, #tpu.memory_space<hbm>> -> memref<66250x384xf32, #tpu.memory_space<hbm>>
    tpu.wait_indirect_dma semaphore(%arg9 : memref<!tpu.dma_semaphore, #tpu.memory_space<semaphore_mem>>) src(%dma_wait3A_306 : memref<66250x384xf32, #tpu.memory_space<hbm>>) dst(%arg7 : memref<128x384xf32, #tpu.memory_space<vmem>>)
    %add3A_307 = arith.constant 1920 : i32
    %add3A_308 = arith.addi %mul3A_2, %add3A_307 : i32
    %dma_start3A_309 = arith.constant 0 : i32
    %dma_start3A_310 = tpu.memref_slice %arg4[%add3A_308, %dma_start3A_309] : memref<65536x384xf32, #tpu.memory_space<hbm>> -> memref<128x384xf32, #tpu.memory_space<hbm>>
    %dma_start3A_311 = arith.constant 0 : i32
    %dma_start3A_312 = tpu.memref_slice %arg4[%add3A_308, %dma_start3A_311] : memref<65536x384xf32, #tpu.memory_space<hbm>> -> memref<128x384xf32, #tpu.memory_space<hbm>>
    tpu.enqueue_dma source(%arg7 : memref<128x384xf32, #tpu.memory_space<vmem>>) target(%dma_start3A_312 : memref<128x384xf32, #tpu.memory_space<hbm>>) target_semaphore(%arg11 : memref<!tpu.dma_semaphore, #tpu.memory_space<semaphore_mem>>)
    %dma_wait3A_313 = arith.constant 0 : i32
    %dma_wait3A_314 = tpu.memref_slice %arg4[%add3A_297, %dma_wait3A_313] : memref<65536x384xf32, #tpu.memory_space<hbm>> -> memref<128x384xf32, #tpu.memory_space<hbm>>
    %dma_wait3A_315 = arith.constant 0 : i32
    %dma_wait3A_316 = tpu.memref_slice %arg4[%add3A_297, %dma_wait3A_315] : memref<65536x384xf32, #tpu.memory_space<hbm>> -> memref<128x384xf32, #tpu.memory_space<hbm>>
    tpu.wait_dma2 semaphore(%arg10 : memref<!tpu.dma_semaphore, #tpu.memory_space<semaphore_mem>>) src(%arg6 : memref<128x384xf32, #tpu.memory_space<vmem>>) dst(%dma_wait3A_316 : memref<128x384xf32, #tpu.memory_space<hbm>>)
    %dma_wait3A_317 = arith.constant 0 : i32
    %dma_wait3A_318 = tpu.memref_slice %arg4[%add3A_308, %dma_wait3A_317] : memref<65536x384xf32, #tpu.memory_space<hbm>> -> memref<128x384xf32, #tpu.memory_space<hbm>>
    %dma_wait3A_319 = arith.constant 0 : i32
    %dma_wait3A_320 = tpu.memref_slice %arg4[%add3A_308, %dma_wait3A_319] : memref<65536x384xf32, #tpu.memory_space<hbm>> -> memref<128x384xf32, #tpu.memory_space<hbm>>
    tpu.wait_dma2 semaphore(%arg11 : memref<!tpu.dma_semaphore, #tpu.memory_space<semaphore_mem>>) src(%arg7 : memref<128x384xf32, #tpu.memory_space<vmem>>) dst(%dma_wait3A_320 : memref<128x384xf32, #tpu.memory_space<hbm>>)
    return
  }
}

module attributes {stable_mosaic.version = 14 : i64} {
  func.func @_pad_body(%arg0: i32, %arg1: memref<300x4096xf32, #tpu.memory_space<vmem>>, %arg2: memref<4096x384xf32, #tpu.memory_space<vmem>>) attributes {dimension_semantics = [#tpu.dimension_semantics<arbitrary>], iteration_bounds = array<i64: 17>, scalar_prefetch = 0 : i64, scratch_operands = 0 : i64, tpu.core_type = #tpu.core_type<tc>, window_params = [{transform_indices = @transform_0, window_bounds = array<i64: 300, 4096>}, {transform_indices = @transform_1, window_bounds = array<i64: 4096, 384>}]} {
    %get3A = arith.constant 0 : index
    %get3A_0 = arith.constant 0 : index
    %get3A_1 = vector.load %arg1[%get3A, %get3A_0] : memref<300x4096xf32, #tpu.memory_space<vmem>>, vector<300x4096xf32>
    %transpose3A = tpu.transpose %get3A_1, [1, 0] : vector<300x4096xf32> -> vector<4096x300xf32>
    %broadcast_in_dim3A = arith.constant 0.000000e+00 : f32
    %broadcast_in_dim3A_2 = vector.broadcast %broadcast_in_dim3A : f32 to vector<4096x84xf32>
    %concatenate3A = tpu.concatenate %transpose3A, %broadcast_in_dim3A_2 in 1 : vector<4096x300xf32>, vector<4096x84xf32> -> vector<4096x384xf32>
    %swap3A = arith.constant 0 : index
    %swap3A_3 = arith.constant 0 : index
    %swap3A_4 = vector.load %arg2[%swap3A, %swap3A_3] : memref<4096x384xf32, #tpu.memory_space<vmem>>, vector<4096x384xf32>
    tpu.vector_store %arg2[%swap3A, %swap3A_3], %concatenate3A {strides = array<i32>} : memref<4096x384xf32, #tpu.memory_space<vmem>>, vector<4096x384xf32>,
    return
  }
  func.func @transform_0(%arg0: i32) -> (i32, i32) {
    %c0_i32 = arith.constant 0 : i32
    %c0_i32_0 = arith.constant 0 : i32
    return %c0_i32, %arg0 : i32, i32
  }
  func.func @transform_1(%arg0: i32) -> (i32, i32) {
    %c0_i32 = arith.constant 0 : i32
    %c0_i32_0 = arith.constant 0 : i32
    return %arg0, %c0_i32 : i32, i32
  }
}

module attributes {stable_mosaic.version = 14 : i64} {
  func.func @_tc_body(%arg0: i32, %arg1: memref<2048x384xf32, #tpu.memory_space<vmem>>, %arg2: memref<384x2048xbf16, #tpu.memory_space<vmem>>, %arg3: memref<1x2048xf32, #tpu.memory_space<vmem>>, %arg4: memref<128x2048xf32, #tpu.memory_space<vmem>>) attributes {dimension_semantics = [#tpu.dimension_semantics<parallel>], iteration_bounds = array<i64: 32>, scalar_prefetch = 0 : i64, scratch_operands = 0 : i64, tpu.core_type = #tpu.core_type<tc>, window_params = [{transform_indices = @transform_0, window_bounds = array<i64: 2048, 384>}, {pipeline_mode = #tpu.pipeline_mode<synchronous>, transform_indices = @transform_1, window_bounds = array<i64: 384, 2048>}, {pipeline_mode = #tpu.pipeline_mode<synchronous>, transform_indices = @transform_2, window_bounds = array<i64: 1, 2048>}, {transform_indices = @transform_3, window_bounds = array<i64: 128, 2048>}]} {
    %get3A = arith.constant 0 : index
    %get3A_0 = arith.constant 0 : index
    %get3A_1 = vector.load %arg1[%get3A, %get3A_0] : memref<2048x384xf32, #tpu.memory_space<vmem>>, vector<2048x384xf32>
    %convert_element_type3A = arith.truncf %get3A_1 : vector<2048x384xf32> to vector<2048x384xbf16>
    %get3A_2 = arith.constant 0 : index
    %get3A_3 = arith.constant 0 : index
    %get3A_4 = vector.load %arg2[%get3A_2, %get3A_3] : memref<384x2048xbf16, #tpu.memory_space<vmem>>, vector<384x2048xbf16>
    %dot_general3A = arith.constant dense<0.000000e+00> : vector<2048x2048xf32>
    %dot_general3A_5 = tpu.matmul %convert_element_type3A, %get3A_4, %dot_general3A {dimension_numbers = #tpu.dot_dimension_numbers<[1], [0], [0], [1], [0, 0, 1, 1], [], []>, transpose_lhs_hint = false} : vector<2048x384xbf16>, vector<384x2048xbf16>, vector<2048x2048xf32> -> vector<2048x2048xf32>
    %get3A_6 = arith.constant 0 : index
    %get3A_7 = arith.constant 0 : index
    %get3A_8 = vector.load %arg3[%get3A_6, %get3A_7] : memref<1x2048xf32, #tpu.memory_space<vmem>>, vector<1x2048xf32>
    %add3A = vector.broadcast %get3A_8 : vector<1x2048xf32> to vector<2048x2048xf32>
    %add3A_9 = arith.addf %dot_general3A_5, %add3A : vector<2048x2048xf32>
    %max3A = arith.constant 0.000000e+00 : f32
    %max3A_10 = vector.broadcast %max3A : f32 to vector<2048x2048xf32>
    %max3A_11 = arith.maximumf %add3A_9, %max3A_10 : vector<2048x2048xf32>
    %reshape3A = vector.shape_cast %max3A_11 : vector<2048x2048xf32> to vector<128x16x2048xf32>
    %reduce_max3A = arith.constant dense<0xFF800000> : vector<128x2048xf32>
    %reduce_max3A_12 = vector.multi_reduction <maximumf>, %reshape3A, %reduce_max3A [1] : vector<128x16x2048xf32> to vector<128x2048xf32>
    %swap3A = arith.constant 0 : index
    %swap3A_13 = arith.constant 0 : index
    %swap3A_14 = vector.load %arg4[%swap3A, %swap3A_13] : memref<128x2048xf32, #tpu.memory_space<vmem>>, vector<128x2048xf32>
    tpu.vector_store %arg4[%swap3A, %swap3A_13], %reduce_max3A_12 {strides = array<i32>} : memref<128x2048xf32, #tpu.memory_space<vmem>>, vector<128x2048xf32>,
    return
  }
  func.func @transform_0(%arg0: i32) -> (i32, i32) {
    %c0_i32 = arith.constant 0 : i32
    %c0_i32_0 = arith.constant 0 : i32
    return %arg0, %c0_i32 : i32, i32
  }
  func.func @transform_1(%arg0: i32) -> (i32, i32) {
    %c0_i32 = arith.constant 0 : i32
    %c0_i32_0 = arith.constant 0 : i32
    %c0_i32_1 = arith.constant 0 : i32
    return %c0_i32, %c0_i32_0 : i32, i32
  }
  func.func @transform_2(%arg0: i32) -> (i32, i32) {
    %c0_i32 = arith.constant 0 : i32
    %c0_i32_0 = arith.constant 0 : i32
    %c0_i32_1 = arith.constant 0 : i32
    return %c0_i32, %c0_i32_0 : i32, i32
  }
  func.func @transform_3(%arg0: i32) -> (i32, i32) {
    %c0_i32 = arith.constant 0 : i32
    %c0_i32_0 = arith.constant 0 : i32
    return %arg0, %c0_i32 : i32, i32
  }
}

</mosaic_0001>

<sc_bundles>
// kernel: kernel.5.cloned.1.call-start
scs
__scs_entry_jumppad:
0x0: {  	(pc) =	sbr.rel $0x88, $3  }
0x1: {  	(tag) =	ssettag $0x0;
	lr =	simm.s32 $0x1  }
0x2: {  	[smem:$0x3F9D] =	sst lr;
	_ =	strace $0xD0000000  }
0x3: {  	_ = 	snop  }
0x4: {  	_ = 	snop  }
0x5: {  	_ = 	snop  }
0x6: {  	_ = 	snop  }
0x7: {  	_ = 	snop  }
__scs_overlays_trampoline_lowered:
0x8: {  	[smem:$0x3FAC] =	sst s0  }
0x9: {  	[smem:$0x3FAD] =	sst s1  }
0xa: {  	[smem:$0x3FAE] =	sst s2  }
0xb: {  	[smem:$0x3FAF] =	sst s3  }
0xc: {  	[smem:$0x3FB0] =	sst s4  }
0xd: {  	[smem:$0x3FB1] =	sst s5  }
0xe: {  	[smem:$0x3FB2] =	sst s6  }
0xf: {  	[smem:$0x3FB3] =	sst s7  }
0x10: {  	[smem:$0x3FB4] =	sst s8  }
0x11: {  	[smem:$0x3FB5] =	sst s9;
	s0 =	simm.s32 @!p0 $0x0  }
0x12: {  	s1 =	sld [smem:$0x3F9B];
	s0 =	simm.s32 @p0 $0x1  }
0x13: {  	[smem:$0x3FB6] =	sst s0;
	s0 =	simm.s32 @!p1 $0x0  }
0x14: {  	s2 =	sld [smem:$0x3F9A];
	s0 =	simm.s32 @p1 $0x1  }
0x15: {  	[smem:$0x3FB7] =	sst s0;
	s0 =	simm.s32 @!p2 $0x0  }
0x16: {  	s3 =	sld [smem:$0x3FDB];
	s0 =	simm.s32 @p2 $0x1  }
0x17: {  	s4 =	simm.s32 $0x1BF5;
	[smem:$0x3FB9] =	sst s0  }
0x18: {  	s0 =	sld [smem:$0x3F9C];
	_ =	swait.ge [sflag:s4], $0x0  }
0x19: {  	s7 =	sld [smem:$0x3F9D]  }
0x1a: {  	s8 =	sadd.s32 $0xFFFFE003, lr  }
0x1b: {  	s9 =	sadd.s32 $0xFFFFFEF7, lr;
	s5 =	simm.s32 $0xFFFFFFFF;
	p2 =	slt.u32 s8, $0xFFFFF086  }
0x1c: {  	p1 =	slt.u32 s9, $0xF7A;
	s5 =	simm.s32 @!p2 $0x0  }
0x1d: {  	s5 =	simm.s32 @p1 $0x1;
	p0 =	seq.s32 s7, s2  }
0x1e: {  	s7 =	smul.u32 @!p0 $0xF7A, s2;
	p2 =	seq.s32 @!p0 s5, $0x0  }
0x1f: {  	s9 =	smul.u32 $0xF7A, s1;
	s8 =	simm.s32 @!p0 $0x1BF5;
	p2 =	por !p2, p0  }
0x20: {  	[sflag:s8] =	ssyncset.s32 @!p0 $0xFFFFF086;
	s6 =	sadd.s32 @!p0 s3, s7;
	s7 =	simm.s32 @!p0 $0x108  }
0x21: {  	s3 =	sadd.s32 s3, s9;
	s6 =	sadd.s32 @!p0 $0x88, s6;
	s7 =	simm.s32 @p2 $0x1082  }
0x22: {  	[simem:s7], [sflag:s8] =	dma.local @!p0 [hbm:s6], $0xF7A  }
0x23: {  	s9 =	sor.u32 $0xD0000000, s2;
	s6 =	simm.s32 $0x108;
	_ =	swait.ge @!p0 [sflag:s8], $0x0  }
0x24: {  	s3 =	sadd.s32 $0x88, s3;
	s6 =	simm.s32 @!p1 $0x1082;
	[sflag:s4] =	ssyncset.s32 $0xFFFFF086  }
0x25: {  	[simem:s6], [sflag:s4] =	dma.local [hbm:s3], $0xF7A  }
0x26: {  	[smem:$0x3F9D] =	sst s1;
	(tag) =	ssettag s2;
	_ =	strace s9  }
0x27: {  	s1 =	sld [smem:$0x3FAD]  }
0x28: {  	s2 =	sld [smem:$0x3FAE]  }
0x29: {  	s4 =	sld [smem:$0x3FB0]  }
0x2a: {  	p0 =	seq.s32 s5, $0x0;
	s5 =	sld [smem:$0x3FB1]  }
0x2b: {  	s6 =	sld [smem:$0x3FB2]  }
0x2c: {  	s7 =	sld [smem:$0x3FB3]  }
0x2d: {  	s3 =	simm.s32 $0x108;
	s8 =	sld [smem:$0x3FB4]  }
0x2e: {  	s3 =	simm.s32 @!p0 $0x1082;
	s9 =	sld [smem:$0x3FB5]  }
0x2f: {  	lr =	sadd.s32 s0, s3;
	s0 =	sld [smem:$0x3FAC]  }
0x30: {  	s3 =	sld [smem:$0x3FAF]  }
0x31: {  	[smem:$0x3FB8] =	sst s10  }
0x32: {  	s10 =	sld [smem:$0x3FB6];
	_ =	sdelay $0x3  }
0x33: {  	p0 =	seq.s32 s10, $0x1;
	s10 =	sld [smem:$0x3FB8];
	_ =	sdelay $0x3  }
0x34: {  	[smem:$0x3FB8] =	sst s10  }
0x35: {  	s10 =	sld [smem:$0x3FB7];
	_ =	sdelay $0x3  }
0x36: {  	p1 =	seq.s32 s10, $0x1;
	s10 =	sld [smem:$0x3FB8];
	_ =	sdelay $0x3  }
0x37: {  	[smem:$0x3FB8] =	sst s10  }
0x38: {  	s10 =	sld [smem:$0x3FB9]  }
0x39: {  	_ = 	snop;
	(pc) =	sbr.ind lr, $3  }
0x3a: {  	_ = 	snop  }
0x3b: {  	_ = 	snop  }
0x3c: {  	p2 =	seq.s32 s10, $0x1;
	s10 =	sld [smem:$0x3FB8]  }
0x3d: {  	_ =	shalt  }
0x3e: {  	_ =	shalt  }
0x3f: {  	_ =	shalt  }
0x40: {  	_ =	shalt  }
0x41: {  	_ =	shalt  }
0x42: {  	_ =	shalt  }
0x43: {  	_ =	shalt  }
0x44: {  	_ =	shalt  }
0x45: {  	_ =	shalt  }
0x46: {  	_ =	shalt  }
0x47: {  	_ =	shalt  }
0x48: {  	_ =	shalt  }
0x49: {  	_ =	shalt  }
0x4a: {  	_ =	shalt  }
0x4b: {  	_ =	shalt  }
0x4c: {  	_ =	shalt  }
0x4d: {  	_ =	shalt  }
0x4e: {  	_ =	shalt  }
0x4f: {  	_ =	shalt  }
0x50: {  	_ =	shalt  }
0x51: {  	_ =	shalt  }
0x52: {  	_ =	shalt  }
0x53: {  	_ =	shalt  }
0x54: {  	_ =	shalt  }
0x55: {  	_ =	shalt  }
0x56: {  	_ =	shalt  }
0x57: {  	_ =	shalt  }
0x58: {  	_ =	shalt  }
0x59: {  	_ =	shalt  }
0x5a: {  	_ =	shalt  }
0x5b: {  	_ =	shalt  }
0x5c: {  	_ =	shalt  }
0x5d: {  	_ =	shalt  }
0x5e: {  	_ =	shalt  }
0x5f: {  	_ =	shalt  }
0x60: {  	_ =	shalt  }
0x61: {  	_ =	shalt  }
0x62: {  	_ =	shalt  }
0x63: {  	_ =	shalt  }
0x64: {  	_ =	shalt  }
0x65: {  	_ =	shalt  }
0x66: {  	_ =	shalt  }
0x67: {  	_ =	shalt  }
0x68: {  	_ =	shalt  }
0x69: {  	_ =	shalt  }
0x6a: {  	_ =	shalt  }
0x6b: {  	_ =	shalt  }
0x6c: {  	_ =	shalt  }
0x6d: {  	_ =	shalt  }
0x6e: {  	_ =	shalt  }
0x6f: {  	_ =	shalt  }
0x70: {  	_ =	shalt  }
0x71: {  	_ =	shalt  }
0x72: {  	_ =	shalt  }
0x73: {  	_ =	shalt  }
0x74: {  	_ =	shalt  }
0x75: {  	_ =	shalt  }
0x76: {  	_ =	shalt  }
0x77: {  	_ =	shalt  }
0x78: {  	_ =	shalt  }
0x79: {  	_ =	shalt  }
0x7a: {  	_ =	shalt  }
0x7b: {  	_ =	shalt  }
0x7c: {  	_ =	shalt  }
0x7d: {  	_ =	shalt  }
0x7e: {  	_ =	shalt  }
0x7f: {  	_ =	shalt  }
0x80: {  	_ =	shalt  }
0x81: {  	_ =	shalt  }
0x82: {  	_ =	shalt  }
0x83: {  	_ =	shalt  }
0x84: {  	_ =	shalt  }
0x85: {  	_ =	shalt  }
0x86: {  	_ =	shalt  }
0x87: {  	_ =	shalt  }
.Lfunc_end0:
.L_simem_size_0:
called_computation_lowered:
.L_overlay_start_0:
0x88: {  	s2 =	sld [smem:$0x3FD9]  }
0x89: {  	s3 =	sld [smem:$0x3FFE];
	_ =	sdelay $0x1  }
0x8a: {  	s1 =	srdreg.scid  }
0x8b: {  	s0 =	sand.u32 $0x1, s1  }
0x8c: {  	s17 =	sshll.u32 s0, $0xA;
	s2 =	sadd.s32 s3, s2  }
0x8d: {  	s2 =	sadd.s32 s2, s17  }
0x8e: {  	[smem:$0x3FC4] =	sst s2  }
0x8f: {  	_ = 	snop  }
0x90: {  	s2 =	sld [smem:$0x3FD0];
	(tm) =	ssettm $0x1  }
0x91: {  	s18 =	sld [smem:$0x3FFB];
	_ =	sdelay $0x3  }
0x92: {  	_ =	strace s18  }
0x93: {  	s3 =	sld [smem:$0x3FFC];
	_ =	sdelay $0x3  }
0x94: {  	_ =	strace s3  }
0x95: {  	s3 =	sld [smem:$0x3FFD];
	_ =	sdelay $0x3  }
0x96: {  	_ =	strace s3  }
0x97: {  	_ =	strace $0x8FFFFFFF  }
0x98: {  	s19 =	sld [smem:$0x3FDB];
	_ =	sdelay $0x1  }
0x99: {  	s4 =	simm.s32 $_scs_section_size  }
0x9a: {  	s5 =	simm.s32 $_size__tile_overlayer_lowered;
	s6 =	simm.s32 $_tile_overlayer_lowered  }
0x9b: {  	s22 =	simm.s32 $0x1BFF;
	s21 =	sshll.u32 s6, $0x1;
	s3 =	sadd.s32 s4, s19  }
0x9c: {  	s7 =	simm.s32 $0x0;
	s20 =	sshll.u32 s5, $0x1;
	s5 =	sadd.s32 s21, s3  }
0x9d: {  	[timem:s7], [sflag:s22] =	dma.local [hbm:s5], s20  }
0x9e: {  	_ =	swait.ge [sflag:s22], s20  }
0x9f: {  	s4 =	ssub.s32 $0x0, s20;
	[sflag:s22] =	ssyncset.done $0x0  }
0xa0: {  	[sflag:s22] =	ssyncadd.s32 s4;
	_ =	sdelay $0x1  }
0xa1: {  	s23 =	simm.s32 $0x1B8B  }
0xa2: {  	_ =	swait.ge [sflag:s23], $0x1  }
0xa3: {  	[sflag:s23] =	ssyncset.done $0x0  }
0xa4: {  	s25 =	simm.s32 $0x1B8E;
	s24 =	sld [smem:$0x3FFE];
	[sflag:s23] =	ssyncadd.s32 $0xFFFFFFFF  }
0xa5: {  	s26 =	simm.s32 $execute0_lowered;
	[smem:$0x3FD2] =	sst s25  }
0xa6: {  	s5 =	sshll.u32 s26, $0x1;
	_ =	strace $0x80000046;
	[dreg:$0x1] =	wrdreg $0xFFFFFFFF  }
0xa7: {  	s28 =	simm.s32 $_size_execute0_lowered;
	s3 =	sadd.s32 s3, s5;
	[dreg:$0x0] =	wrdreg $0x0  }
0xa8: {  	s5 =	sshll.u32 s28, $0x1;
	[dreg:$0x2] =	wrdreg s3  }
0xa9: {  	[dreg:$0x3] =	wrdreg s5  }
0xaa: {  	[dreg:$0x4] =	wrdreg $0xC0  }
0xab: {  	_ =	task [dreg:s7], $0x5FFFF  }
0xac: {  	[dreg:$0x1] =	wrdreg $0xFFFFFFFF  }
0xad: {  	[dreg:$0x0] =	wrdreg $0x60  }
0xae: {  	[dreg:$0x2] =	wrdreg s2  }
0xaf: {  	[dreg:$0x3] =	wrdreg s24  }
0xb0: {  	[dreg:$0x4] =	wrdreg $0x9  }
0xb1: {  	_ =	task.clear_ibuf [dreg:s7], $0x5FFFF;
	_ =	strace $0x90000046  }
0xb2: {  	s29 =	simm.s32 $0x9;
	_ =	strace $0x80000048  }
0xb3: {  	_ =	swait.ge [sflag:s29], $0x1  }
0xb4: {  	[sflag:s29] =	ssyncadd.s32 $0xFFFFFFFF  }
0xb5: {  	_ =	strace $0x90000048  }
0xb6: {  	_ =	sfence  }
0xb7: {  	s30 =	sld [smem:$0x0];
	_ =	sdelay $0x2  }
0xb8: {  	s31 =	sshll.u32 s1, $0xD;
	s1 =	sshrl.u32 s1, $0x2  }
0xb9: {  	s3 =	sand.u32 $0x4000, s31;
	s1 =	sadd.s32 s1, s30  }
0xba: {  	s0 =	sor.u32 s3, s0;
	s1 =	sshll.u32 s1, $0x11  }
0xbb: {  	s0 =	sor.u32 s1, s0  }
0xbc: {  	s0 =	sadd.s32 $0x8F2B, s0  }
0xbd: {  	[sflag:s0] =	ssyncadd.remote.s32 $0x1  }
0xbe: {  	_ =	sfence.sel $0xFFFF  }
0xbf: {  	[dreg:$0x0] =	wrdreg $0xFFFFFFFF;
	(pc) =	sbr.abs _section_cstart, $3  }
0xc0: {  	[dreg:$0x1] =	wrdreg $0xFFFFFFFF  }
0xc1: {  	_ =	task.clear_ibuf [dreg:s7], $0x2FFFF;
	_ =	strace $0x9FFFFFFF  }
0xc2: {  	(tm) =	ssettm $0x7FFFFFFF  }
0xc3: {  	_ =	shalt  }
tec
execute0_lowered:
.L_overlay_start_1:
0x0: {  	(tag) =	ssettag $0x1  }
0x1: {  	s0 =	srdreg.scid  }
0x2: {  	s2 =	stileid.u32;
	s0 =	sand.u32 $0x1, s0  }
0x3: {  	s2 =	sshll.u32 s2, $0x9;
	s3 =	sshll.u32 s0, $0x8  }
0x4: {  	s1 =	rddreg [dreg:$0x0];
	s3 =	sor.u32 s3, s2  }
0x5: {  	s5 =	rddreg [dreg:$0x1];
	s2 =	simm.s32 $0x0;
	s4 =	smul.u32 $0x180, s3  }
0x6: {  	s6 =	sadd.s32 $0x309200, s5;
	[smem:$0x7FF] =	sst s2;
	s1 =	sadd.s32 s1, s3  }
0x7: {  	_ =	strace $0x80000047;
	[dreg:$0x3] =	wrdreg s1;
	s4 =	sadd.s32 s6, s4  }
0x8: {  	s15 =	sadd.s32 $0x1800, s4;
	[dreg:$0x13] =	wrdreg s4  }
0x9: {  	s3 =	smul.u32 $0xC00, s3;
	s16 =	sadd.s32 $0x3000, s4;
	[dreg:$0x4] =	wrdreg s15  }
0xa: {  	s17 =	sadd.s32 $0x4800, s4;
	[dreg:$0x5] =	wrdreg s16  }
0xb: {  	s3 =	sshrl.u32 s3, $0x3;
	s18 =	sadd.s32 $0x6000, s4;
	[dreg:$0x6] =	wrdreg s17  }
0xc: {  	s19 =	sadd.s32 $0x7800, s4;
	s3 =	sadd.s32 s6, s3;
	[dreg:$0x7] =	wrdreg s18  }
0xd: {  	[dreg:$0x8] =	wrdreg s19;
	s20 =	sadd.s32 $0x9000, s3  }
0xe: {  	s21 =	sadd.s32 $0xA800, s3;
	[dreg:$0x9] =	wrdreg s20  }
0xf: {  	s22 =	sadd.s32 $0xC000, s3;
	[dreg:$0xa] =	wrdreg s21  }
0x10: {  	s23 =	sadd.s32 $0xD800, s3;
	[dreg:$0xb] =	wrdreg s22  }
0x11: {  	s24 =	sadd.s32 $0xF000, s3;
	[dreg:$0xc] =	wrdreg s23  }
0x12: {  	s14 =	simm.s32 $0x1;
	s25 =	sadd.s32 $0x10800, s3;
	[dreg:$0xd] =	wrdreg s24  }
0x13: {  	s0 =	ssub.s32 $0x2, s0;
	s26 =	sadd.s32 $0x12000, s3;
	[dreg:$0xe] =	wrdreg s25  }
0x14: {  	s29 =	sshrl.u32 s0, $0x1;
	s28 =	sadd.s32 $0x13800, s3;
	[dreg:$0xf] =	wrdreg s26  }
0x15: {  	s0 =	ssub.s32 s0, s29;
	s30 =	sadd.s32 $0x15000, s3;
	[dreg:$0x10] =	wrdreg s28  }
0x16: {  	v2 =	vlaneseq.u32;
	s0 =	smax.u32 s0, $0x1;
	s31 =	sadd.s32 $0x16800, s3;
	[dreg:$0x11] =	wrdreg s30  }
0x17: {  	vm0 =	vmmov $0xffff;
	vm1 =	vmmov $0xff;
	v1 =	vshrl.u32 v2, $0x3;
	s4 =	sadd.s32 $0xA00, s5;
	s5 =	sadd.s32 $0xB00, s5;
	[dreg:$0x12] =	wrdreg s31  }
0x18: {  	v0 =	vand.u32 $0x7, v2;
	v2 =	vor.u32 $0x8, v2;
	v1 =	vmul.u32 $0x8, v1;
	s23 =	simm.s32 $0x2;
	s24 =	simm.s32 $0x3;
	s25 =	simm.s32 $0x4  }
.LBB2_1:
0x19: {  	[dreg:$0x14] =	wrdreg s0  }
0x1a: {  	s26 =	rddreg [dreg:$0x3];
	s12 =	simm.s32 $0x5  }
0x1b: {  	[tilespmem:s2], [sflag:$0x5] =	stream.linear.gather [hbm4b:s26+s2], $0x800, $0x38;
	[tilespmem:$0x18800] =	vst v63  }
0x1c: {  	_ =	swait.ge [sflag:s12], $0x800  }
0x1d: {  	[sflag:s12] =	ssyncset.done $0x0  }
0x1e: {  	[sflag:s12] =	ssyncadd.s32 $0xFFFFF800  }
0x1f: {  	v3 =	vld [tilespmem:$0x0];
	_ =	sdelay $0x4  }
0x20: {  	v4 =	vshrl.u32 v3, $0x3  }
0x21: {  	v4 =	vmul.u32 $0x18, v4  }
0x22: {  	v3 =	vand.u32 $0x7, v3  }
0x23: {  	v3 =	vor.u32 v3, v4  }
0x24: {  	v4 =	vperm.xlane v3, v0;
	_ =	sdelay $0x1  }
0x25: {  	v4 =	vadd.s32 v1, v4;
	_ =	sdelay $0x1  }
0x26: {  	v3 =	vperm.xlane v3, v2;
	_ =	sdelay $0x1  }
0x27: {  	s13 =	simm.s32 $0x800;
	v3 =	vadd.s32 v1, v3  }
0x28: {  	[tilespmem:s13], [sflag:$0x1] =	stream.indirect_vreg.gather [hbm4b:s4+s2], $0x80, v4, vm0, $0xb8;
	[tilespmem:$0x18800] =	vst v63  }
0x29: {  	s15 =	simm.s32 $0x1000  }
0x2a: {  	[tilespmem:s15], [sflag:$0x1] =	stream.indirect_vreg.gather [hbm4b:s5+s2], $0x80, v4, vm1, $0xb8;
	[tilespmem:$0x18800] =	vst v63  }
0x2b: {  	s16 =	simm.s32 $0x1400  }
0x2c: {  	[tilespmem:s16], [sflag:$0x1] =	stream.indirect_vreg.gather [hbm4b:s4+s2], $0x80, v3, vm0, $0xb8;
	[tilespmem:$0x18800] =	vst v63  }
0x2d: {  	s17 =	simm.s32 $0x1C00  }
0x2e: {  	[tilespmem:s17], [sflag:$0x1] =	stream.indirect_vreg.gather [hbm4b:s5+s2], $0x80, v3, vm1, $0xb8;
	[tilespmem:$0x18800] =	vst v63  }
0x2f: {  	v3 =	vld [tilespmem:$0x10];
	_ =	sdelay $0x4  }
0x30: {  	v49 =	vshrl.u32 v3, $0x3  }
0x31: {  	v4 =	vmul.u32 $0x18, v49  }
0x32: {  	v3 =	vand.u32 $0x7, v3  }
0x33: {  	v3 =	vor.u32 v3, v4  }
0x34: {  	v4 =	vperm.xlane v3, v0;
	_ =	sdelay $0x1  }
0x35: {  	v4 =	vadd.s32 v1, v4;
	_ =	sdelay $0x1  }
0x36: {  	v3 =	vperm.xlane v3, v2;
	_ =	sdelay $0x1  }
0x37: {  	s18 =	simm.s32 $0x2000;
	v3 =	vadd.s32 v1, v3  }
0x38: {  	[tilespmem:s18], [sflag:$0x1] =	stream.indirect_vreg.gather [hbm4b:s4+s2], $0x80, v4, vm0, $0xb8;
	[tilespmem:$0x18800] =	vst v63  }
0x39: {  	s19 =	simm.s32 $0x2800  }
0x3a: {  	[tilespmem:s19], [sflag:$0x1] =	stream.indirect_vreg.gather [hbm4b:s5+s2], $0x80, v4, vm1, $0xb8;
	[tilespmem:$0x18800] =	vst v63  }
0x3b: {  	s20 =	simm.s32 $0x2C00  }
0x3c: {  	[tilespmem:s20], [sflag:$0x1] =	stream.indirect_vreg.gather [hbm4b:s4+s2], $0x80, v3, vm0, $0xb8;
	[tilespmem:$0x18800] =	vst v63  }
0x3d: {  	s21 =	simm.s32 $0x3400  }
0x3e: {  	[tilespmem:s21], [sflag:$0x1] =	stream.indirect_vreg.gather [hbm4b:s5+s2], $0x80, v3, vm1, $0xb8;
	[tilespmem:$0x18800] =	vst v63  }
0x3f: {  	v3 =	vld [tilespmem:$0x20];
	_ =	sdelay $0x4  }
0x40: {  	v50 =	vshrl.u32 v3, $0x3  }
0x41: {  	v4 =	vmul.u32 $0x18, v50  }
0x42: {  	v3 =	vand.u32 $0x7, v3  }
0x43: {  	v3 =	vor.u32 v3, v4  }
0x44: {  	v4 =	vperm.xlane v3, v0;
	_ =	sdelay $0x1  }
0x45: {  	v4 =	vadd.s32 v1, v4;
	_ =	sdelay $0x1  }
0x46: {  	v3 =	vperm.xlane v3, v2;
	_ =	sdelay $0x1  }
0x47: {  	s22 =	simm.s32 $0x3800;
	v3 =	vadd.s32 v1, v3  }
0x48: {  	[tilespmem:s22], [sflag:$0x1] =	stream.indirect_vreg.gather [hbm4b:s4+s2], $0x80, v4, vm0, $0xb8;
	[tilespmem:$0x18800] =	vst v63  }
0x49: {  	s26 =	simm.s32 $0x4000  }
0x4a: {  	[tilespmem:s26], [sflag:$0x1] =	stream.indirect_vreg.gather [hbm4b:s5+s2], $0x80, v4, vm1, $0xb8;
	[tilespmem:$0x18800] =	vst v63  }
0x4b: {  	s28 =	simm.s32 $0x4400  }
0x4c: {  	[tilespmem:s28], [sflag:$0x1] =	stream.indirect_vreg.gather [hbm4b:s4+s2], $0x80, v3, vm0, $0xb8;
	[tilespmem:$0x18800] =	vst v63  }
0x4d: {  	s29 =	simm.s32 $0x4C00  }
0x4e: {  	[tilespmem:s29], [sflag:$0x1] =	stream.indirect_vreg.gather [hbm4b:s5+s2], $0x80, v3, vm1, $0xb8;
	[tilespmem:$0x18800] =	vst v63  }
0x4f: {  	v3 =	vld [tilespmem:$0x30];
	_ =	sdelay $0x4  }
0x50: {  	v51 =	vshrl.u32 v3, $0x3  }
0x51: {  	v4 =	vmul.u32 $0x18, v51  }
0x52: {  	v3 =	vand.u32 $0x7, v3  }
0x53: {  	v3 =	vor.u32 v3, v4  }
0x54: {  	v4 =	vperm.xlane v3, v0;
	_ =	sdelay $0x1  }
0x55: {  	v4 =	vadd.s32 v1, v4;
	_ =	sdelay $0x1  }
0x56: {  	v3 =	vperm.xlane v3, v2;
	_ =	sdelay $0x1  }
0x57: {  	s30 =	simm.s32 $0x5000;
	v3 =	vadd.s32 v1, v3  }
0x58: {  	[tilespmem:s30], [sflag:$0x1] =	stream.indirect_vreg.gather [hbm4b:s4+s2], $0x80, v4, vm0, $0xb8;
	[tilespmem:$0x18800] =	vst v63  }
0x59: {  	s31 =	simm.s32 $0x5800  }
0x5a: {  	[tilespmem:s31], [sflag:$0x1] =	stream.indirect_vreg.gather [hbm4b:s5+s2], $0x80, v4, vm1, $0xb8;
	[tilespmem:$0x18800] =	vst v63  }
0x5b: {  	s7 =	simm.s32 $0x5C00  }
0x5c: {  	[tilespmem:s7], [sflag:$0x1] =	stream.indirect_vreg.gather [hbm4b:s4+s2], $0x80, v3, vm0, $0xb8;
	[tilespmem:$0x18800] =	vst v63  }
0x5d: {  	s8 =	simm.s32 $0x6400  }
0x5e: {  	[tilespmem:s8], [sflag:$0x1] =	stream.indirect_vreg.gather [hbm4b:s5+s2], $0x80, v3, vm1, $0xb8;
	[tilespmem:$0x18800] =	vst v63  }
0x5f: {  	v3 =	vld [tilespmem:$0x40];
	_ =	sdelay $0x4  }
0x60: {  	v52 =	vshrl.u32 v3, $0x3  }
0x61: {  	v4 =	vmul.u32 $0x18, v52  }
0x62: {  	v3 =	vand.u32 $0x7, v3  }
0x63: {  	v3 =	vor.u32 v3, v4  }
0x64: {  	v4 =	vperm.xlane v3, v0;
	_ =	sdelay $0x1  }
0x65: {  	v4 =	vadd.s32 v1, v4;
	_ =	sdelay $0x1  }
0x66: {  	v3 =	vperm.xlane v3, v2;
	_ =	sdelay $0x1  }
0x67: {  	s9 =	simm.s32 $0x6800;
	v3 =	vadd.s32 v1, v3  }
0x68: {  	[tilespmem:s9], [sflag:$0x1] =	stream.indirect_vreg.gather [hbm4b:s4+s2], $0x80, v4, vm0, $0xb8;
	[tilespmem:$0x18800] =	vst v63  }
0x69: {  	s10 =	simm.s32 $0x7000  }
0x6a: {  	[tilespmem:s10], [sflag:$0x1] =	stream.indirect_vreg.gather [hbm4b:s5+s2], $0x80, v4, vm1, $0xb8;
	[tilespmem:$0x18800] =	vst v63  }
0x6b: {  	s13 =	simm.s32 $0x7400  }
0x6c: {  	[tilespmem:s13], [sflag:$0x1] =	stream.indirect_vreg.gather [hbm4b:s4+s2], $0x80, v3, vm0, $0xb8;
	[tilespmem:$0x18800] =	vst v63  }
0x6d: {  	s15 =	simm.s32 $0x7C00  }
0x6e: {  	[tilespmem:s15], [sflag:$0x1] =	stream.indirect_vreg.gather [hbm4b:s5+s2], $0x80, v3, vm1, $0xb8;
	[tilespmem:$0x18800] =	vst v63  }
0x6f: {  	v3 =	vld [tilespmem:$0x50];
	_ =	sdelay $0x4  }
0x70: {  	v53 =	vshrl.u32 v3, $0x3  }
0x71: {  	v4 =	vmul.u32 $0x18, v53  }
0x72: {  	v3 =	vand.u32 $0x7, v3  }
0x73: {  	v3 =	vor.u32 v3, v4  }
0x74: {  	v4 =	vperm.xlane v3, v0;
	_ =	sdelay $0x1  }
0x75: {  	v4 =	vadd.s32 v1, v4;
	_ =	sdelay $0x1  }
0x76: {  	v3 =	vperm.xlane v3, v2;
	_ =	sdelay $0x1  }
0x77: {  	s21 =	simm.s32 $0x8000;
	v3 =	vadd.s32 v1, v3  }
0x78: {  	[tilespmem:s21], [sflag:$0x1] =	stream.indirect_vreg.gather [hbm4b:s4+s2], $0x80, v4, vm0, $0xb8;
	[tilespmem:$0x18800] =	vst v63  }
0x79: {  	s26 =	simm.s32 $0x8800  }
0x7a: {  	[tilespmem:s26], [sflag:$0x1] =	stream.indirect_vreg.gather [hbm4b:s5+s2], $0x80, v4, vm1, $0xb8;
	[tilespmem:$0x18800] =	vst v63  }
0x7b: {  	s29 =	simm.s32 $0x8C00  }
0x7c: {  	[tilespmem:s29], [sflag:$0x1] =	stream.indirect_vreg.gather [hbm4b:s4+s2], $0x80, v3, vm0, $0xb8;
	[tilespmem:$0x18800] =	vst v63  }
0x7d: {  	s9 =	simm.s32 $0x9400  }
0x7e: {  	[tilespmem:s9], [sflag:$0x1] =	stream.indirect_vreg.gather [hbm4b:s5+s2], $0x80, v3, vm1, $0xb8;
	[tilespmem:$0x18800] =	vst v63  }
0x7f: {  	v3 =	vld [tilespmem:$0x60];
	_ =	sdelay $0x4  }
0x80: {  	v54 =	vshrl.u32 v3, $0x3  }
0x81: {  	v4 =	vmul.u32 $0x18, v54  }
0x82: {  	v3 =	vand.u32 $0x7, v3  }
0x83: {  	v3 =	vor.u32 v3, v4  }
0x84: {  	v4 =	vperm.xlane v3, v0;
	_ =	sdelay $0x1  }
0x85: {  	v4 =	vadd.s32 v1, v4;
	_ =	sdelay $0x1  }
0x86: {  	v3 =	vperm.xlane v3, v2;
	_ =	sdelay $0x1  }
0x87: {  	s10 =	simm.s32 $0x9800;
	v3 =	vadd.s32 v1, v3  }
0x88: {  	[tilespmem:s10], [sflag:$0x1] =	stream.indirect_vreg.gather [hbm4b:s4+s2], $0x80, v4, vm0, $0xb8;
	[tilespmem:$0x18800] =	vst v63  }
0x89: {  	s13 =	simm.s32 $0xA000  }
0x8a: {  	[tilespmem:s13], [sflag:$0x1] =	stream.indirect_vreg.gather [hbm4b:s5+s2], $0x80, v4, vm1, $0xb8;
	[tilespmem:$0x18800] =	vst v63  }
0x8b: {  	s15 =	simm.s32 $0xA400  }
0x8c: {  	[tilespmem:s15], [sflag:$0x1] =	stream.indirect_vreg.gather [hbm4b:s4+s2], $0x80, v3, vm0, $0xb8;
	[tilespmem:$0x18800] =	vst v63  }
0x8d: {  	s21 =	simm.s32 $0xAC00  }
0x8e: {  	[tilespmem:s21], [sflag:$0x1] =	stream.indirect_vreg.gather [hbm4b:s5+s2], $0x80, v3, vm1, $0xb8;
	[tilespmem:$0x18800] =	vst v63  }
0x8f: {  	v3 =	vld [tilespmem:$0x70];
	_ =	sdelay $0x4  }
0x90: {  	v55 =	vshrl.u32 v3, $0x3  }
0x91: {  	v4 =	vmul.u32 $0x18, v55  }
0x92: {  	v3 =	vand.u32 $0x7, v3  }
0x93: {  	v3 =	vor.u32 v3, v4  }
0x94: {  	v4 =	vperm.xlane v3, v0;
	_ =	sdelay $0x1  }
0x95: {  	v4 =	vadd.s32 v1, v4;
	_ =	sdelay $0x1  }
0x96: {  	v3 =	vperm.xlane v3, v2;
	_ =	sdelay $0x1  }
0x97: {  	s26 =	simm.s32 $0xB000;
	v3 =	vadd.s32 v1, v3  }
0x98: {  	[tilespmem:s26], [sflag:$0x1] =	stream.indirect_vreg.gather [hbm4b:s4+s2], $0x80, v4, vm0, $0xb8;
	[tilespmem:$0x18800] =	vst v63  }
0x99: {  	s29 =	simm.s32 $0xB800  }
0x9a: {  	[tilespmem:s29], [sflag:$0x1] =	stream.indirect_vreg.gather [hbm4b:s5+s2], $0x80, v4, vm1, $0xb8;
	[tilespmem:$0x18800] =	vst v63  }
0x9b: {  	s26 =	simm.s32 $0xBC00  }
0x9c: {  	[tilespmem:s26], [sflag:$0x1] =	stream.indirect_vreg.gather [hbm4b:s4+s2], $0x80, v3, vm0, $0xb8;
	[tilespmem:$0x18800] =	vst v63  }
0x9d: {  	s26 =	simm.s32 $0xC400  }
0x9e: {  	[tilespmem:s26], [sflag:$0x1] =	stream.indirect_vreg.gather [hbm4b:s5+s2], $0x80, v3, vm1, $0xb8;
	[tilespmem:$0x18800] =	vst v63  }
0x9f: {  	_ =	swait.ge [sflag:s14], $0xC000  }
0xa0: {  	[sflag:s14] =	ssyncset.done $0x0  }
0xa1: {  	[sflag:s14] =	ssyncadd.s32 $0xFFFF4000  }
0xa2: {  	v3 =	vld [tilespmem:$0x80];
	_ =	sdelay $0x4  }
0xa3: {  	v56 =	vshrl.u32 v3, $0x3  }
0xa4: {  	v4 =	vmul.u32 $0x18, v56  }
0xa5: {  	v3 =	vand.u32 $0x7, v3  }
0xa6: {  	v3 =	vor.u32 v3, v4  }
0xa7: {  	v4 =	vperm.xlane v3, v0;
	_ =	sdelay $0x1  }
0xa8: {  	v4 =	vadd.s32 v1, v4;
	_ =	sdelay $0x1  }
0xa9: {  	v3 =	vperm.xlane v3, v2;
	_ =	sdelay $0x1  }
0xaa: {  	s26 =	simm.s32 $0xC800;
	v3 =	vadd.s32 v1, v3  }
0xab: {  	[tilespmem:s26], [sflag:$0x2] =	stream.indirect_vreg.gather [hbm4b:s4+s2], $0x80, v4, vm0, $0xb8;
	[tilespmem:$0x18800] =	vst v63  }
0xac: {  	s26 =	simm.s32 $0xD000  }
0xad: {  	[tilespmem:s26], [sflag:$0x2] =	stream.indirect_vreg.gather [hbm4b:s5+s2], $0x80, v4, vm1, $0xb8;
	[tilespmem:$0x18800] =	vst v63  }
0xae: {  	s26 =	simm.s32 $0xD400  }
0xaf: {  	[tilespmem:s26], [sflag:$0x2] =	stream.indirect_vreg.gather [hbm4b:s4+s2], $0x80, v3, vm0, $0xb8;
	[tilespmem:$0x18800] =	vst v63  }
0xb0: {  	s26 =	simm.s32 $0xDC00  }
0xb1: {  	[tilespmem:s26], [sflag:$0x2] =	stream.indirect_vreg.gather [hbm4b:s5+s2], $0x80, v3, vm1, $0xb8;
	[tilespmem:$0x18800] =	vst v63  }
0xb2: {  	v3 =	vld [tilespmem:$0x90];
	_ =	sdelay $0x4  }
0xb3: {  	v57 =	vshrl.u32 v3, $0x3  }
0xb4: {  	v4 =	vmul.u32 $0x18, v57  }
0xb5: {  	v3 =	vand.u32 $0x7, v3  }
0xb6: {  	v3 =	vor.u32 v3, v4  }
0xb7: {  	v4 =	vperm.xlane v3, v0;
	_ =	sdelay $0x1  }
0xb8: {  	v4 =	vadd.s32 v1, v4;
	_ =	sdelay $0x1  }
0xb9: {  	v3 =	vperm.xlane v3, v2;
	_ =	sdelay $0x1  }
0xba: {  	s26 =	simm.s32 $0xE000;
	v3 =	vadd.s32 v1, v3  }
0xbb: {  	[tilespmem:s26], [sflag:$0x2] =	stream.indirect_vreg.gather [hbm4b:s4+s2], $0x80, v4, vm0, $0xb8;
	[tilespmem:$0x18800] =	vst v63  }
0xbc: {  	s26 =	simm.s32 $0xE800  }
0xbd: {  	[tilespmem:s26], [sflag:$0x2] =	stream.indirect_vreg.gather [hbm4b:s5+s2], $0x80, v4, vm1, $0xb8;
	[tilespmem:$0x18800] =	vst v63  }
0xbe: {  	s26 =	simm.s32 $0xEC00  }
0xbf: {  	[tilespmem:s26], [sflag:$0x2] =	stream.indirect_vreg.gather [hbm4b:s4+s2], $0x80, v3, vm0, $0xb8;
	[tilespmem:$0x18800] =	vst v63  }
0xc0: {  	s26 =	simm.s32 $0xF400  }
0xc1: {  	[tilespmem:s26], [sflag:$0x2] =	stream.indirect_vreg.gather [hbm4b:s5+s2], $0x80, v3, vm1, $0xb8;
	[tilespmem:$0x18800] =	vst v63  }
0xc2: {  	v3 =	vld [tilespmem:$0xA0];
	_ =	sdelay $0x4  }
0xc3: {  	v58 =	vshrl.u32 v3, $0x3  }
0xc4: {  	v4 =	vmul.u32 $0x18, v58  }
0xc5: {  	v3 =	vand.u32 $0x7, v3  }
0xc6: {  	v3 =	vor.u32 v3, v4  }
0xc7: {  	v4 =	vperm.xlane v3, v0;
	_ =	sdelay $0x1  }
0xc8: {  	v4 =	vadd.s32 v1, v4;
	_ =	sdelay $0x1  }
0xc9: {  	v3 =	vperm.xlane v3, v2;
	_ =	sdelay $0x1  }
0xca: {  	s26 =	simm.s32 $0xF800;
	v3 =	vadd.s32 v1, v3  }
0xcb: {  	[tilespmem:s26], [sflag:$0x2] =	stream.indirect_vreg.gather [hbm4b:s4+s2], $0x80, v4, vm0, $0xb8;
	[tilespmem:$0x18800] =	vst v63  }
0xcc: {  	s26 =	simm.s32 $0x10000  }
0xcd: {  	[tilespmem:s26], [sflag:$0x2] =	stream.indirect_vreg.gather [hbm4b:s5+s2], $0x80, v4, vm1, $0xb8;
	[tilespmem:$0x18800] =	vst v63  }
0xce: {  	s26 =	simm.s32 $0x10400  }
0xcf: {  	[tilespmem:s26], [sflag:$0x2] =	stream.indirect_vreg.gather [hbm4b:s4+s2], $0x80, v3, vm0, $0xb8;
	[tilespmem:$0x18800] =	vst v63  }
0xd0: {  	s26 =	simm.s32 $0x10C00  }
0xd1: {  	[tilespmem:s26], [sflag:$0x2] =	stream.indirect_vreg.gather [hbm4b:s5+s2], $0x80, v3, vm1, $0xb8;
	[tilespmem:$0x18800] =	vst v63  }
0xd2: {  	v3 =	vld [tilespmem:$0xB0];
	_ =	sdelay $0x4  }
0xd3: {  	v59 =	vshrl.u32 v3, $0x3  }
0xd4: {  	v4 =	vmul.u32 $0x18, v59  }
0xd5: {  	v3 =	vand.u32 $0x7, v3  }
0xd6: {  	v3 =	vor.u32 v3, v4  }
0xd7: {  	v4 =	vperm.xlane v3, v0;
	_ =	sdelay $0x1  }
0xd8: {  	v4 =	vadd.s32 v1, v4;
	_ =	sdelay $0x1  }
0xd9: {  	v3 =	vperm.xlane v3, v2;
	_ =	sdelay $0x1  }
0xda: {  	s26 =	simm.s32 $0x11000;
	v3 =	vadd.s32 v1, v3  }
0xdb: {  	[tilespmem:s26], [sflag:$0x2] =	stream.indirect_vreg.gather [hbm4b:s4+s2], $0x80, v4, vm0, $0xb8;
	[tilespmem:$0x18800] =	vst v63  }
0xdc: {  	s26 =	simm.s32 $0x11800  }
0xdd: {  	[tilespmem:s26], [sflag:$0x2] =	stream.indirect_vreg.gather [hbm4b:s5+s2], $0x80, v4, vm1, $0xb8;
	[tilespmem:$0x18800] =	vst v63  }
0xde: {  	s26 =	simm.s32 $0x11C00  }
0xdf: {  	[tilespmem:s26], [sflag:$0x2] =	stream.indirect_vreg.gather [hbm4b:s4+s2], $0x80, v3, vm0, $0xb8;
	[tilespmem:$0x18800] =	vst v63  }
0xe0: {  	s26 =	simm.s32 $0x12400  }
0xe1: {  	[tilespmem:s26], [sflag:$0x2] =	stream.indirect_vreg.gather [hbm4b:s5+s2], $0x80, v3, vm1, $0xb8;
	[tilespmem:$0x18800] =	vst v63  }
0xe2: {  	v3 =	vld [tilespmem:$0xC0];
	_ =	sdelay $0x4  }
0xe3: {  	v60 =	vshrl.u32 v3, $0x3  }
0xe4: {  	v4 =	vmul.u32 $0x18, v60  }
0xe5: {  	v3 =	vand.u32 $0x7, v3  }
0xe6: {  	v3 =	vor.u32 v3, v4  }
0xe7: {  	v4 =	vperm.xlane v3, v0;
	_ =	sdelay $0x1  }
0xe8: {  	v4 =	vadd.s32 v1, v4;
	_ =	sdelay $0x1  }
0xe9: {  	v3 =	vperm.xlane v3, v2;
	_ =	sdelay $0x1  }
0xea: {  	s26 =	simm.s32 $0x12800;
	v3 =	vadd.s32 v1, v3  }
0xeb: {  	[tilespmem:s26], [sflag:$0x2] =	stream.indirect_vreg.gather [hbm4b:s4+s2], $0x80, v4, vm0, $0xb8;
	[tilespmem:$0x18800] =	vst v63  }
0xec: {  	s26 =	simm.s32 $0x13000  }
0xed: {  	[tilespmem:s26], [sflag:$0x2] =	stream.indirect_vreg.gather [hbm4b:s5+s2], $0x80, v4, vm1, $0xb8;
	[tilespmem:$0x18800] =	vst v63  }
0xee: {  	s26 =	simm.s32 $0x13400  }
0xef: {  	[tilespmem:s26], [sflag:$0x2] =	stream.indirect_vreg.gather [hbm4b:s4+s2], $0x80, v3, vm0, $0xb8;
	[tilespmem:$0x18800] =	vst v63  }
0xf0: {  	s26 =	simm.s32 $0x13C00  }
0xf1: {  	[tilespmem:s26], [sflag:$0x2] =	stream.indirect_vreg.gather [hbm4b:s5+s2], $0x80, v3, vm1, $0xb8;
	[tilespmem:$0x18800] =	vst v63  }
0xf2: {  	v3 =	vld [tilespmem:$0xD0];
	_ =	sdelay $0x4  }
0xf3: {  	v61 =	vshrl.u32 v3, $0x3  }
0xf4: {  	v4 =	vmul.u32 $0x18, v61  }
0xf5: {  	v3 =	vand.u32 $0x7, v3  }
0xf6: {  	v3 =	vor.u32 v3, v4  }
0xf7: {  	v4 =	vperm.xlane v3, v0;
	_ =	sdelay $0x1  }
0xf8: {  	v4 =	vadd.s32 v1, v4;
	_ =	sdelay $0x1  }
0xf9: {  	v3 =	vperm.xlane v3, v2;
	_ =	sdelay $0x1  }
0xfa: {  	s26 =	simm.s32 $0x14000;
	v3 =	vadd.s32 v1, v3  }
0xfb: {  	[tilespmem:s26], [sflag:$0x2] =	stream.indirect_vreg.gather [hbm4b:s4+s2], $0x80, v4, vm0, $0xb8;
	[tilespmem:$0x18800] =	vst v63  }
0xfc: {  	s26 =	simm.s32 $0x14800  }
0xfd: {  	[tilespmem:s26], [sflag:$0x2] =	stream.indirect_vreg.gather [hbm4b:s5+s2], $0x80, v4, vm1, $0xb8;
	[tilespmem:$0x18800] =	vst v63  }
0xfe: {  	s26 =	simm.s32 $0x14C00  }
0xff: {  	[tilespmem:s26], [sflag:$0x2] =	stream.indirect_vreg.gather [hbm4b:s4+s2], $0x80, v3, vm0, $0xb8;
	[tilespmem:$0x18800] =	vst v63  }
0x100: {  	s26 =	simm.s32 $0x15400  }
0x101: {  	[tilespmem:s26], [sflag:$0x2] =	stream.indirect_vreg.gather [hbm4b:s5+s2], $0x80, v3, vm1, $0xb8;
	[tilespmem:$0x18800] =	vst v63  }
0x102: {  	v3 =	vld [tilespmem:$0xE0];
	_ =	sdelay $0x4  }
0x103: {  	v62 =	vshrl.u32 v3, $0x3  }
0x104: {  	v4 =	vmul.u32 $0x18, v62  }
0x105: {  	v3 =	vand.u32 $0x7, v3  }
0x106: {  	v3 =	vor.u32 v3, v4  }
0x107: {  	v4 =	vperm.xlane v3, v0;
	_ =	sdelay $0x1  }
0x108: {  	v4 =	vadd.s32 v1, v4;
	_ =	sdelay $0x1  }
0x109: {  	v3 =	vperm.xlane v3, v2;
	_ =	sdelay $0x1  }
0x10a: {  	s26 =	simm.s32 $0x15800;
	v3 =	vadd.s32 v1, v3  }
0x10b: {  	[tilespmem:s26], [sflag:$0x2] =	stream.indirect_vreg.gather [hbm4b:s4+s2], $0x80, v4, vm0, $0xb8;
	[tilespmem:$0x18800] =	vst v63  }
0x10c: {  	s26 =	simm.s32 $0x16000  }
0x10d: {  	[tilespmem:s26], [sflag:$0x2] =	stream.indirect_vreg.gather [hbm4b:s5+s2], $0x80, v4, vm1, $0xb8;
	[tilespmem:$0x18800] =	vst v63  }
0x10e: {  	s26 =	simm.s32 $0x16400  }
0x10f: {  	[tilespmem:s26], [sflag:$0x2] =	stream.indirect_vreg.gather [hbm4b:s4+s2], $0x80, v3, vm0, $0xb8;
	[tilespmem:$0x18800] =	vst v63  }
0x110: {  	s26 =	simm.s32 $0x16C00  }
0x111: {  	[tilespmem:s26], [sflag:$0x2] =	stream.indirect_vreg.gather [hbm4b:s5+s2], $0x80, v3, vm1, $0xb8;
	[tilespmem:$0x18800] =	vst v63  }
0x112: {  	v3 =	vld [tilespmem:$0xF0];
	_ =	sdelay $0x4  }
0x113: {  	v63 =	vshrl.u32 v3, $0x3  }
0x114: {  	v4 =	vmul.u32 $0x18, v63  }
0x115: {  	v3 =	vand.u32 $0x7, v3  }
0x116: {  	v3 =	vor.u32 v3, v4  }
0x117: {  	v4 =	vperm.xlane v3, v0;
	_ =	sdelay $0x1  }
0x118: {  	v4 =	vadd.s32 v1, v4;
	_ =	sdelay $0x1  }
0x119: {  	v3 =	vperm.xlane v3, v2;
	_ =	sdelay $0x1  }
0x11a: {  	s26 =	simm.s32 $0x17000;
	v3 =	vadd.s32 v1, v3  }
0x11b: {  	[tilespmem:s26], [sflag:$0x2] =	stream.indirect_vreg.gather [hbm4b:s4+s2], $0x80, v4, vm0, $0xb8;
	[tilespmem:$0x18800] =	vst v63  }
0x11c: {  	s26 =	simm.s32 $0x17800  }
0x11d: {  	[tilespmem:s26], [sflag:$0x2] =	stream.indirect_vreg.gather [hbm4b:s5+s2], $0x80, v4, vm1, $0xb8;
	[tilespmem:$0x18800] =	vst v63  }
0x11e: {  	s26 =	simm.s32 $0x17C00  }
0x11f: {  	[tilespmem:s26], [sflag:$0x2] =	stream.indirect_vreg.gather [hbm4b:s4+s2], $0x80, v3, vm0, $0xb8;
	[tilespmem:$0x18800] =	vst v63  }
0x120: {  	s0 =	simm.s32 $0x18400  }
0x121: {  	[tilespmem:s0], [sflag:$0x2] =	stream.indirect_vreg.gather [hbm4b:s5+s2], $0x80, v3, vm1, $0xb8;
	[tilespmem:$0x18800] =	vst v63  }
0x122: {  	s26 =	rddreg [dreg:$0x13];
	s0 =	simm.s32 $0x800  }
0x123: {  	[hbm4b:s26+s2] =	stream.linear.scatter [tilespmem:s0], [sflag:$0x3], $0xC000, $0x38;
	[tilespmem:$0x18800] =	vst v63  }
0x124: {  	_ =	swait.ge [sflag:s23], $0xC000  }
0x125: {  	[sflag:s23] =	ssyncset.done $0x0  }
0x126: {  	[sflag:s23] =	ssyncadd.s32 $0xFFFF4000  }
0x127: {  	_ =	swait.ge [sflag:s24], $0xC000  }
0x128: {  	[sflag:s24] =	ssyncset.done $0x0  }
0x129: {  	[sflag:s24] =	ssyncadd.s32 $0xFFFF4000  }
0x12a: {  	v3 =	vld [tilespmem:$0x100];
	_ =	sdelay $0x4  }
0x12b: {  	v8 =	vshrl.u32 v3, $0x3  }
0x12c: {  	v4 =	vmul.u32 $0x18, v8  }
0x12d: {  	v3 =	vand.u32 $0x7, v3  }
0x12e: {  	v3 =	vor.u32 v3, v4  }
0x12f: {  	v4 =	vperm.xlane v3, v0;
	_ =	sdelay $0x1  }
0x130: {  	v4 =	vadd.s32 v1, v4;
	_ =	sdelay $0x1  }
0x131: {  	v3 =	vperm.xlane v3, v2;
	_ =	sdelay $0x1  }
0x132: {  	v3 =	vadd.s32 v1, v3  }
0x133: {  	[tilespmem:s0], [sflag:$0x1] =	stream.indirect_vreg.gather [hbm4b:s4+s2], $0x80, v4, vm0, $0xb8;
	[tilespmem:$0x18800] =	vst v63  }
0x134: {  	s26 =	simm.s32 $0x1000  }
0x135: {  	[tilespmem:s26], [sflag:$0x1] =	stream.indirect_vreg.gather [hbm4b:s5+s2], $0x80, v4, vm1, $0xb8;
	[tilespmem:$0x18800] =	vst v63  }
0x136: {  	s26 =	simm.s32 $0x1400  }
0x137: {  	[tilespmem:s26], [sflag:$0x1] =	stream.indirect_vreg.gather [hbm4b:s4+s2], $0x80, v3, vm0, $0xb8;
	[tilespmem:$0x18800] =	vst v63  }
0x138: {  	s1 =	simm.s32 $0x1C00  }
0x139: {  	[tilespmem:s1], [sflag:$0x1] =	stream.indirect_vreg.gather [hbm4b:s5+s2], $0x80, v3, vm1, $0xb8;
	[tilespmem:$0x18800] =	vst v63  }
0x13a: {  	v3 =	vld [tilespmem:$0x110];
	_ =	sdelay $0x4  }
0x13b: {  	v9 =	vshrl.u32 v3, $0x3  }
0x13c: {  	v4 =	vmul.u32 $0x18, v9  }
0x13d: {  	v3 =	vand.u32 $0x7, v3  }
0x13e: {  	v3 =	vor.u32 v3, v4  }
0x13f: {  	v4 =	vperm.xlane v3, v0;
	_ =	sdelay $0x1  }
0x140: {  	v4 =	vadd.s32 v1, v4;
	_ =	sdelay $0x1  }
0x141: {  	v3 =	vperm.xlane v3, v2;
	_ =	sdelay $0x1  }
0x142: {  	s26 =	simm.s32 $0x2000;
	v3 =	vadd.s32 v1, v3  }
0x143: {  	[tilespmem:s26], [sflag:$0x1] =	stream.indirect_vreg.gather [hbm4b:s4+s2], $0x80, v4, vm0, $0xb8;
	[tilespmem:$0x18800] =	vst v63  }
0x144: {  	s1 =	simm.s32 $0x2800  }
0x145: {  	[tilespmem:s1], [sflag:$0x1] =	stream.indirect_vreg.gather [hbm4b:s5+s2], $0x80, v4, vm1, $0xb8;
	[tilespmem:$0x18800] =	vst v63  }
0x146: {  	s11 =	simm.s32 $0x2C00  }
0x147: {  	[tilespmem:s11], [sflag:$0x1] =	stream.indirect_vreg.gather [hbm4b:s4+s2], $0x80, v3, vm0, $0xb8;
	[tilespmem:$0x18800] =	vst v63  }
0x148: {  	s3 =	simm.s32 $0x3400  }
0x149: {  	[tilespmem:s3], [sflag:$0x1] =	stream.indirect_vreg.gather [hbm4b:s5+s2], $0x80, v3, vm1, $0xb8;
	[tilespmem:$0x18800] =	vst v63  }
0x14a: {  	v3 =	vld [tilespmem:$0x120];
	_ =	sdelay $0x4  }
0x14b: {  	v10 =	vshrl.u32 v3, $0x3  }
0x14c: {  	v4 =	vmul.u32 $0x18, v10  }
0x14d: {  	v3 =	vand.u32 $0x7, v3  }
0x14e: {  	v3 =	vor.u32 v3, v4  }
0x14f: {  	v4 =	vperm.xlane v3, v0;
	_ =	sdelay $0x1  }
0x150: {  	v4 =	vadd.s32 v1, v4;
	_ =	sdelay $0x1  }
0x151: {  	v3 =	vperm.xlane v3, v2;
	_ =	sdelay $0x1  }
0x152: {  	s12 =	simm.s32 $0x3800;
	v3 =	vadd.s32 v1, v3  }
0x153: {  	[tilespmem:s12], [sflag:$0x1] =	stream.indirect_vreg.gather [hbm4b:s4+s2], $0x80, v4, vm0, $0xb8;
	[tilespmem:$0x18800] =	vst v63  }
0x154: {  	s16 =	simm.s32 $0x4000  }
0x155: {  	[tilespmem:s16], [sflag:$0x1] =	stream.indirect_vreg.gather [hbm4b:s5+s2], $0x80, v4, vm1, $0xb8;
	[tilespmem:$0x18800] =	vst v63  }
0x156: {  	s17 =	simm.s32 $0x4400  }
0x157: {  	[tilespmem:s17], [sflag:$0x1] =	stream.indirect_vreg.gather [hbm4b:s4+s2], $0x80, v3, vm0, $0xb8;
	[tilespmem:$0x18800] =	vst v63  }
0x158: {  	s6 =	simm.s32 $0x4C00  }
0x159: {  	[tilespmem:s6], [sflag:$0x1] =	stream.indirect_vreg.gather [hbm4b:s5+s2], $0x80, v3, vm1, $0xb8;
	[tilespmem:$0x18800] =	vst v63  }
0x15a: {  	v3 =	vld [tilespmem:$0x130];
	_ =	sdelay $0x4  }
0x15b: {  	v11 =	vshrl.u32 v3, $0x3  }
0x15c: {  	v4 =	vmul.u32 $0x18, v11  }
0x15d: {  	v3 =	vand.u32 $0x7, v3  }
0x15e: {  	v3 =	vor.u32 v3, v4  }
0x15f: {  	v4 =	vperm.xlane v3, v0;
	_ =	sdelay $0x1  }
0x160: {  	v4 =	vadd.s32 v1, v4;
	_ =	sdelay $0x1  }
0x161: {  	v3 =	vperm.xlane v3, v2;
	_ =	sdelay $0x1  }
0x162: {  	s18 =	simm.s32 $0x5000;
	v3 =	vadd.s32 v1, v3  }
0x163: {  	[tilespmem:s18], [sflag:$0x1] =	stream.indirect_vreg.gather [hbm4b:s4+s2], $0x80, v4, vm0, $0xb8;
	[tilespmem:$0x18800] =	vst v63  }
0x164: {  	s19 =	simm.s32 $0x5800  }
0x165: {  	[tilespmem:s19], [sflag:$0x1] =	stream.indirect_vreg.gather [hbm4b:s5+s2], $0x80, v4, vm1, $0xb8;
	[tilespmem:$0x18800] =	vst v63  }
0x166: {  	s20 =	simm.s32 $0x5C00  }
0x167: {  	[tilespmem:s20], [sflag:$0x1] =	stream.indirect_vreg.gather [hbm4b:s4+s2], $0x80, v3, vm0, $0xb8;
	[tilespmem:$0x18800] =	vst v63  }
0x168: {  	s7 =	simm.s32 $0x6400  }
0x169: {  	[tilespmem:s7], [sflag:$0x1] =	stream.indirect_vreg.gather [hbm4b:s5+s2], $0x80, v3, vm1, $0xb8;
	[tilespmem:$0x18800] =	vst v63  }
0x16a: {  	v3 =	vld [tilespmem:$0x140];
	_ =	sdelay $0x4  }
0x16b: {  	v12 =	vshrl.u32 v3, $0x3  }
0x16c: {  	v4 =	vmul.u32 $0x18, v12  }
0x16d: {  	v3 =	vand.u32 $0x7, v3  }
0x16e: {  	v3 =	vor.u32 v3, v4  }
0x16f: {  	v4 =	vperm.xlane v3, v0;
	_ =	sdelay $0x1  }
0x170: {  	v4 =	vadd.s32 v1, v4;
	_ =	sdelay $0x1  }
0x171: {  	v3 =	vperm.xlane v3, v2;
	_ =	sdelay $0x1  }
0x172: {  	s22 =	simm.s32 $0x6800;
	v3 =	vadd.s32 v1, v3  }
0x173: {  	[tilespmem:s22], [sflag:$0x1] =	stream.indirect_vreg.gather [hbm4b:s4+s2], $0x80, v4, vm0, $0xb8;
	[tilespmem:$0x18800] =	vst v63  }
0x174: {  	s28 =	simm.s32 $0x7000  }
0x175: {  	[tilespmem:s28], [sflag:$0x1] =	stream.indirect_vreg.gather [hbm4b:s5+s2], $0x80, v4, vm1, $0xb8;
	[tilespmem:$0x18800] =	vst v63  }
0x176: {  	s30 =	simm.s32 $0x7400  }
0x177: {  	[tilespmem:s30], [sflag:$0x1] =	stream.indirect_vreg.gather [hbm4b:s4+s2], $0x80, v3, vm0, $0xb8;
	[tilespmem:$0x18800] =	vst v63  }
0x178: {  	s8 =	simm.s32 $0x7C00  }
0x179: {  	[tilespmem:s8], [sflag:$0x1] =	stream.indirect_vreg.gather [hbm4b:s5+s2], $0x80, v3, vm1, $0xb8;
	[tilespmem:$0x18800] =	vst v63  }
0x17a: {  	v3 =	vld [tilespmem:$0x150];
	_ =	sdelay $0x4  }
0x17b: {  	v13 =	vshrl.u32 v3, $0x3  }
0x17c: {  	v4 =	vmul.u32 $0x18, v13  }
0x17d: {  	v3 =	vand.u32 $0x7, v3  }
0x17e: {  	v3 =	vor.u32 v3, v4  }
0x17f: {  	v4 =	vperm.xlane v3, v0;
	_ =	sdelay $0x1  }
0x180: {  	v4 =	vadd.s32 v1, v4;
	_ =	sdelay $0x1  }
0x181: {  	v3 =	vperm.xlane v3, v2;
	_ =	sdelay $0x1  }
0x182: {  	s31 =	simm.s32 $0x8000;
	v3 =	vadd.s32 v1, v3  }
0x183: {  	[tilespmem:s31], [sflag:$0x1] =	stream.indirect_vreg.gather [hbm4b:s4+s2], $0x80, v4, vm0, $0xb8;
	[tilespmem:$0x18800] =	vst v63  }
0x184: {  	s12 =	simm.s32 $0x8800  }
0x185: {  	[tilespmem:s12], [sflag:$0x1] =	stream.indirect_vreg.gather [hbm4b:s5+s2], $0x80, v4, vm1, $0xb8;
	[tilespmem:$0x18800] =	vst v63  }
0x186: {  	s16 =	simm.s32 $0x8C00  }
0x187: {  	[tilespmem:s16], [sflag:$0x1] =	stream.indirect_vreg.gather [hbm4b:s4+s2], $0x80, v3, vm0, $0xb8;
	[tilespmem:$0x18800] =	vst v63  }
0x188: {  	s9 =	simm.s32 $0x9400  }
0x189: {  	[tilespmem:s9], [sflag:$0x1] =	stream.indirect_vreg.gather [hbm4b:s5+s2], $0x80, v3, vm1, $0xb8;
	[tilespmem:$0x18800] =	vst v63  }
0x18a: {  	v3 =	vld [tilespmem:$0x160];
	_ =	sdelay $0x4  }
0x18b: {  	v14 =	vshrl.u32 v3, $0x3  }
0x18c: {  	v4 =	vmul.u32 $0x18, v14  }
0x18d: {  	v3 =	vand.u32 $0x7, v3  }
0x18e: {  	v3 =	vor.u32 v3, v4  }
0x18f: {  	v4 =	vperm.xlane v3, v0;
	_ =	sdelay $0x1  }
0x190: {  	v4 =	vadd.s32 v1, v4;
	_ =	sdelay $0x1  }
0x191: {  	v3 =	vperm.xlane v3, v2;
	_ =	sdelay $0x1  }
0x192: {  	s17 =	simm.s32 $0x9800;
	v3 =	vadd.s32 v1, v3  }
0x193: {  	[tilespmem:s17], [sflag:$0x1] =	stream.indirect_vreg.gather [hbm4b:s4+s2], $0x80, v4, vm0, $0xb8;
	[tilespmem:$0x18800] =	vst v63  }
0x194: {  	s13 =	simm.s32 $0xA000  }
0x195: {  	[tilespmem:s13], [sflag:$0x1] =	stream.indirect_vreg.gather [hbm4b:s5+s2], $0x80, v4, vm1, $0xb8;
	[tilespmem:$0x18800] =	vst v63  }
0x196: {  	s15 =	simm.s32 $0xA400  }
0x197: {  	[tilespmem:s15], [sflag:$0x1] =	stream.indirect_vreg.gather [hbm4b:s4+s2], $0x80, v3, vm0, $0xb8;
	[tilespmem:$0x18800] =	vst v63  }
0x198: {  	s10 =	simm.s32 $0xAC00  }
0x199: {  	[tilespmem:s10], [sflag:$0x1] =	stream.indirect_vreg.gather [hbm4b:s5+s2], $0x80, v3, vm1, $0xb8;
	[tilespmem:$0x18800] =	vst v63  }
0x19a: {  	v3 =	vld [tilespmem:$0x170];
	_ =	sdelay $0x4  }
0x19b: {  	v15 =	vshrl.u32 v3, $0x3  }
0x19c: {  	v4 =	vmul.u32 $0x18, v15  }
0x19d: {  	v3 =	vand.u32 $0x7, v3  }
0x19e: {  	v3 =	vor.u32 v3, v4  }
0x19f: {  	v4 =	vperm.xlane v3, v0;
	_ =	sdelay $0x1  }
0x1a0: {  	v4 =	vadd.s32 v1, v4;
	_ =	sdelay $0x1  }
0x1a1: {  	v3 =	vperm.xlane v3, v2;
	_ =	sdelay $0x1  }
0x1a2: {  	s21 =	simm.s32 $0xB000;
	v3 =	vadd.s32 v1, v3  }
0x1a3: {  	[tilespmem:s21], [sflag:$0x1] =	stream.indirect_vreg.gather [hbm4b:s4+s2], $0x80, v4, vm0, $0xb8;
	[tilespmem:$0x18800] =	vst v63  }
0x1a4: {  	s29 =	simm.s32 $0xB800  }
0x1a5: {  	[tilespmem:s29], [sflag:$0x1] =	stream.indirect_vreg.gather [hbm4b:s5+s2], $0x80, v4, vm1, $0xb8;
	[tilespmem:$0x18800] =	vst v63  }
0x1a6: {  	s18 =	simm.s32 $0xBC00  }
0x1a7: {  	[tilespmem:s18], [sflag:$0x1] =	stream.indirect_vreg.gather [hbm4b:s4+s2], $0x80, v3, vm0, $0xb8;
	[tilespmem:$0x18800] =	vst v63  }
0x1a8: {  	s20 =	simm.s32 $0xC400  }
0x1a9: {  	[tilespmem:s20], [sflag:$0x1] =	stream.indirect_vreg.gather [hbm4b:s5+s2], $0x80, v3, vm1, $0xb8;
	[tilespmem:$0x18800] =	vst v63  }
0x1aa: {  	s19 =	rddreg [dreg:$0x4];
	s21 =	simm.s32 $0xC800  }
0x1ab: {  	[hbm4b:s19+s2] =	stream.linear.scatter [tilespmem:s21], [sflag:$0x4], $0xC000, $0x38;
	[tilespmem:$0x18800] =	vst v63  }
0x1ac: {  	_ =	swait.ge [sflag:s14], $0xC000  }
0x1ad: {  	[sflag:s14] =	ssyncset.done $0x0  }
0x1ae: {  	[sflag:s14] =	ssyncadd.s32 $0xFFFF4000  }
0x1af: {  	_ =	swait.ge [sflag:s25], $0xC000  }
0x1b0: {  	[sflag:s25] =	ssyncset.done $0x0  }
0x1b1: {  	[sflag:s25] =	ssyncadd.s32 $0xFFFF4000  }
0x1b2: {  	v3 =	vld [tilespmem:$0x180];
	_ =	sdelay $0x4  }
0x1b3: {  	v16 =	vshrl.u32 v3, $0x3  }
0x1b4: {  	v4 =	vmul.u32 $0x18, v16  }
0x1b5: {  	v3 =	vand.u32 $0x7, v3  }
0x1b6: {  	v3 =	vor.u32 v3, v4  }
0x1b7: {  	v4 =	vperm.xlane v3, v0;
	_ =	sdelay $0x1  }
0x1b8: {  	v4 =	vadd.s32 v1, v4;
	_ =	sdelay $0x1  }
0x1b9: {  	v3 =	vperm.xlane v3, v2;
	_ =	sdelay $0x1  }
0x1ba: {  	v3 =	vadd.s32 v1, v3  }
0x1bb: {  	[tilespmem:s21], [sflag:$0x2] =	stream.indirect_vreg.gather [hbm4b:s4+s2], $0x80, v4, vm0, $0xb8;
	[tilespmem:$0x18800] =	vst v63  }
0x1bc: {  	s6 =	simm.s32 $0xD000  }
0x1bd: {  	[tilespmem:s6], [sflag:$0x2] =	stream.indirect_vreg.gather [hbm4b:s5+s2], $0x80, v4, vm1, $0xb8;
	[tilespmem:$0x18800] =	vst v63  }
0x1be: {  	s1 =	simm.s32 $0xD400  }
0x1bf: {  	[tilespmem:s1], [sflag:$0x2] =	stream.indirect_vreg.gather [hbm4b:s4+s2], $0x80, v3, vm0, $0xb8;
	[tilespmem:$0x18800] =	vst v63  }
0x1c0: {  	s22 =	simm.s32 $0xDC00  }
0x1c1: {  	[tilespmem:s22], [sflag:$0x2] =	stream.indirect_vreg.gather [hbm4b:s5+s2], $0x80, v3, vm1, $0xb8;
	[tilespmem:$0x18800] =	vst v63  }
0x1c2: {  	v3 =	vld [tilespmem:$0x190];
	_ =	sdelay $0x4  }
0x1c3: {  	v17 =	vshrl.u32 v3, $0x3  }
0x1c4: {  	v4 =	vmul.u32 $0x18, v17  }
0x1c5: {  	v3 =	vand.u32 $0x7, v3  }
0x1c6: {  	v3 =	vor.u32 v3, v4  }
0x1c7: {  	v4 =	vperm.xlane v3, v0;
	_ =	sdelay $0x1  }
0x1c8: {  	v4 =	vadd.s32 v1, v4;
	_ =	sdelay $0x1  }
0x1c9: {  	v3 =	vperm.xlane v3, v2;
	_ =	sdelay $0x1  }
0x1ca: {  	s3 =	simm.s32 $0xE000;
	v3 =	vadd.s32 v1, v3  }
0x1cb: {  	[tilespmem:s3], [sflag:$0x2] =	stream.indirect_vreg.gather [hbm4b:s4+s2], $0x80, v4, vm0, $0xb8;
	[tilespmem:$0x18800] =	vst v63  }
0x1cc: {  	s7 =	simm.s32 $0xE800  }
0x1cd: {  	[tilespmem:s7], [sflag:$0x2] =	stream.indirect_vreg.gather [hbm4b:s5+s2], $0x80, v4, vm1, $0xb8;
	[tilespmem:$0x18800] =	vst v63  }
0x1ce: {  	s9 =	simm.s32 $0xEC00  }
0x1cf: {  	[tilespmem:s9], [sflag:$0x2] =	stream.indirect_vreg.gather [hbm4b:s4+s2], $0x80, v3, vm0, $0xb8;
	[tilespmem:$0x18800] =	vst v63  }
0x1d0: {  	s26 =	simm.s32 $0xF400  }
0x1d1: {  	[tilespmem:s26], [sflag:$0x2] =	stream.indirect_vreg.gather [hbm4b:s5+s2], $0x80, v3, vm1, $0xb8;
	[tilespmem:$0x18800] =	vst v63  }
0x1d2: {  	v3 =	vld [tilespmem:$0x1A0];
	_ =	sdelay $0x4  }
0x1d3: {  	v18 =	vshrl.u32 v3, $0x3  }
0x1d4: {  	v4 =	vmul.u32 $0x18, v18  }
0x1d5: {  	v3 =	vand.u32 $0x7, v3  }
0x1d6: {  	v3 =	vor.u32 v3, v4  }
0x1d7: {  	v4 =	vperm.xlane v3, v0;
	_ =	sdelay $0x1  }
0x1d8: {  	v4 =	vadd.s32 v1, v4;
	_ =	sdelay $0x1  }
0x1d9: {  	v3 =	vperm.xlane v3, v2;
	_ =	sdelay $0x1  }
0x1da: {  	s10 =	simm.s32 $0xF800;
	v3 =	vadd.s32 v1, v3  }
0x1db: {  	[tilespmem:s10], [sflag:$0x2] =	stream.indirect_vreg.gather [hbm4b:s4+s2], $0x80, v4, vm0, $0xb8;
	[tilespmem:$0x18800] =	vst v63  }
0x1dc: {  	s11 =	simm.s32 $0x10000  }
0x1dd: {  	[tilespmem:s11], [sflag:$0x2] =	stream.indirect_vreg.gather [hbm4b:s5+s2], $0x80, v4, vm1, $0xb8;
	[tilespmem:$0x18800] =	vst v63  }
0x1de: {  	s12 =	simm.s32 $0x10400  }
0x1df: {  	[tilespmem:s12], [sflag:$0x2] =	stream.indirect_vreg.gather [hbm4b:s4+s2], $0x80, v3, vm0, $0xb8;
	[tilespmem:$0x18800] =	vst v63  }
0x1e0: {  	s28 =	simm.s32 $0x10C00  }
0x1e1: {  	[tilespmem:s28], [sflag:$0x2] =	stream.indirect_vreg.gather [hbm4b:s5+s2], $0x80, v3, vm1, $0xb8;
	[tilespmem:$0x18800] =	vst v63  }
0x1e2: {  	v3 =	vld [tilespmem:$0x1B0];
	_ =	sdelay $0x4  }
0x1e3: {  	v19 =	vshrl.u32 v3, $0x3  }
0x1e4: {  	v4 =	vmul.u32 $0x18, v19  }
0x1e5: {  	v3 =	vand.u32 $0x7, v3  }
0x1e6: {  	v3 =	vor.u32 v3, v4  }
0x1e7: {  	v4 =	vperm.xlane v3, v0;
	_ =	sdelay $0x1  }
0x1e8: {  	v4 =	vadd.s32 v1, v4;
	_ =	sdelay $0x1  }
0x1e9: {  	v3 =	vperm.xlane v3, v2;
	_ =	sdelay $0x1  }
0x1ea: {  	s13 =	simm.s32 $0x11000;
	v3 =	vadd.s32 v1, v3  }
0x1eb: {  	[tilespmem:s13], [sflag:$0x2] =	stream.indirect_vreg.gather [hbm4b:s4+s2], $0x80, v4, vm0, $0xb8;
	[tilespmem:$0x18800] =	vst v63  }
0x1ec: {  	s16 =	simm.s32 $0x11800  }
0x1ed: {  	[tilespmem:s16], [sflag:$0x2] =	stream.indirect_vreg.gather [hbm4b:s5+s2], $0x80, v4, vm1, $0xb8;
	[tilespmem:$0x18800] =	vst v63  }
0x1ee: {  	s17 =	simm.s32 $0x11C00  }
0x1ef: {  	[tilespmem:s17], [sflag:$0x2] =	stream.indirect_vreg.gather [hbm4b:s4+s2], $0x80, v3, vm0, $0xb8;
	[tilespmem:$0x18800] =	vst v63  }
0x1f0: {  	s29 =	simm.s32 $0x12400  }
0x1f1: {  	[tilespmem:s29], [sflag:$0x2] =	stream.indirect_vreg.gather [hbm4b:s5+s2], $0x80, v3, vm1, $0xb8;
	[tilespmem:$0x18800] =	vst v63  }
0x1f2: {  	v3 =	vld [tilespmem:$0x1C0];
	_ =	sdelay $0x4  }
0x1f3: {  	v20 =	vshrl.u32 v3, $0x3  }
0x1f4: {  	v4 =	vmul.u32 $0x18, v20  }
0x1f5: {  	v3 =	vand.u32 $0x7, v3  }
0x1f6: {  	v3 =	vor.u32 v3, v4  }
0x1f7: {  	v4 =	vperm.xlane v3, v0;
	_ =	sdelay $0x1  }
0x1f8: {  	v4 =	vadd.s32 v1, v4;
	_ =	sdelay $0x1  }
0x1f9: {  	v3 =	vperm.xlane v3, v2;
	_ =	sdelay $0x1  }
0x1fa: {  	s18 =	simm.s32 $0x12800;
	v3 =	vadd.s32 v1, v3  }
0x1fb: {  	[tilespmem:s18], [sflag:$0x2] =	stream.indirect_vreg.gather [hbm4b:s4+s2], $0x80, v4, vm0, $0xb8;
	[tilespmem:$0x18800] =	vst v63  }
0x1fc: {  	s19 =	simm.s32 $0x13000  }
0x1fd: {  	[tilespmem:s19], [sflag:$0x2] =	stream.indirect_vreg.gather [hbm4b:s5+s2], $0x80, v4, vm1, $0xb8;
	[tilespmem:$0x18800] =	vst v63  }
0x1fe: {  	s20 =	simm.s32 $0x13400  }
0x1ff: {  	[tilespmem:s20], [sflag:$0x2] =	stream.indirect_vreg.gather [hbm4b:s4+s2], $0x80, v3, vm0, $0xb8;
	[tilespmem:$0x18800] =	vst v63  }
0x200: {  	s30 =	simm.s32 $0x13C00  }
0x201: {  	[tilespmem:s30], [sflag:$0x2] =	stream.indirect_vreg.gather [hbm4b:s5+s2], $0x80, v3, vm1, $0xb8;
	[tilespmem:$0x18800] =	vst v63  }
0x202: {  	v3 =	vld [tilespmem:$0x1D0];
	_ =	sdelay $0x4  }
0x203: {  	v21 =	vshrl.u32 v3, $0x3  }
0x204: {  	v4 =	vmul.u32 $0x18, v21  }
0x205: {  	v3 =	vand.u32 $0x7, v3  }
0x206: {  	v3 =	vor.u32 v3, v4  }
0x207: {  	v4 =	vperm.xlane v3, v0;
	_ =	sdelay $0x1  }
0x208: {  	v4 =	vadd.s32 v1, v4;
	_ =	sdelay $0x1  }
0x209: {  	v3 =	vperm.xlane v3, v2;
	_ =	sdelay $0x1  }
0x20a: {  	s21 =	simm.s32 $0x14000;
	v3 =	vadd.s32 v1, v3  }
0x20b: {  	[tilespmem:s21], [sflag:$0x2] =	stream.indirect_vreg.gather [hbm4b:s4+s2], $0x80, v4, vm0, $0xb8;
	[tilespmem:$0x18800] =	vst v63  }
0x20c: {  	s22 =	simm.s32 $0x14800  }
0x20d: {  	[tilespmem:s22], [sflag:$0x2] =	stream.indirect_vreg.gather [hbm4b:s5+s2], $0x80, v4, vm1, $0xb8;
	[tilespmem:$0x18800] =	vst v63  }
0x20e: {  	s28 =	simm.s32 $0x14C00  }
0x20f: {  	[tilespmem:s28], [sflag:$0x2] =	stream.indirect_vreg.gather [hbm4b:s4+s2], $0x80, v3, vm0, $0xb8;
	[tilespmem:$0x18800] =	vst v63  }
0x210: {  	s31 =	simm.s32 $0x15400  }
0x211: {  	[tilespmem:s31], [sflag:$0x2] =	stream.indirect_vreg.gather [hbm4b:s5+s2], $0x80, v3, vm1, $0xb8;
	[tilespmem:$0x18800] =	vst v63  }
0x212: {  	v3 =	vld [tilespmem:$0x1E0];
	_ =	sdelay $0x4  }
0x213: {  	v22 =	vshrl.u32 v3, $0x3  }
0x214: {  	v4 =	vmul.u32 $0x18, v22  }
0x215: {  	v3 =	vand.u32 $0x7, v3  }
0x216: {  	v3 =	vor.u32 v3, v4  }
0x217: {  	v4 =	vperm.xlane v3, v0;
	_ =	sdelay $0x1  }
0x218: {  	v4 =	vadd.s32 v1, v4;
	_ =	sdelay $0x1  }
0x219: {  	v3 =	vperm.xlane v3, v2;
	_ =	sdelay $0x1  }
0x21a: {  	s29 =	simm.s32 $0x15800;
	v3 =	vadd.s32 v1, v3  }
0x21b: {  	[tilespmem:s29], [sflag:$0x2] =	stream.indirect_vreg.gather [hbm4b:s4+s2], $0x80, v4, vm0, $0xb8;
	[tilespmem:$0x18800] =	vst v63  }
0x21c: {  	s30 =	simm.s32 $0x16000  }
0x21d: {  	[tilespmem:s30], [sflag:$0x2] =	stream.indirect_vreg.gather [hbm4b:s5+s2], $0x80, v4, vm1, $0xb8;
	[tilespmem:$0x18800] =	vst v63  }
0x21e: {  	s31 =	simm.s32 $0x16400  }
0x21f: {  	[tilespmem:s31], [sflag:$0x2] =	stream.indirect_vreg.gather [hbm4b:s4+s2], $0x80, v3, vm0, $0xb8;
	[tilespmem:$0x18800] =	vst v63  }
0x220: {  	s15 =	simm.s32 $0x16C00  }
0x221: {  	[tilespmem:s15], [sflag:$0x2] =	stream.indirect_vreg.gather [hbm4b:s5+s2], $0x80, v3, vm1, $0xb8;
	[tilespmem:$0x18800] =	vst v63  }
0x222: {  	v3 =	vld [tilespmem:$0x1F0];
	_ =	sdelay $0x4  }
0x223: {  	v23 =	vshrl.u32 v3, $0x3  }
0x224: {  	v4 =	vmul.u32 $0x18, v23  }
0x225: {  	v3 =	vand.u32 $0x7, v3  }
0x226: {  	v3 =	vor.u32 v3, v4  }
0x227: {  	v4 =	vperm.xlane v3, v0;
	_ =	sdelay $0x1  }
0x228: {  	v4 =	vadd.s32 v1, v4;
	_ =	sdelay $0x1  }
0x229: {  	v3 =	vperm.xlane v3, v2;
	_ =	sdelay $0x1  }
0x22a: {  	s26 =	simm.s32 $0x17000;
	v3 =	vadd.s32 v1, v3  }
0x22b: {  	[tilespmem:s26], [sflag:$0x2] =	stream.indirect_vreg.gather [hbm4b:s4+s2], $0x80, v4, vm0, $0xb8;
	[tilespmem:$0x18800] =	vst v63  }
0x22c: {  	s15 =	simm.s32 $0x17800  }
0x22d: {  	[tilespmem:s15], [sflag:$0x2] =	stream.indirect_vreg.gather [hbm4b:s5+s2], $0x80, v4, vm1, $0xb8;
	[tilespmem:$0x18800] =	vst v63  }
0x22e: {  	s15 =	simm.s32 $0x17C00  }
0x22f: {  	[tilespmem:s15], [sflag:$0x2] =	stream.indirect_vreg.gather [hbm4b:s4+s2], $0x80, v3, vm0, $0xb8;
	[tilespmem:$0x18800] =	vst v63  }
0x230: {  	s0 =	simm.s32 $0x18400  }
0x231: {  	[tilespmem:s0], [sflag:$0x2] =	stream.indirect_vreg.gather [hbm4b:s5+s2], $0x80, v3, vm1, $0xb8;
	[tilespmem:$0x18800] =	vst v63  }
0x232: {  	s26 =	rddreg [dreg:$0x5];
	s0 =	simm.s32 $0x800  }
0x233: {  	[hbm4b:s26+s2] =	stream.linear.scatter [tilespmem:s0], [sflag:$0x3], $0xC000, $0x38;
	[tilespmem:$0x18800] =	vst v63  }
0x234: {  	_ =	swait.ge [sflag:s23], $0xC000  }
0x235: {  	[sflag:s23] =	ssyncset.done $0x0  }
0x236: {  	[sflag:s23] =	ssyncadd.s32 $0xFFFF4000  }
0x237: {  	_ =	swait.ge [sflag:s24], $0xC000  }
0x238: {  	[sflag:s24] =	ssyncset.done $0x0  }
0x239: {  	[sflag:s24] =	ssyncadd.s32 $0xFFFF4000  }
0x23a: {  	v3 =	vld [tilespmem:$0x200];
	_ =	sdelay $0x4  }
0x23b: {  	v24 =	vshrl.u32 v3, $0x3  }
0x23c: {  	v4 =	vmul.u32 $0x18, v24  }
0x23d: {  	v3 =	vand.u32 $0x7, v3  }
0x23e: {  	v3 =	vor.u32 v3, v4  }
0x23f: {  	v4 =	vperm.xlane v3, v0;
	_ =	sdelay $0x1  }
0x240: {  	v4 =	vadd.s32 v1, v4;
	_ =	sdelay $0x1  }
0x241: {  	v3 =	vperm.xlane v3, v2;
	_ =	sdelay $0x1  }
0x242: {  	v3 =	vadd.s32 v1, v3  }
0x243: {  	[tilespmem:s0], [sflag:$0x1] =	stream.indirect_vreg.gather [hbm4b:s4+s2], $0x80, v4, vm0, $0xb8;
	[tilespmem:$0x18800] =	vst v63  }
0x244: {  	s26 =	simm.s32 $0x1000  }
0x245: {  	[tilespmem:s26], [sflag:$0x1] =	stream.indirect_vreg.gather [hbm4b:s5+s2], $0x80, v4, vm1, $0xb8;
	[tilespmem:$0x18800] =	vst v63  }
0x246: {  	s26 =	simm.s32 $0x1400  }
0x247: {  	[tilespmem:s26], [sflag:$0x1] =	stream.indirect_vreg.gather [hbm4b:s4+s2], $0x80, v3, vm0, $0xb8;
	[tilespmem:$0x18800] =	vst v63  }
0x248: {  	s26 =	simm.s32 $0x1C00  }
0x249: {  	[tilespmem:s26], [sflag:$0x1] =	stream.indirect_vreg.gather [hbm4b:s5+s2], $0x80, v3, vm1, $0xb8;
	[tilespmem:$0x18800] =	vst v63  }
0x24a: {  	v3 =	vld [tilespmem:$0x210];
	_ =	sdelay $0x4  }
0x24b: {  	v25 =	vshrl.u32 v3, $0x3  }
0x24c: {  	v4 =	vmul.u32 $0x18, v25  }
0x24d: {  	v3 =	vand.u32 $0x7, v3  }
0x24e: {  	v3 =	vor.u32 v3, v4  }
0x24f: {  	v4 =	vperm.xlane v3, v0;
	_ =	sdelay $0x1  }
0x250: {  	v4 =	vadd.s32 v1, v4;
	_ =	sdelay $0x1  }
0x251: {  	v3 =	vperm.xlane v3, v2;
	_ =	sdelay $0x1  }
0x252: {  	s26 =	simm.s32 $0x2000;
	v3 =	vadd.s32 v1, v3  }
0x253: {  	[tilespmem:s26], [sflag:$0x1] =	stream.indirect_vreg.gather [hbm4b:s4+s2], $0x80, v4, vm0, $0xb8;
	[tilespmem:$0x18800] =	vst v63  }
0x254: {  	s26 =	simm.s32 $0x2800  }
0x255: {  	[tilespmem:s26], [sflag:$0x1] =	stream.indirect_vreg.gather [hbm4b:s5+s2], $0x80, v4, vm1, $0xb8;
	[tilespmem:$0x18800] =	vst v63  }
0x256: {  	s26 =	simm.s32 $0x2C00  }
0x257: {  	[tilespmem:s26], [sflag:$0x1] =	stream.indirect_vreg.gather [hbm4b:s4+s2], $0x80, v3, vm0, $0xb8;
	[tilespmem:$0x18800] =	vst v63  }
0x258: {  	s26 =	simm.s32 $0x3400  }
0x259: {  	[tilespmem:s26], [sflag:$0x1] =	stream.indirect_vreg.gather [hbm4b:s5+s2], $0x80, v3, vm1, $0xb8;
	[tilespmem:$0x18800] =	vst v63  }
0x25a: {  	v3 =	vld [tilespmem:$0x220];
	_ =	sdelay $0x4  }
0x25b: {  	v26 =	vshrl.u32 v3, $0x3  }
0x25c: {  	v4 =	vmul.u32 $0x18, v26  }
0x25d: {  	v3 =	vand.u32 $0x7, v3  }
0x25e: {  	v3 =	vor.u32 v3, v4  }
0x25f: {  	v4 =	vperm.xlane v3, v0;
	_ =	sdelay $0x1  }
0x260: {  	v4 =	vadd.s32 v1, v4;
	_ =	sdelay $0x1  }
0x261: {  	v3 =	vperm.xlane v3, v2;
	_ =	sdelay $0x1  }
0x262: {  	s26 =	simm.s32 $0x3800;
	v3 =	vadd.s32 v1, v3  }
0x263: {  	[tilespmem:s26], [sflag:$0x1] =	stream.indirect_vreg.gather [hbm4b:s4+s2], $0x80, v4, vm0, $0xb8;
	[tilespmem:$0x18800] =	vst v63  }
0x264: {  	s26 =	simm.s32 $0x4000  }
0x265: {  	[tilespmem:s26], [sflag:$0x1] =	stream.indirect_vreg.gather [hbm4b:s5+s2], $0x80, v4, vm1, $0xb8;
	[tilespmem:$0x18800] =	vst v63  }
0x266: {  	s26 =	simm.s32 $0x4400  }
0x267: {  	[tilespmem:s26], [sflag:$0x1] =	stream.indirect_vreg.gather [hbm4b:s4+s2], $0x80, v3, vm0, $0xb8;
	[tilespmem:$0x18800] =	vst v63  }
0x268: {  	s26 =	simm.s32 $0x4C00  }
0x269: {  	[tilespmem:s26], [sflag:$0x1] =	stream.indirect_vreg.gather [hbm4b:s5+s2], $0x80, v3, vm1, $0xb8;
	[tilespmem:$0x18800] =	vst v63  }
0x26a: {  	v3 =	vld [tilespmem:$0x230];
	_ =	sdelay $0x4  }
0x26b: {  	v27 =	vshrl.u32 v3, $0x3  }
0x26c: {  	v4 =	vmul.u32 $0x18, v27  }
0x26d: {  	v3 =	vand.u32 $0x7, v3  }
0x26e: {  	v3 =	vor.u32 v3, v4  }
0x26f: {  	v4 =	vperm.xlane v3, v0;
	_ =	sdelay $0x1  }
0x270: {  	v4 =	vadd.s32 v1, v4;
	_ =	sdelay $0x1  }
0x271: {  	v3 =	vperm.xlane v3, v2;
	_ =	sdelay $0x1  }
0x272: {  	s26 =	simm.s32 $0x5000;
	v3 =	vadd.s32 v1, v3  }
0x273: {  	[tilespmem:s26], [sflag:$0x1] =	stream.indirect_vreg.gather [hbm4b:s4+s2], $0x80, v4, vm0, $0xb8;
	[tilespmem:$0x18800] =	vst v63  }
0x274: {  	s26 =	simm.s32 $0x5800  }
0x275: {  	[tilespmem:s26], [sflag:$0x1] =	stream.indirect_vreg.gather [hbm4b:s5+s2], $0x80, v4, vm1, $0xb8;
	[tilespmem:$0x18800] =	vst v63  }
0x276: {  	s26 =	simm.s32 $0x5C00  }
0x277: {  	[tilespmem:s26], [sflag:$0x1] =	stream.indirect_vreg.gather [hbm4b:s4+s2], $0x80, v3, vm0, $0xb8;
	[tilespmem:$0x18800] =	vst v63  }
0x278: {  	s26 =	simm.s32 $0x6400  }
0x279: {  	[tilespmem:s26], [sflag:$0x1] =	stream.indirect_vreg.gather [hbm4b:s5+s2], $0x80, v3, vm1, $0xb8;
	[tilespmem:$0x18800] =	vst v63  }
0x27a: {  	v3 =	vld [tilespmem:$0x240];
	_ =	sdelay $0x4  }
0x27b: {  	v28 =	vshrl.u32 v3, $0x3  }
0x27c: {  	v4 =	vmul.u32 $0x18, v28  }
0x27d: {  	v3 =	vand.u32 $0x7, v3  }
0x27e: {  	v3 =	vor.u32 v3, v4  }
0x27f: {  	v4 =	vperm.xlane v3, v0;
	_ =	sdelay $0x1  }
0x280: {  	v4 =	vadd.s32 v1, v4;
	_ =	sdelay $0x1  }
0x281: {  	v3 =	vperm.xlane v3, v2;
	_ =	sdelay $0x1  }
0x282: {  	s26 =	simm.s32 $0x6800;
	v3 =	vadd.s32 v1, v3  }
0x283: {  	[tilespmem:s26], [sflag:$0x1] =	stream.indirect_vreg.gather [hbm4b:s4+s2], $0x80, v4, vm0, $0xb8;
	[tilespmem:$0x18800] =	vst v63  }
0x284: {  	s26 =	simm.s32 $0x7000  }
0x285: {  	[tilespmem:s26], [sflag:$0x1] =	stream.indirect_vreg.gather [hbm4b:s5+s2], $0x80, v4, vm1, $0xb8;
	[tilespmem:$0x18800] =	vst v63  }
0x286: {  	s26 =	simm.s32 $0x7400  }
0x287: {  	[tilespmem:s26], [sflag:$0x1] =	stream.indirect_vreg.gather [hbm4b:s4+s2], $0x80, v3, vm0, $0xb8;
	[tilespmem:$0x18800] =	vst v63  }
0x288: {  	s26 =	simm.s32 $0x7C00  }
0x289: {  	[tilespmem:s26], [sflag:$0x1] =	stream.indirect_vreg.gather [hbm4b:s5+s2], $0x80, v3, vm1, $0xb8;
	[tilespmem:$0x18800] =	vst v63  }
0x28a: {  	v3 =	vld [tilespmem:$0x250];
	_ =	sdelay $0x4  }
0x28b: {  	v29 =	vshrl.u32 v3, $0x3  }
0x28c: {  	v4 =	vmul.u32 $0x18, v29  }
0x28d: {  	v3 =	vand.u32 $0x7, v3  }
0x28e: {  	v3 =	vor.u32 v3, v4  }
0x28f: {  	v4 =	vperm.xlane v3, v0;
	_ =	sdelay $0x1  }
0x290: {  	v4 =	vadd.s32 v1, v4;
	_ =	sdelay $0x1  }
0x291: {  	v3 =	vperm.xlane v3, v2;
	_ =	sdelay $0x1  }
0x292: {  	s8 =	simm.s32 $0x8000;
	v3 =	vadd.s32 v1, v3  }
0x293: {  	[tilespmem:s8], [sflag:$0x1] =	stream.indirect_vreg.gather [hbm4b:s4+s2], $0x80, v4, vm0, $0xb8;
	[tilespmem:$0x18800] =	vst v63  }
0x294: {  	s8 =	simm.s32 $0x8800  }
0x295: {  	[tilespmem:s8], [sflag:$0x1] =	stream.indirect_vreg.gather [hbm4b:s5+s2], $0x80, v4, vm1, $0xb8;
	[tilespmem:$0x18800] =	vst v63  }
0x296: {  	s26 =	simm.s32 $0x8C00  }
0x297: {  	[tilespmem:s26], [sflag:$0x1] =	stream.indirect_vreg.gather [hbm4b:s4+s2], $0x80, v3, vm0, $0xb8;
	[tilespmem:$0x18800] =	vst v63  }
0x298: {  	s8 =	simm.s32 $0x9400  }
0x299: {  	[tilespmem:s8], [sflag:$0x1] =	stream.indirect_vreg.gather [hbm4b:s5+s2], $0x80, v3, vm1, $0xb8;
	[tilespmem:$0x18800] =	vst v63  }
0x29a: {  	v3 =	vld [tilespmem:$0x260];
	_ =	sdelay $0x4  }
0x29b: {  	v30 =	vshrl.u32 v3, $0x3  }
0x29c: {  	v4 =	vmul.u32 $0x18, v30  }
0x29d: {  	v3 =	vand.u32 $0x7, v3  }
0x29e: {  	v3 =	vor.u32 v3, v4  }
0x29f: {  	v4 =	vperm.xlane v3, v0;
	_ =	sdelay $0x1  }
0x2a0: {  	v4 =	vadd.s32 v1, v4;
	_ =	sdelay $0x1  }
0x2a1: {  	v3 =	vperm.xlane v3, v2;
	_ =	sdelay $0x1  }
0x2a2: {  	s26 =	simm.s32 $0x9800;
	v3 =	vadd.s32 v1, v3  }
0x2a3: {  	[tilespmem:s26], [sflag:$0x1] =	stream.indirect_vreg.gather [hbm4b:s4+s2], $0x80, v4, vm0, $0xb8;
	[tilespmem:$0x18800] =	vst v63  }
0x2a4: {  	s8 =	simm.s32 $0xA000  }
0x2a5: {  	[tilespmem:s8], [sflag:$0x1] =	stream.indirect_vreg.gather [hbm4b:s5+s2], $0x80, v4, vm1, $0xb8;
	[tilespmem:$0x18800] =	vst v63  }
0x2a6: {  	s26 =	simm.s32 $0xA400  }
0x2a7: {  	[tilespmem:s26], [sflag:$0x1] =	stream.indirect_vreg.gather [hbm4b:s4+s2], $0x80, v3, vm0, $0xb8;
	[tilespmem:$0x18800] =	vst v63  }
0x2a8: {  	s8 =	simm.s32 $0xAC00  }
0x2a9: {  	[tilespmem:s8], [sflag:$0x1] =	stream.indirect_vreg.gather [hbm4b:s5+s2], $0x80, v3, vm1, $0xb8;
	[tilespmem:$0x18800] =	vst v63  }
0x2aa: {  	v3 =	vld [tilespmem:$0x270];
	_ =	sdelay $0x4  }
0x2ab: {  	v31 =	vshrl.u32 v3, $0x3  }
0x2ac: {  	v4 =	vmul.u32 $0x18, v31  }
0x2ad: {  	v3 =	vand.u32 $0x7, v3  }
0x2ae: {  	v3 =	vor.u32 v3, v4  }
0x2af: {  	v4 =	vperm.xlane v3, v0;
	_ =	sdelay $0x1  }
0x2b0: {  	v4 =	vadd.s32 v1, v4;
	_ =	sdelay $0x1  }
0x2b1: {  	v3 =	vperm.xlane v3, v2;
	_ =	sdelay $0x1  }
0x2b2: {  	s26 =	simm.s32 $0xB000;
	v3 =	vadd.s32 v1, v3  }
0x2b3: {  	[tilespmem:s26], [sflag:$0x1] =	stream.indirect_vreg.gather [hbm4b:s4+s2], $0x80, v4, vm0, $0xb8;
	[tilespmem:$0x18800] =	vst v63  }
0x2b4: {  	s8 =	simm.s32 $0xB800  }
0x2b5: {  	[tilespmem:s8], [sflag:$0x1] =	stream.indirect_vreg.gather [hbm4b:s5+s2], $0x80, v4, vm1, $0xb8;
	[tilespmem:$0x18800] =	vst v63  }
0x2b6: {  	s26 =	simm.s32 $0xBC00  }
0x2b7: {  	[tilespmem:s26], [sflag:$0x1] =	stream.indirect_vreg.gather [hbm4b:s4+s2], $0x80, v3, vm0, $0xb8;
	[tilespmem:$0x18800] =	vst v63  }
0x2b8: {  	s8 =	simm.s32 $0xC400  }
0x2b9: {  	[tilespmem:s8], [sflag:$0x1] =	stream.indirect_vreg.gather [hbm4b:s5+s2], $0x80, v3, vm1, $0xb8;
	[tilespmem:$0x18800] =	vst v63  }
0x2ba: {  	s26 =	rddreg [dreg:$0x6];
	s8 =	simm.s32 $0xC800  }
0x2bb: {  	[hbm4b:s26+s2] =	stream.linear.scatter [tilespmem:s8], [sflag:$0x4], $0xC000, $0x38;
	[tilespmem:$0x18800] =	vst v63  }
0x2bc: {  	_ =	swait.ge [sflag:s14], $0xC000  }
0x2bd: {  	[sflag:s14] =	ssyncset.done $0x0  }
0x2be: {  	[sflag:s14] =	ssyncadd.s32 $0xFFFF4000  }
0x2bf: {  	_ =	swait.ge [sflag:s25], $0xC000  }
0x2c0: {  	[sflag:s25] =	ssyncset.done $0x0  }
0x2c1: {  	[sflag:s25] =	ssyncadd.s32 $0xFFFF4000  }
0x2c2: {  	v3 =	vld [tilespmem:$0x280];
	_ =	sdelay $0x4  }
0x2c3: {  	v32 =	vshrl.u32 v3, $0x3  }
0x2c4: {  	v4 =	vmul.u32 $0x18, v32  }
0x2c5: {  	v3 =	vand.u32 $0x7, v3  }
0x2c6: {  	v3 =	vor.u32 v3, v4  }
0x2c7: {  	v4 =	vperm.xlane v3, v0;
	_ =	sdelay $0x1  }
0x2c8: {  	v4 =	vadd.s32 v1, v4;
	_ =	sdelay $0x1  }
0x2c9: {  	v3 =	vperm.xlane v3, v2;
	_ =	sdelay $0x1  }
0x2ca: {  	v3 =	vadd.s32 v1, v3  }
0x2cb: {  	[tilespmem:s8], [sflag:$0x2] =	stream.indirect_vreg.gather [hbm4b:s4+s2], $0x80, v4, vm0, $0xb8;
	[tilespmem:$0x18800] =	vst v63  }
0x2cc: {  	_ = 	snop  }
0x2cd: {  	[tilespmem:s6], [sflag:$0x2] =	stream.indirect_vreg.gather [hbm4b:s5+s2], $0x80, v4, vm1, $0xb8;
	[tilespmem:$0x18800] =	vst v63  }
0x2ce: {  	_ = 	snop  }
0x2cf: {  	[tilespmem:s1], [sflag:$0x2] =	stream.indirect_vreg.gather [hbm4b:s4+s2], $0x80, v3, vm0, $0xb8;
	[tilespmem:$0x18800] =	vst v63  }
0x2d0: {  	s0 =	simm.s32 $0xDC00  }
0x2d1: {  	[tilespmem:s0], [sflag:$0x2] =	stream.indirect_vreg.gather [hbm4b:s5+s2], $0x80, v3, vm1, $0xb8;
	[tilespmem:$0x18800] =	vst v63  }
0x2d2: {  	v3 =	vld [tilespmem:$0x290];
	_ =	sdelay $0x4  }
0x2d3: {  	v33 =	vshrl.u32 v3, $0x3  }
0x2d4: {  	v4 =	vmul.u32 $0x18, v33  }
0x2d5: {  	v3 =	vand.u32 $0x7, v3  }
0x2d6: {  	v3 =	vor.u32 v3, v4  }
0x2d7: {  	v4 =	vperm.xlane v3, v0;
	_ =	sdelay $0x1  }
0x2d8: {  	v4 =	vadd.s32 v1, v4;
	_ =	sdelay $0x1  }
0x2d9: {  	v3 =	vperm.xlane v3, v2;
	_ =	sdelay $0x1  }
0x2da: {  	v3 =	vadd.s32 v1, v3  }
0x2db: {  	[tilespmem:s3], [sflag:$0x2] =	stream.indirect_vreg.gather [hbm4b:s4+s2], $0x80, v4, vm0, $0xb8;
	[tilespmem:$0x18800] =	vst v63  }
0x2dc: {  	_ = 	snop  }
0x2dd: {  	[tilespmem:s7], [sflag:$0x2] =	stream.indirect_vreg.gather [hbm4b:s5+s2], $0x80, v4, vm1, $0xb8;
	[tilespmem:$0x18800] =	vst v63  }
0x2de: {  	_ = 	snop  }
0x2df: {  	[tilespmem:s9], [sflag:$0x2] =	stream.indirect_vreg.gather [hbm4b:s4+s2], $0x80, v3, vm0, $0xb8;
	[tilespmem:$0x18800] =	vst v63  }
0x2e0: {  	s1 =	simm.s32 $0xF400  }
0x2e1: {  	[tilespmem:s1], [sflag:$0x2] =	stream.indirect_vreg.gather [hbm4b:s5+s2], $0x80, v3, vm1, $0xb8;
	[tilespmem:$0x18800] =	vst v63  }
0x2e2: {  	v3 =	vld [tilespmem:$0x2A0];
	_ =	sdelay $0x4  }
0x2e3: {  	v34 =	vshrl.u32 v3, $0x3  }
0x2e4: {  	v4 =	vmul.u32 $0x18, v34  }
0x2e5: {  	v3 =	vand.u32 $0x7, v3  }
0x2e6: {  	v3 =	vor.u32 v3, v4  }
0x2e7: {  	v4 =	vperm.xlane v3, v0;
	_ =	sdelay $0x1  }
0x2e8: {  	v4 =	vadd.s32 v1, v4;
	_ =	sdelay $0x1  }
0x2e9: {  	v3 =	vperm.xlane v3, v2;
	_ =	sdelay $0x1  }
0x2ea: {  	v3 =	vadd.s32 v1, v3  }
0x2eb: {  	[tilespmem:s10], [sflag:$0x2] =	stream.indirect_vreg.gather [hbm4b:s4+s2], $0x80, v4, vm0, $0xb8;
	[tilespmem:$0x18800] =	vst v63  }
0x2ec: {  	_ = 	snop  }
0x2ed: {  	[tilespmem:s11], [sflag:$0x2] =	stream.indirect_vreg.gather [hbm4b:s5+s2], $0x80, v4, vm1, $0xb8;
	[tilespmem:$0x18800] =	vst v63  }
0x2ee: {  	_ = 	snop  }
0x2ef: {  	[tilespmem:s12], [sflag:$0x2] =	stream.indirect_vreg.gather [hbm4b:s4+s2], $0x80, v3, vm0, $0xb8;
	[tilespmem:$0x18800] =	vst v63  }
0x2f0: {  	s3 =	simm.s32 $0x10C00  }
0x2f1: {  	[tilespmem:s3], [sflag:$0x2] =	stream.indirect_vreg.gather [hbm4b:s5+s2], $0x80, v3, vm1, $0xb8;
	[tilespmem:$0x18800] =	vst v63  }
0x2f2: {  	v3 =	vld [tilespmem:$0x2B0];
	_ =	sdelay $0x4  }
0x2f3: {  	v35 =	vshrl.u32 v3, $0x3  }
0x2f4: {  	v4 =	vmul.u32 $0x18, v35  }
0x2f5: {  	v3 =	vand.u32 $0x7, v3  }
0x2f6: {  	v3 =	vor.u32 v3, v4  }
0x2f7: {  	v4 =	vperm.xlane v3, v0;
	_ =	sdelay $0x1  }
0x2f8: {  	v4 =	vadd.s32 v1, v4;
	_ =	sdelay $0x1  }
0x2f9: {  	v3 =	vperm.xlane v3, v2;
	_ =	sdelay $0x1  }
0x2fa: {  	v3 =	vadd.s32 v1, v3  }
0x2fb: {  	[tilespmem:s13], [sflag:$0x2] =	stream.indirect_vreg.gather [hbm4b:s4+s2], $0x80, v4, vm0, $0xb8;
	[tilespmem:$0x18800] =	vst v63  }
0x2fc: {  	_ = 	snop  }
0x2fd: {  	[tilespmem:s16], [sflag:$0x2] =	stream.indirect_vreg.gather [hbm4b:s5+s2], $0x80, v4, vm1, $0xb8;
	[tilespmem:$0x18800] =	vst v63  }
0x2fe: {  	_ = 	snop  }
0x2ff: {  	[tilespmem:s17], [sflag:$0x2] =	stream.indirect_vreg.gather [hbm4b:s4+s2], $0x80, v3, vm0, $0xb8;
	[tilespmem:$0x18800] =	vst v63  }
0x300: {  	s6 =	simm.s32 $0x12400  }
0x301: {  	[tilespmem:s6], [sflag:$0x2] =	stream.indirect_vreg.gather [hbm4b:s5+s2], $0x80, v3, vm1, $0xb8;
	[tilespmem:$0x18800] =	vst v63  }
0x302: {  	v3 =	vld [tilespmem:$0x2C0];
	_ =	sdelay $0x4  }
0x303: {  	v36 =	vshrl.u32 v3, $0x3  }
0x304: {  	v4 =	vmul.u32 $0x18, v36  }
0x305: {  	v3 =	vand.u32 $0x7, v3  }
0x306: {  	v3 =	vor.u32 v3, v4  }
0x307: {  	v4 =	vperm.xlane v3, v0;
	_ =	sdelay $0x1  }
0x308: {  	v4 =	vadd.s32 v1, v4;
	_ =	sdelay $0x1  }
0x309: {  	v3 =	vperm.xlane v3, v2;
	_ =	sdelay $0x1  }
0x30a: {  	v3 =	vadd.s32 v1, v3  }
0x30b: {  	[tilespmem:s18], [sflag:$0x2] =	stream.indirect_vreg.gather [hbm4b:s4+s2], $0x80, v4, vm0, $0xb8;
	[tilespmem:$0x18800] =	vst v63  }
0x30c: {  	_ = 	snop  }
0x30d: {  	[tilespmem:s19], [sflag:$0x2] =	stream.indirect_vreg.gather [hbm4b:s5+s2], $0x80, v4, vm1, $0xb8;
	[tilespmem:$0x18800] =	vst v63  }
0x30e: {  	_ = 	snop  }
0x30f: {  	[tilespmem:s20], [sflag:$0x2] =	stream.indirect_vreg.gather [hbm4b:s4+s2], $0x80, v3, vm0, $0xb8;
	[tilespmem:$0x18800] =	vst v63  }
0x310: {  	s7 =	simm.s32 $0x13C00  }
0x311: {  	[tilespmem:s7], [sflag:$0x2] =	stream.indirect_vreg.gather [hbm4b:s5+s2], $0x80, v3, vm1, $0xb8;
	[tilespmem:$0x18800] =	vst v63  }
0x312: {  	v3 =	vld [tilespmem:$0x2D0];
	_ =	sdelay $0x4  }
0x313: {  	v37 =	vshrl.u32 v3, $0x3  }
0x314: {  	v4 =	vmul.u32 $0x18, v37  }
0x315: {  	v3 =	vand.u32 $0x7, v3  }
0x316: {  	v3 =	vor.u32 v3, v4  }
0x317: {  	v4 =	vperm.xlane v3, v0;
	_ =	sdelay $0x1  }
0x318: {  	v4 =	vadd.s32 v1, v4;
	_ =	sdelay $0x1  }
0x319: {  	v3 =	vperm.xlane v3, v2;
	_ =	sdelay $0x1  }
0x31a: {  	v3 =	vadd.s32 v1, v3  }
0x31b: {  	[tilespmem:s21], [sflag:$0x2] =	stream.indirect_vreg.gather [hbm4b:s4+s2], $0x80, v4, vm0, $0xb8;
	[tilespmem:$0x18800] =	vst v63  }
0x31c: {  	_ = 	snop  }
0x31d: {  	[tilespmem:s22], [sflag:$0x2] =	stream.indirect_vreg.gather [hbm4b:s5+s2], $0x80, v4, vm1, $0xb8;
	[tilespmem:$0x18800] =	vst v63  }
0x31e: {  	_ = 	snop  }
0x31f: {  	[tilespmem:s28], [sflag:$0x2] =	stream.indirect_vreg.gather [hbm4b:s4+s2], $0x80, v3, vm0, $0xb8;
	[tilespmem:$0x18800] =	vst v63  }
0x320: {  	s8 =	simm.s32 $0x15400  }
0x321: {  	[tilespmem:s8], [sflag:$0x2] =	stream.indirect_vreg.gather [hbm4b:s5+s2], $0x80, v3, vm1, $0xb8;
	[tilespmem:$0x18800] =	vst v63  }
0x322: {  	v3 =	vld [tilespmem:$0x2E0];
	_ =	sdelay $0x4  }
0x323: {  	v38 =	vshrl.u32 v3, $0x3  }
0x324: {  	v4 =	vmul.u32 $0x18, v38  }
0x325: {  	v3 =	vand.u32 $0x7, v3  }
0x326: {  	v3 =	vor.u32 v3, v4  }
0x327: {  	v4 =	vperm.xlane v3, v0;
	_ =	sdelay $0x1  }
0x328: {  	v4 =	vadd.s32 v1, v4;
	_ =	sdelay $0x1  }
0x329: {  	v3 =	vperm.xlane v3, v2;
	_ =	sdelay $0x1  }
0x32a: {  	v3 =	vadd.s32 v1, v3  }
0x32b: {  	[tilespmem:s29], [sflag:$0x2] =	stream.indirect_vreg.gather [hbm4b:s4+s2], $0x80, v4, vm0, $0xb8;
	[tilespmem:$0x18800] =	vst v63  }
0x32c: {  	_ = 	snop  }
0x32d: {  	[tilespmem:s30], [sflag:$0x2] =	stream.indirect_vreg.gather [hbm4b:s5+s2], $0x80, v4, vm1, $0xb8;
	[tilespmem:$0x18800] =	vst v63  }
0x32e: {  	_ = 	snop  }
0x32f: {  	[tilespmem:s31], [sflag:$0x2] =	stream.indirect_vreg.gather [hbm4b:s4+s2], $0x80, v3, vm0, $0xb8;
	[tilespmem:$0x18800] =	vst v63  }
0x330: {  	s18 =	simm.s32 $0x16C00  }
0x331: {  	[tilespmem:s18], [sflag:$0x2] =	stream.indirect_vreg.gather [hbm4b:s5+s2], $0x80, v3, vm1, $0xb8;
	[tilespmem:$0x18800] =	vst v63  }
0x332: {  	v3 =	vld [tilespmem:$0x2F0];
	_ =	sdelay $0x4  }
0x333: {  	v39 =	vshrl.u32 v3, $0x3  }
0x334: {  	v4 =	vmul.u32 $0x18, v39  }
0x335: {  	v3 =	vand.u32 $0x7, v3  }
0x336: {  	v3 =	vor.u32 v3, v4  }
0x337: {  	v4 =	vperm.xlane v3, v0;
	_ =	sdelay $0x1  }
0x338: {  	v4 =	vadd.s32 v1, v4;
	_ =	sdelay $0x1  }
0x339: {  	v3 =	vperm.xlane v3, v2;
	_ =	sdelay $0x1  }
0x33a: {  	s19 =	simm.s32 $0x17000;
	v3 =	vadd.s32 v1, v3  }
0x33b: {  	[tilespmem:s19], [sflag:$0x2] =	stream.indirect_vreg.gather [hbm4b:s4+s2], $0x80, v4, vm0, $0xb8;
	[tilespmem:$0x18800] =	vst v63  }
0x33c: {  	s20 =	simm.s32 $0x17800  }
0x33d: {  	[tilespmem:s20], [sflag:$0x2] =	stream.indirect_vreg.gather [hbm4b:s5+s2], $0x80, v4, vm1, $0xb8;
	[tilespmem:$0x18800] =	vst v63  }
0x33e: {  	_ = 	snop  }
0x33f: {  	[tilespmem:s15], [sflag:$0x2] =	stream.indirect_vreg.gather [hbm4b:s4+s2], $0x80, v3, vm0, $0xb8;
	[tilespmem:$0x18800] =	vst v63  }
0x340: {  	s20 =	simm.s32 $0x18400  }
0x341: {  	[tilespmem:s20], [sflag:$0x2] =	stream.indirect_vreg.gather [hbm4b:s5+s2], $0x80, v3, vm1, $0xb8;
	[tilespmem:$0x18800] =	vst v63  }
0x342: {  	s21 =	rddreg [dreg:$0x7];
	s22 =	simm.s32 $0x800  }
0x343: {  	[hbm4b:s21+s2] =	stream.linear.scatter [tilespmem:s22], [sflag:$0x3], $0xC000, $0x38;
	[tilespmem:$0x18800] =	vst v63  }
0x344: {  	_ =	swait.ge [sflag:s23], $0xC000  }
0x345: {  	[sflag:s23] =	ssyncset.done $0x0  }
0x346: {  	[sflag:s23] =	ssyncadd.s32 $0xFFFF4000  }
0x347: {  	_ =	swait.ge [sflag:s24], $0xC000  }
0x348: {  	[sflag:s24] =	ssyncset.done $0x0  }
0x349: {  	[sflag:s24] =	ssyncadd.s32 $0xFFFF4000  }
0x34a: {  	v3 =	vld [tilespmem:$0x300];
	_ =	sdelay $0x4  }
0x34b: {  	v40 =	vshrl.u32 v3, $0x3  }
0x34c: {  	v4 =	vmul.u32 $0x18, v40  }
0x34d: {  	v3 =	vand.u32 $0x7, v3  }
0x34e: {  	v3 =	vor.u32 v3, v4  }
0x34f: {  	v4 =	vperm.xlane v3, v0;
	_ =	sdelay $0x1  }
0x350: {  	v4 =	vadd.s32 v1, v4;
	_ =	sdelay $0x1  }
0x351: {  	v3 =	vperm.xlane v3, v2;
	_ =	sdelay $0x1  }
0x352: {  	v3 =	vadd.s32 v1, v3  }
0x353: {  	[tilespmem:s22], [sflag:$0x1] =	stream.indirect_vreg.gather [hbm4b:s4+s2], $0x80, v4, vm0, $0xb8;
	[tilespmem:$0x18800] =	vst v63  }
0x354: {  	s10 =	simm.s32 $0x1000  }
0x355: {  	[tilespmem:s10], [sflag:$0x1] =	stream.indirect_vreg.gather [hbm4b:s5+s2], $0x80, v4, vm1, $0xb8;
	[tilespmem:$0x18800] =	vst v63  }
0x356: {  	s11 =	simm.s32 $0x1400  }
0x357: {  	[tilespmem:s11], [sflag:$0x1] =	stream.indirect_vreg.gather [hbm4b:s4+s2], $0x80, v3, vm0, $0xb8;
	[tilespmem:$0x18800] =	vst v63  }
0x358: {  	s26 =	simm.s32 $0x1C00  }
0x359: {  	[tilespmem:s26], [sflag:$0x1] =	stream.indirect_vreg.gather [hbm4b:s5+s2], $0x80, v3, vm1, $0xb8;
	[tilespmem:$0x18800] =	vst v63  }
0x35a: {  	v3 =	vld [tilespmem:$0x310];
	_ =	sdelay $0x4  }
0x35b: {  	v41 =	vshrl.u32 v3, $0x3  }
0x35c: {  	v4 =	vmul.u32 $0x18, v41  }
0x35d: {  	v3 =	vand.u32 $0x7, v3  }
0x35e: {  	v3 =	vor.u32 v3, v4  }
0x35f: {  	v4 =	vperm.xlane v3, v0;
	_ =	sdelay $0x1  }
0x360: {  	v4 =	vadd.s32 v1, v4;
	_ =	sdelay $0x1  }
0x361: {  	v3 =	vperm.xlane v3, v2;
	_ =	sdelay $0x1  }
0x362: {  	s12 =	simm.s32 $0x2000;
	v3 =	vadd.s32 v1, v3  }
0x363: {  	[tilespmem:s12], [sflag:$0x1] =	stream.indirect_vreg.gather [hbm4b:s4+s2], $0x80, v4, vm0, $0xb8;
	[tilespmem:$0x18800] =	vst v63  }
0x364: {  	s13 =	simm.s32 $0x2800  }
0x365: {  	[tilespmem:s13], [sflag:$0x1] =	stream.indirect_vreg.gather [hbm4b:s5+s2], $0x80, v4, vm1, $0xb8;
	[tilespmem:$0x18800] =	vst v63  }
0x366: {  	s15 =	simm.s32 $0x2C00  }
0x367: {  	[tilespmem:s15], [sflag:$0x1] =	stream.indirect_vreg.gather [hbm4b:s4+s2], $0x80, v3, vm0, $0xb8;
	[tilespmem:$0x18800] =	vst v63  }
0x368: {  	s28 =	simm.s32 $0x3400  }
0x369: {  	[tilespmem:s28], [sflag:$0x1] =	stream.indirect_vreg.gather [hbm4b:s5+s2], $0x80, v3, vm1, $0xb8;
	[tilespmem:$0x18800] =	vst v63  }
0x36a: {  	v3 =	vld [tilespmem:$0x320];
	_ =	sdelay $0x4  }
0x36b: {  	v42 =	vshrl.u32 v3, $0x3  }
0x36c: {  	v4 =	vmul.u32 $0x18, v42  }
0x36d: {  	v3 =	vand.u32 $0x7, v3  }
0x36e: {  	v3 =	vor.u32 v3, v4  }
0x36f: {  	v4 =	vperm.xlane v3, v0;
	_ =	sdelay $0x1  }
0x370: {  	v4 =	vadd.s32 v1, v4;
	_ =	sdelay $0x1  }
0x371: {  	v3 =	vperm.xlane v3, v2;
	_ =	sdelay $0x1  }
0x372: {  	s16 =	simm.s32 $0x3800;
	v3 =	vadd.s32 v1, v3  }
0x373: {  	[tilespmem:s16], [sflag:$0x1] =	stream.indirect_vreg.gather [hbm4b:s4+s2], $0x80, v4, vm0, $0xb8;
	[tilespmem:$0x18800] =	vst v63  }
0x374: {  	s17 =	simm.s32 $0x4000  }
0x375: {  	[tilespmem:s17], [sflag:$0x1] =	stream.indirect_vreg.gather [hbm4b:s5+s2], $0x80, v4, vm1, $0xb8;
	[tilespmem:$0x18800] =	vst v63  }
0x376: {  	s18 =	simm.s32 $0x4400  }
0x377: {  	[tilespmem:s18], [sflag:$0x1] =	stream.indirect_vreg.gather [hbm4b:s4+s2], $0x80, v3, vm0, $0xb8;
	[tilespmem:$0x18800] =	vst v63  }
0x378: {  	s29 =	simm.s32 $0x4C00  }
0x379: {  	[tilespmem:s29], [sflag:$0x1] =	stream.indirect_vreg.gather [hbm4b:s5+s2], $0x80, v3, vm1, $0xb8;
	[tilespmem:$0x18800] =	vst v63  }
0x37a: {  	v3 =	vld [tilespmem:$0x330];
	_ =	sdelay $0x4  }
0x37b: {  	v43 =	vshrl.u32 v3, $0x3  }
0x37c: {  	v4 =	vmul.u32 $0x18, v43  }
0x37d: {  	v3 =	vand.u32 $0x7, v3  }
0x37e: {  	v3 =	vor.u32 v3, v4  }
0x37f: {  	v4 =	vperm.xlane v3, v0;
	_ =	sdelay $0x1  }
0x380: {  	v4 =	vadd.s32 v1, v4;
	_ =	sdelay $0x1  }
0x381: {  	v3 =	vperm.xlane v3, v2;
	_ =	sdelay $0x1  }
0x382: {  	s19 =	simm.s32 $0x5000;
	v3 =	vadd.s32 v1, v3  }
0x383: {  	[tilespmem:s19], [sflag:$0x1] =	stream.indirect_vreg.gather [hbm4b:s4+s2], $0x80, v4, vm0, $0xb8;
	[tilespmem:$0x18800] =	vst v63  }
0x384: {  	s21 =	simm.s32 $0x5800  }
0x385: {  	[tilespmem:s21], [sflag:$0x1] =	stream.indirect_vreg.gather [hbm4b:s5+s2], $0x80, v4, vm1, $0xb8;
	[tilespmem:$0x18800] =	vst v63  }
0x386: {  	s22 =	simm.s32 $0x5C00  }
0x387: {  	[tilespmem:s22], [sflag:$0x1] =	stream.indirect_vreg.gather [hbm4b:s4+s2], $0x80, v3, vm0, $0xb8;
	[tilespmem:$0x18800] =	vst v63  }
0x388: {  	s30 =	simm.s32 $0x6400  }
0x389: {  	[tilespmem:s30], [sflag:$0x1] =	stream.indirect_vreg.gather [hbm4b:s5+s2], $0x80, v3, vm1, $0xb8;
	[tilespmem:$0x18800] =	vst v63  }
0x38a: {  	v3 =	vld [tilespmem:$0x340];
	_ =	sdelay $0x4  }
0x38b: {  	v44 =	vshrl.u32 v3, $0x3  }
0x38c: {  	v4 =	vmul.u32 $0x18, v44  }
0x38d: {  	v3 =	vand.u32 $0x7, v3  }
0x38e: {  	v3 =	vor.u32 v3, v4  }
0x38f: {  	v4 =	vperm.xlane v3, v0;
	_ =	sdelay $0x1  }
0x390: {  	v4 =	vadd.s32 v1, v4;
	_ =	sdelay $0x1  }
0x391: {  	v3 =	vperm.xlane v3, v2;
	_ =	sdelay $0x1  }
0x392: {  	s28 =	simm.s32 $0x6800;
	v3 =	vadd.s32 v1, v3  }
0x393: {  	[tilespmem:s28], [sflag:$0x1] =	stream.indirect_vreg.gather [hbm4b:s4+s2], $0x80, v4, vm0, $0xb8;
	[tilespmem:$0x18800] =	vst v63  }
0x394: {  	s29 =	simm.s32 $0x7000  }
0x395: {  	[tilespmem:s29], [sflag:$0x1] =	stream.indirect_vreg.gather [hbm4b:s5+s2], $0x80, v4, vm1, $0xb8;
	[tilespmem:$0x18800] =	vst v63  }
0x396: {  	s30 =	simm.s32 $0x7400  }
0x397: {  	[tilespmem:s30], [sflag:$0x1] =	stream.indirect_vreg.gather [hbm4b:s4+s2], $0x80, v3, vm0, $0xb8;
	[tilespmem:$0x18800] =	vst v63  }
0x398: {  	s31 =	simm.s32 $0x7C00  }
0x399: {  	[tilespmem:s31], [sflag:$0x1] =	stream.indirect_vreg.gather [hbm4b:s5+s2], $0x80, v3, vm1, $0xb8;
	[tilespmem:$0x18800] =	vst v63  }
0x39a: {  	v3 =	vld [tilespmem:$0x350];
	_ =	sdelay $0x4  }
0x39b: {  	v45 =	vshrl.u32 v3, $0x3  }
0x39c: {  	v4 =	vmul.u32 $0x18, v45  }
0x39d: {  	v3 =	vand.u32 $0x7, v3  }
0x39e: {  	v3 =	vor.u32 v3, v4  }
0x39f: {  	v4 =	vperm.xlane v3, v0;
	_ =	sdelay $0x1  }
0x3a0: {  	v4 =	vadd.s32 v1, v4;
	_ =	sdelay $0x1  }
0x3a1: {  	v3 =	vperm.xlane v3, v2;
	_ =	sdelay $0x1  }
0x3a2: {  	s26 =	simm.s32 $0x8000;
	v3 =	vadd.s32 v1, v3  }
0x3a3: {  	[tilespmem:s26], [sflag:$0x1] =	stream.indirect_vreg.gather [hbm4b:s4+s2], $0x80, v4, vm0, $0xb8;
	[tilespmem:$0x18800] =	vst v63  }
0x3a4: {  	s31 =	simm.s32 $0x8800  }
0x3a5: {  	[tilespmem:s31], [sflag:$0x1] =	stream.indirect_vreg.gather [hbm4b:s5+s2], $0x80, v4, vm1, $0xb8;
	[tilespmem:$0x18800] =	vst v63  }
0x3a6: {  	s26 =	simm.s32 $0x8C00  }
0x3a7: {  	[tilespmem:s26], [sflag:$0x1] =	stream.indirect_vreg.gather [hbm4b:s4+s2], $0x80, v3, vm0, $0xb8;
	[tilespmem:$0x18800] =	vst v63  }
0x3a8: {  	s31 =	simm.s32 $0x9400  }
0x3a9: {  	[tilespmem:s31], [sflag:$0x1] =	stream.indirect_vreg.gather [hbm4b:s5+s2], $0x80, v3, vm1, $0xb8;
	[tilespmem:$0x18800] =	vst v63  }
0x3aa: {  	v3 =	vld [tilespmem:$0x360];
	_ =	sdelay $0x4  }
0x3ab: {  	v46 =	vshrl.u32 v3, $0x3  }
0x3ac: {  	v4 =	vmul.u32 $0x18, v46  }
0x3ad: {  	v3 =	vand.u32 $0x7, v3  }
0x3ae: {  	v3 =	vor.u32 v3, v4  }
0x3af: {  	v4 =	vperm.xlane v3, v0;
	_ =	sdelay $0x1  }
0x3b0: {  	v4 =	vadd.s32 v1, v4;
	_ =	sdelay $0x1  }
0x3b1: {  	v3 =	vperm.xlane v3, v2;
	_ =	sdelay $0x1  }
0x3b2: {  	s26 =	simm.s32 $0x9800;
	v3 =	vadd.s32 v1, v3  }
0x3b3: {  	[tilespmem:s26], [sflag:$0x1] =	stream.indirect_vreg.gather [hbm4b:s4+s2], $0x80, v4, vm0, $0xb8;
	[tilespmem:$0x18800] =	vst v63  }
0x3b4: {  	s31 =	simm.s32 $0xA000  }
0x3b5: {  	[tilespmem:s31], [sflag:$0x1] =	stream.indirect_vreg.gather [hbm4b:s5+s2], $0x80, v4, vm1, $0xb8;
	[tilespmem:$0x18800] =	vst v63  }
0x3b6: {  	s26 =	simm.s32 $0xA400  }
0x3b7: {  	[tilespmem:s26], [sflag:$0x1] =	stream.indirect_vreg.gather [hbm4b:s4+s2], $0x80, v3, vm0, $0xb8;
	[tilespmem:$0x18800] =	vst v63  }
0x3b8: {  	s31 =	simm.s32 $0xAC00  }
0x3b9: {  	[tilespmem:s31], [sflag:$0x1] =	stream.indirect_vreg.gather [hbm4b:s5+s2], $0x80, v3, vm1, $0xb8;
	[tilespmem:$0x18800] =	vst v63  }
0x3ba: {  	v3 =	vld [tilespmem:$0x370];
	_ =	sdelay $0x4  }
0x3bb: {  	v47 =	vshrl.u32 v3, $0x3  }
0x3bc: {  	v4 =	vmul.u32 $0x18, v47  }
0x3bd: {  	v3 =	vand.u32 $0x7, v3  }
0x3be: {  	v3 =	vor.u32 v3, v4  }
0x3bf: {  	v4 =	vperm.xlane v3, v0;
	_ =	sdelay $0x1  }
0x3c0: {  	v4 =	vadd.s32 v1, v4;
	_ =	sdelay $0x1  }
0x3c1: {  	v3 =	vperm.xlane v3, v2;
	_ =	sdelay $0x1  }
0x3c2: {  	s26 =	simm.s32 $0xB000;
	v3 =	vadd.s32 v1, v3  }
0x3c3: {  	[tilespmem:s26], [sflag:$0x1] =	stream.indirect_vreg.gather [hbm4b:s4+s2], $0x80, v4, vm0, $0xb8;
	[tilespmem:$0x18800] =	vst v63  }
0x3c4: {  	s31 =	simm.s32 $0xB800  }
0x3c5: {  	[tilespmem:s31], [sflag:$0x1] =	stream.indirect_vreg.gather [hbm4b:s5+s2], $0x80, v4, vm1, $0xb8;
	[tilespmem:$0x18800] =	vst v63  }
0x3c6: {  	s26 =	simm.s32 $0xBC00  }
0x3c7: {  	[tilespmem:s26], [sflag:$0x1] =	stream.indirect_vreg.gather [hbm4b:s4+s2], $0x80, v3, vm0, $0xb8;
	[tilespmem:$0x18800] =	vst v63  }
0x3c8: {  	s31 =	simm.s32 $0xC400  }
0x3c9: {  	[tilespmem:s31], [sflag:$0x1] =	stream.indirect_vreg.gather [hbm4b:s5+s2], $0x80, v3, vm1, $0xb8;
	[tilespmem:$0x18800] =	vst v63  }
0x3ca: {  	s9 =	simm.s32 $0xC800;
	s26 =	rddreg [dreg:$0x8]  }
0x3cb: {  	[hbm4b:s26+s2] =	stream.linear.scatter [tilespmem:s9], [sflag:$0x4], $0xC000, $0x38;
	[tilespmem:$0x18800] =	vst v63  }
0x3cc: {  	_ =	swait.ge [sflag:s14], $0xC000  }
0x3cd: {  	[sflag:s14] =	ssyncset.done $0x0  }
0x3ce: {  	[sflag:s14] =	ssyncadd.s32 $0xFFFF4000  }
0x3cf: {  	_ =	swait.ge [sflag:s25], $0xC000  }
0x3d0: {  	[sflag:s25] =	ssyncset.done $0x0  }
0x3d1: {  	[sflag:s25] =	ssyncadd.s32 $0xFFFF4000  }
0x3d2: {  	v3 =	vld [tilespmem:$0x380];
	_ =	sdelay $0x4  }
0x3d3: {  	v48 =	vshrl.u32 v3, $0x3  }
0x3d4: {  	v4 =	vmul.u32 $0x18, v48  }
0x3d5: {  	v3 =	vand.u32 $0x7, v3  }
0x3d6: {  	v3 =	vor.u32 v3, v4  }
0x3d7: {  	v4 =	vperm.xlane v3, v0;
	_ =	sdelay $0x1  }
0x3d8: {  	v4 =	vadd.s32 v1, v4;
	_ =	sdelay $0x1  }
0x3d9: {  	v3 =	vperm.xlane v3, v2;
	_ =	sdelay $0x1  }
0x3da: {  	v3 =	vadd.s32 v1, v3  }
0x3db: {  	[tilespmem:s9], [sflag:$0x2] =	stream.indirect_vreg.gather [hbm4b:s4+s2], $0x80, v4, vm0, $0xb8;
	[tilespmem:$0x18800] =	vst v63  }
0x3dc: {  	s9 =	simm.s32 $0xD000  }
0x3dd: {  	[tilespmem:s9], [sflag:$0x2] =	stream.indirect_vreg.gather [hbm4b:s5+s2], $0x80, v4, vm1, $0xb8;
	[tilespmem:$0x18800] =	vst v63  }
0x3de: {  	s31 =	simm.s32 $0xD400  }
0x3df: {  	[tilespmem:s31], [sflag:$0x2] =	stream.indirect_vreg.gather [hbm4b:s4+s2], $0x80, v3, vm0, $0xb8;
	[tilespmem:$0x18800] =	vst v63  }
0x3e0: {  	_ = 	snop  }
0x3e1: {  	[tilespmem:s0], [sflag:$0x2] =	stream.indirect_vreg.gather [hbm4b:s5+s2], $0x80, v3, vm1, $0xb8;
	[tilespmem:$0x18800] =	vst v63  }
0x3e2: {  	v3 =	vld [tilespmem:$0x390];
	_ =	sdelay $0x4  }
0x3e3: {  	v49 =	vshrl.u32 v3, $0x3  }
0x3e4: {  	v4 =	vmul.u32 $0x18, v49  }
0x3e5: {  	v3 =	vand.u32 $0x7, v3  }
0x3e6: {  	v3 =	vor.u32 v3, v4  }
0x3e7: {  	v4 =	vperm.xlane v3, v0;
	_ =	sdelay $0x1  }
0x3e8: {  	v4 =	vadd.s32 v1, v4;
	_ =	sdelay $0x1  }
0x3e9: {  	v3 =	vperm.xlane v3, v2;
	_ =	sdelay $0x1  }
0x3ea: {  	s0 =	simm.s32 $0xE000;
	v3 =	vadd.s32 v1, v3  }
0x3eb: {  	[tilespmem:s0], [sflag:$0x2] =	stream.indirect_vreg.gather [hbm4b:s4+s2], $0x80, v4, vm0, $0xb8;
	[tilespmem:$0x18800] =	vst v63  }
0x3ec: {  	s26 =	simm.s32 $0xE800  }
0x3ed: {  	[tilespmem:s26], [sflag:$0x2] =	stream.indirect_vreg.gather [hbm4b:s5+s2], $0x80, v4, vm1, $0xb8;
	[tilespmem:$0x18800] =	vst v63  }
0x3ee: {  	s26 =	simm.s32 $0xEC00  }
0x3ef: {  	[tilespmem:s26], [sflag:$0x2] =	stream.indirect_vreg.gather [hbm4b:s4+s2], $0x80, v3, vm0, $0xb8;
	[tilespmem:$0x18800] =	vst v63  }
0x3f0: {  	_ = 	snop  }
0x3f1: {  	[tilespmem:s1], [sflag:$0x2] =	stream.indirect_vreg.gather [hbm4b:s5+s2], $0x80, v3, vm1, $0xb8;
	[tilespmem:$0x18800] =	vst v63  }
0x3f2: {  	v3 =	vld [tilespmem:$0x3A0];
	_ =	sdelay $0x4  }
0x3f3: {  	v50 =	vshrl.u32 v3, $0x3  }
0x3f4: {  	v4 =	vmul.u32 $0x18, v50  }
0x3f5: {  	v3 =	vand.u32 $0x7, v3  }
0x3f6: {  	v3 =	vor.u32 v3, v4  }
0x3f7: {  	v4 =	vperm.xlane v3, v0;
	_ =	sdelay $0x1  }
0x3f8: {  	v4 =	vadd.s32 v1, v4;
	_ =	sdelay $0x1  }
0x3f9: {  	v3 =	vperm.xlane v3, v2;
	_ =	sdelay $0x1  }
0x3fa: {  	s26 =	simm.s32 $0xF800;
	v3 =	vadd.s32 v1, v3  }
0x3fb: {  	[tilespmem:s26], [sflag:$0x2] =	stream.indirect_vreg.gather [hbm4b:s4+s2], $0x80, v4, vm0, $0xb8;
	[tilespmem:$0x18800] =	vst v63  }
0x3fc: {  	s26 =	simm.s32 $0x10000  }
0x3fd: {  	[tilespmem:s26], [sflag:$0x2] =	stream.indirect_vreg.gather [hbm4b:s5+s2], $0x80, v4, vm1, $0xb8;
	[tilespmem:$0x18800] =	vst v63  }
0x3fe: {  	s26 =	simm.s32 $0x10400  }
0x3ff: {  	[tilespmem:s26], [sflag:$0x2] =	stream.indirect_vreg.gather [hbm4b:s4+s2], $0x80, v3, vm0, $0xb8;
	[tilespmem:$0x18800] =	vst v63  }
0x400: {  	_ = 	snop  }
0x401: {  	[tilespmem:s3], [sflag:$0x2] =	stream.indirect_vreg.gather [hbm4b:s5+s2], $0x80, v3, vm1, $0xb8;
	[tilespmem:$0x18800] =	vst v63  }
0x402: {  	v3 =	vld [tilespmem:$0x3B0];
	_ =	sdelay $0x4  }
0x403: {  	v51 =	vshrl.u32 v3, $0x3  }
0x404: {  	v4 =	vmul.u32 $0x18, v51  }
0x405: {  	v3 =	vand.u32 $0x7, v3  }
0x406: {  	v3 =	vor.u32 v3, v4  }
0x407: {  	v4 =	vperm.xlane v3, v0;
	_ =	sdelay $0x1  }
0x408: {  	v4 =	vadd.s32 v1, v4;
	_ =	sdelay $0x1  }
0x409: {  	v3 =	vperm.xlane v3, v2;
	_ =	sdelay $0x1  }
0x40a: {  	s3 =	simm.s32 $0x11000;
	v3 =	vadd.s32 v1, v3  }
0x40b: {  	[tilespmem:s3], [sflag:$0x2] =	stream.indirect_vreg.gather [hbm4b:s4+s2], $0x80, v4, vm0, $0xb8;
	[tilespmem:$0x18800] =	vst v63  }
0x40c: {  	s26 =	simm.s32 $0x11800  }
0x40d: {  	[tilespmem:s26], [sflag:$0x2] =	stream.indirect_vreg.gather [hbm4b:s5+s2], $0x80, v4, vm1, $0xb8;
	[tilespmem:$0x18800] =	vst v63  }
0x40e: {  	s3 =	simm.s32 $0x11C00  }
0x40f: {  	[tilespmem:s3], [sflag:$0x2] =	stream.indirect_vreg.gather [hbm4b:s4+s2], $0x80, v3, vm0, $0xb8;
	[tilespmem:$0x18800] =	vst v63  }
0x410: {  	_ = 	snop  }
0x411: {  	[tilespmem:s6], [sflag:$0x2] =	stream.indirect_vreg.gather [hbm4b:s5+s2], $0x80, v3, vm1, $0xb8;
	[tilespmem:$0x18800] =	vst v63  }
0x412: {  	v3 =	vld [tilespmem:$0x3C0];
	_ =	sdelay $0x4  }
0x413: {  	v52 =	vshrl.u32 v3, $0x3  }
0x414: {  	v4 =	vmul.u32 $0x18, v52  }
0x415: {  	v3 =	vand.u32 $0x7, v3  }
0x416: {  	v3 =	vor.u32 v3, v4  }
0x417: {  	v4 =	vperm.xlane v3, v0;
	_ =	sdelay $0x1  }
0x418: {  	v4 =	vadd.s32 v1, v4;
	_ =	sdelay $0x1  }
0x419: {  	v3 =	vperm.xlane v3, v2;
	_ =	sdelay $0x1  }
0x41a: {  	s6 =	simm.s32 $0x12800;
	v3 =	vadd.s32 v1, v3  }
0x41b: {  	[tilespmem:s6], [sflag:$0x2] =	stream.indirect_vreg.gather [hbm4b:s4+s2], $0x80, v4, vm0, $0xb8;
	[tilespmem:$0x18800] =	vst v63  }
0x41c: {  	s26 =	simm.s32 $0x13000  }
0x41d: {  	[tilespmem:s26], [sflag:$0x2] =	stream.indirect_vreg.gather [hbm4b:s5+s2], $0x80, v4, vm1, $0xb8;
	[tilespmem:$0x18800] =	vst v63  }
0x41e: {  	s3 =	simm.s32 $0x13400  }
0x41f: {  	[tilespmem:s3], [sflag:$0x2] =	stream.indirect_vreg.gather [hbm4b:s4+s2], $0x80, v3, vm0, $0xb8;
	[tilespmem:$0x18800] =	vst v63  }
0x420: {  	_ = 	snop  }
0x421: {  	[tilespmem:s7], [sflag:$0x2] =	stream.indirect_vreg.gather [hbm4b:s5+s2], $0x80, v3, vm1, $0xb8;
	[tilespmem:$0x18800] =	vst v63  }
0x422: {  	v3 =	vld [tilespmem:$0x3D0];
	_ =	sdelay $0x4  }
0x423: {  	v53 =	vshrl.u32 v3, $0x3  }
0x424: {  	v4 =	vmul.u32 $0x18, v53  }
0x425: {  	v3 =	vand.u32 $0x7, v3  }
0x426: {  	v3 =	vor.u32 v3, v4  }
0x427: {  	v4 =	vperm.xlane v3, v0;
	_ =	sdelay $0x1  }
0x428: {  	v4 =	vadd.s32 v1, v4;
	_ =	sdelay $0x1  }
0x429: {  	v3 =	vperm.xlane v3, v2;
	_ =	sdelay $0x1  }
0x42a: {  	s6 =	simm.s32 $0x14000;
	v3 =	vadd.s32 v1, v3  }
0x42b: {  	[tilespmem:s6], [sflag:$0x2] =	stream.indirect_vreg.gather [hbm4b:s4+s2], $0x80, v4, vm0, $0xb8;
	[tilespmem:$0x18800] =	vst v63  }
0x42c: {  	s7 =	simm.s32 $0x14800  }
0x42d: {  	[tilespmem:s7], [sflag:$0x2] =	stream.indirect_vreg.gather [hbm4b:s5+s2], $0x80, v4, vm1, $0xb8;
	[tilespmem:$0x18800] =	vst v63  }
0x42e: {  	s26 =	simm.s32 $0x14C00  }
0x42f: {  	[tilespmem:s26], [sflag:$0x2] =	stream.indirect_vreg.gather [hbm4b:s4+s2], $0x80, v3, vm0, $0xb8;
	[tilespmem:$0x18800] =	vst v63  }
0x430: {  	_ = 	snop  }
0x431: {  	[tilespmem:s8], [sflag:$0x2] =	stream.indirect_vreg.gather [hbm4b:s5+s2], $0x80, v3, vm1, $0xb8;
	[tilespmem:$0x18800] =	vst v63  }
0x432: {  	v3 =	vld [tilespmem:$0x3E0];
	_ =	sdelay $0x4  }
0x433: {  	v54 =	vshrl.u32 v3, $0x3  }
0x434: {  	v4 =	vmul.u32 $0x18, v54  }
0x435: {  	v3 =	vand.u32 $0x7, v3  }
0x436: {  	v3 =	vor.u32 v3, v4  }
0x437: {  	v4 =	vperm.xlane v3, v0;
	_ =	sdelay $0x1  }
0x438: {  	v4 =	vadd.s32 v1, v4;
	_ =	sdelay $0x1  }
0x439: {  	v3 =	vperm.xlane v3, v2;
	_ =	sdelay $0x1  }
0x43a: {  	s3 =	simm.s32 $0x15800;
	v3 =	vadd.s32 v1, v3  }
0x43b: {  	[tilespmem:s3], [sflag:$0x2] =	stream.indirect_vreg.gather [hbm4b:s4+s2], $0x80, v4, vm0, $0xb8;
	[tilespmem:$0x18800] =	vst v63  }
0x43c: {  	s6 =	simm.s32 $0x16000  }
0x43d: {  	[tilespmem:s6], [sflag:$0x2] =	stream.indirect_vreg.gather [hbm4b:s5+s2], $0x80, v4, vm1, $0xb8;
	[tilespmem:$0x18800] =	vst v63  }
0x43e: {  	s7 =	simm.s32 $0x16400  }
0x43f: {  	[tilespmem:s7], [sflag:$0x2] =	stream.indirect_vreg.gather [hbm4b:s4+s2], $0x80, v3, vm0, $0xb8;
	[tilespmem:$0x18800] =	vst v63  }
0x440: {  	s8 =	simm.s32 $0x16C00  }
0x441: {  	[tilespmem:s8], [sflag:$0x2] =	stream.indirect_vreg.gather [hbm4b:s5+s2], $0x80, v3, vm1, $0xb8;
	[tilespmem:$0x18800] =	vst v63  }
0x442: {  	v3 =	vld [tilespmem:$0x3F0];
	_ =	sdelay $0x4  }
0x443: {  	v55 =	vshrl.u32 v3, $0x3  }
0x444: {  	v4 =	vmul.u32 $0x18, v55  }
0x445: {  	v3 =	vand.u32 $0x7, v3  }
0x446: {  	v3 =	vor.u32 v3, v4  }
0x447: {  	v4 =	vperm.xlane v3, v0;
	_ =	sdelay $0x1  }
0x448: {  	v4 =	vadd.s32 v1, v4;
	_ =	sdelay $0x1  }
0x449: {  	v3 =	vperm.xlane v3, v2;
	_ =	sdelay $0x1  }
0x44a: {  	s26 =	simm.s32 $0x17000;
	v3 =	vadd.s32 v1, v3  }
0x44b: {  	[tilespmem:s26], [sflag:$0x2] =	stream.indirect_vreg.gather [hbm4b:s4+s2], $0x80, v4, vm0, $0xb8;
	[tilespmem:$0x18800] =	vst v63  }
0x44c: {  	s3 =	simm.s32 $0x17800  }
0x44d: {  	[tilespmem:s3], [sflag:$0x2] =	stream.indirect_vreg.gather [hbm4b:s5+s2], $0x80, v4, vm1, $0xb8;
	[tilespmem:$0x18800] =	vst v63  }
0x44e: {  	s6 =	simm.s32 $0x17C00  }
0x44f: {  	[tilespmem:s6], [sflag:$0x2] =	stream.indirect_vreg.gather [hbm4b:s4+s2], $0x80, v3, vm0, $0xb8;
	[tilespmem:$0x18800] =	vst v63  }
0x450: {  	_ = 	snop  }
0x451: {  	[tilespmem:s20], [sflag:$0x2] =	stream.indirect_vreg.gather [hbm4b:s5+s2], $0x80, v3, vm1, $0xb8;
	[tilespmem:$0x18800] =	vst v63  }
0x452: {  	s7 =	rddreg [dreg:$0x9];
	s8 =	simm.s32 $0x800  }
0x453: {  	[hbm4b:s7+s2] =	stream.linear.scatter [tilespmem:s8], [sflag:$0x3], $0xC000, $0x38;
	[tilespmem:$0x18800] =	vst v63  }
0x454: {  	_ =	swait.ge [sflag:s23], $0xC000  }
0x455: {  	[sflag:s23] =	ssyncset.done $0x0  }
0x456: {  	[sflag:s23] =	ssyncadd.s32 $0xFFFF4000  }
0x457: {  	_ =	swait.ge [sflag:s24], $0xC000  }
0x458: {  	[sflag:s24] =	ssyncset.done $0x0  }
0x459: {  	[sflag:s24] =	ssyncadd.s32 $0xFFFF4000  }
0x45a: {  	v3 =	vld [tilespmem:$0x400];
	_ =	sdelay $0x4  }
0x45b: {  	v56 =	vshrl.u32 v3, $0x3  }
0x45c: {  	v4 =	vmul.u32 $0x18, v56  }
0x45d: {  	v3 =	vand.u32 $0x7, v3  }
0x45e: {  	v3 =	vor.u32 v3, v4  }
0x45f: {  	v4 =	vperm.xlane v3, v0;
	_ =	sdelay $0x1  }
0x460: {  	v4 =	vadd.s32 v1, v4;
	_ =	sdelay $0x1  }
0x461: {  	v3 =	vperm.xlane v3, v2;
	_ =	sdelay $0x1  }
0x462: {  	v3 =	vadd.s32 v1, v3  }
0x463: {  	[tilespmem:s8], [sflag:$0x1] =	stream.indirect_vreg.gather [hbm4b:s4+s2], $0x80, v4, vm0, $0xb8;
	[tilespmem:$0x18800] =	vst v63  }
0x464: {  	_ = 	snop  }
0x465: {  	[tilespmem:s10], [sflag:$0x1] =	stream.indirect_vreg.gather [hbm4b:s5+s2], $0x80, v4, vm1, $0xb8;
	[tilespmem:$0x18800] =	vst v63  }
0x466: {  	_ = 	snop  }
0x467: {  	[tilespmem:s11], [sflag:$0x1] =	stream.indirect_vreg.gather [hbm4b:s4+s2], $0x80, v3, vm0, $0xb8;
	[tilespmem:$0x18800] =	vst v63  }
0x468: {  	s11 =	simm.s32 $0x1C00  }
0x469: {  	[tilespmem:s11], [sflag:$0x1] =	stream.indirect_vreg.gather [hbm4b:s5+s2], $0x80, v3, vm1, $0xb8;
	[tilespmem:$0x18800] =	vst v63  }
0x46a: {  	v3 =	vld [tilespmem:$0x410];
	_ =	sdelay $0x4  }
0x46b: {  	v57 =	vshrl.u32 v3, $0x3  }
0x46c: {  	v4 =	vmul.u32 $0x18, v57  }
0x46d: {  	v3 =	vand.u32 $0x7, v3  }
0x46e: {  	v3 =	vor.u32 v3, v4  }
0x46f: {  	v4 =	vperm.xlane v3, v0;
	_ =	sdelay $0x1  }
0x470: {  	v4 =	vadd.s32 v1, v4;
	_ =	sdelay $0x1  }
0x471: {  	v3 =	vperm.xlane v3, v2;
	_ =	sdelay $0x1  }
0x472: {  	v3 =	vadd.s32 v1, v3  }
0x473: {  	[tilespmem:s12], [sflag:$0x1] =	stream.indirect_vreg.gather [hbm4b:s4+s2], $0x80, v4, vm0, $0xb8;
	[tilespmem:$0x18800] =	vst v63  }
0x474: {  	_ = 	snop  }
0x475: {  	[tilespmem:s13], [sflag:$0x1] =	stream.indirect_vreg.gather [hbm4b:s5+s2], $0x80, v4, vm1, $0xb8;
	[tilespmem:$0x18800] =	vst v63  }
0x476: {  	_ = 	snop  }
0x477: {  	[tilespmem:s15], [sflag:$0x1] =	stream.indirect_vreg.gather [hbm4b:s4+s2], $0x80, v3, vm0, $0xb8;
	[tilespmem:$0x18800] =	vst v63  }
0x478: {  	s1 =	simm.s32 $0x3400  }
0x479: {  	[tilespmem:s1], [sflag:$0x1] =	stream.indirect_vreg.gather [hbm4b:s5+s2], $0x80, v3, vm1, $0xb8;
	[tilespmem:$0x18800] =	vst v63  }
0x47a: {  	v3 =	vld [tilespmem:$0x420];
	_ =	sdelay $0x4  }
0x47b: {  	v58 =	vshrl.u32 v3, $0x3  }
0x47c: {  	v4 =	vmul.u32 $0x18, v58  }
0x47d: {  	v3 =	vand.u32 $0x7, v3  }
0x47e: {  	v3 =	vor.u32 v3, v4  }
0x47f: {  	v4 =	vperm.xlane v3, v0;
	_ =	sdelay $0x1  }
0x480: {  	v4 =	vadd.s32 v1, v4;
	_ =	sdelay $0x1  }
0x481: {  	v3 =	vperm.xlane v3, v2;
	_ =	sdelay $0x1  }
0x482: {  	v3 =	vadd.s32 v1, v3  }
0x483: {  	[tilespmem:s16], [sflag:$0x1] =	stream.indirect_vreg.gather [hbm4b:s4+s2], $0x80, v4, vm0, $0xb8;
	[tilespmem:$0x18800] =	vst v63  }
0x484: {  	_ = 	snop  }
0x485: {  	[tilespmem:s17], [sflag:$0x1] =	stream.indirect_vreg.gather [hbm4b:s5+s2], $0x80, v4, vm1, $0xb8;
	[tilespmem:$0x18800] =	vst v63  }
0x486: {  	_ = 	snop  }
0x487: {  	[tilespmem:s18], [sflag:$0x1] =	stream.indirect_vreg.gather [hbm4b:s4+s2], $0x80, v3, vm0, $0xb8;
	[tilespmem:$0x18800] =	vst v63  }
0x488: {  	s3 =	simm.s32 $0x4C00  }
0x489: {  	[tilespmem:s3], [sflag:$0x1] =	stream.indirect_vreg.gather [hbm4b:s5+s2], $0x80, v3, vm1, $0xb8;
	[tilespmem:$0x18800] =	vst v63  }
0x48a: {  	v3 =	vld [tilespmem:$0x430];
	_ =	sdelay $0x4  }
0x48b: {  	v59 =	vshrl.u32 v3, $0x3  }
0x48c: {  	v4 =	vmul.u32 $0x18, v59  }
0x48d: {  	v3 =	vand.u32 $0x7, v3  }
0x48e: {  	v3 =	vor.u32 v3, v4  }
0x48f: {  	v4 =	vperm.xlane v3, v0;
	_ =	sdelay $0x1  }
0x490: {  	v4 =	vadd.s32 v1, v4;
	_ =	sdelay $0x1  }
0x491: {  	v3 =	vperm.xlane v3, v2;
	_ =	sdelay $0x1  }
0x492: {  	v3 =	vadd.s32 v1, v3  }
0x493: {  	[tilespmem:s19], [sflag:$0x1] =	stream.indirect_vreg.gather [hbm4b:s4+s2], $0x80, v4, vm0, $0xb8;
	[tilespmem:$0x18800] =	vst v63  }
0x494: {  	_ = 	snop  }
0x495: {  	[tilespmem:s21], [sflag:$0x1] =	stream.indirect_vreg.gather [hbm4b:s5+s2], $0x80, v4, vm1, $0xb8;
	[tilespmem:$0x18800] =	vst v63  }
0x496: {  	_ = 	snop  }
0x497: {  	[tilespmem:s22], [sflag:$0x1] =	stream.indirect_vreg.gather [hbm4b:s4+s2], $0x80, v3, vm0, $0xb8;
	[tilespmem:$0x18800] =	vst v63  }
0x498: {  	s6 =	simm.s32 $0x6400  }
0x499: {  	[tilespmem:s6], [sflag:$0x1] =	stream.indirect_vreg.gather [hbm4b:s5+s2], $0x80, v3, vm1, $0xb8;
	[tilespmem:$0x18800] =	vst v63  }
0x49a: {  	v3 =	vld [tilespmem:$0x440];
	_ =	sdelay $0x4  }
0x49b: {  	v60 =	vshrl.u32 v3, $0x3  }
0x49c: {  	v4 =	vmul.u32 $0x18, v60  }
0x49d: {  	v3 =	vand.u32 $0x7, v3  }
0x49e: {  	v3 =	vor.u32 v3, v4  }
0x49f: {  	v4 =	vperm.xlane v3, v0;
	_ =	sdelay $0x1  }
0x4a0: {  	v4 =	vadd.s32 v1, v4;
	_ =	sdelay $0x1  }
0x4a1: {  	v3 =	vperm.xlane v3, v2;
	_ =	sdelay $0x1  }
0x4a2: {  	v3 =	vadd.s32 v1, v3  }
0x4a3: {  	[tilespmem:s28], [sflag:$0x1] =	stream.indirect_vreg.gather [hbm4b:s4+s2], $0x80, v4, vm0, $0xb8;
	[tilespmem:$0x18800] =	vst v63  }
0x4a4: {  	_ = 	snop  }
0x4a5: {  	[tilespmem:s29], [sflag:$0x1] =	stream.indirect_vreg.gather [hbm4b:s5+s2], $0x80, v4, vm1, $0xb8;
	[tilespmem:$0x18800] =	vst v63  }
0x4a6: {  	_ = 	snop  }
0x4a7: {  	[tilespmem:s30], [sflag:$0x1] =	stream.indirect_vreg.gather [hbm4b:s4+s2], $0x80, v3, vm0, $0xb8;
	[tilespmem:$0x18800] =	vst v63  }
0x4a8: {  	s7 =	simm.s32 $0x7C00  }
0x4a9: {  	[tilespmem:s7], [sflag:$0x1] =	stream.indirect_vreg.gather [hbm4b:s5+s2], $0x80, v3, vm1, $0xb8;
	[tilespmem:$0x18800] =	vst v63  }
0x4aa: {  	v3 =	vld [tilespmem:$0x450];
	_ =	sdelay $0x4  }
0x4ab: {  	v61 =	vshrl.u32 v3, $0x3  }
0x4ac: {  	v4 =	vmul.u32 $0x18, v61  }
0x4ad: {  	v3 =	vand.u32 $0x7, v3  }
0x4ae: {  	v3 =	vor.u32 v3, v4  }
0x4af: {  	v4 =	vperm.xlane v3, v0;
	_ =	sdelay $0x1  }
0x4b0: {  	v4 =	vadd.s32 v1, v4;
	_ =	sdelay $0x1  }
0x4b1: {  	v3 =	vperm.xlane v3, v2;
	_ =	sdelay $0x1  }
0x4b2: {  	s30 =	simm.s32 $0x8000;
	v3 =	vadd.s32 v1, v3  }
0x4b3: {  	[tilespmem:s30], [sflag:$0x1] =	stream.indirect_vreg.gather [hbm4b:s4+s2], $0x80, v4, vm0, $0xb8;
	[tilespmem:$0x18800] =	vst v63  }
0x4b4: {  	s22 =	simm.s32 $0x8800  }
0x4b5: {  	[tilespmem:s22], [sflag:$0x1] =	stream.indirect_vreg.gather [hbm4b:s5+s2], $0x80, v4, vm1, $0xb8;
	[tilespmem:$0x18800] =	vst v63  }
0x4b6: {  	s21 =	simm.s32 $0x8C00  }
0x4b7: {  	[tilespmem:s21], [sflag:$0x1] =	stream.indirect_vreg.gather [hbm4b:s4+s2], $0x80, v3, vm0, $0xb8;
	[tilespmem:$0x18800] =	vst v63  }
0x4b8: {  	s20 =	simm.s32 $0x9400  }
0x4b9: {  	[tilespmem:s20], [sflag:$0x1] =	stream.indirect_vreg.gather [hbm4b:s5+s2], $0x80, v3, vm1, $0xb8;
	[tilespmem:$0x18800] =	vst v63  }
0x4ba: {  	v3 =	vld [tilespmem:$0x460];
	_ =	sdelay $0x4  }
0x4bb: {  	v62 =	vshrl.u32 v3, $0x3  }
0x4bc: {  	v4 =	vmul.u32 $0x18, v62  }
0x4bd: {  	v3 =	vand.u32 $0x7, v3  }
0x4be: {  	v3 =	vor.u32 v3, v4  }
0x4bf: {  	v4 =	vperm.xlane v3, v0;
	_ =	sdelay $0x1  }
0x4c0: {  	v4 =	vadd.s32 v1, v4;
	_ =	sdelay $0x1  }
0x4c1: {  	v3 =	vperm.xlane v3, v2;
	_ =	sdelay $0x1  }
0x4c2: {  	s13 =	simm.s32 $0x9800;
	v3 =	vadd.s32 v1, v3  }
0x4c3: {  	[tilespmem:s13], [sflag:$0x1] =	stream.indirect_vreg.gather [hbm4b:s4+s2], $0x80, v4, vm0, $0xb8;
	[tilespmem:$0x18800] =	vst v63  }
0x4c4: {  	s15 =	simm.s32 $0xA000  }
0x4c5: {  	[tilespmem:s15], [sflag:$0x1] =	stream.indirect_vreg.gather [hbm4b:s5+s2], $0x80, v4, vm1, $0xb8;
	[tilespmem:$0x18800] =	vst v63  }
0x4c6: {  	s16 =	simm.s32 $0xA400  }
0x4c7: {  	[tilespmem:s16], [sflag:$0x1] =	stream.indirect_vreg.gather [hbm4b:s4+s2], $0x80, v3, vm0, $0xb8;
	[tilespmem:$0x18800] =	vst v63  }
0x4c8: {  	s26 =	simm.s32 $0xAC00  }
0x4c9: {  	[tilespmem:s26], [sflag:$0x1] =	stream.indirect_vreg.gather [hbm4b:s5+s2], $0x80, v3, vm1, $0xb8;
	[tilespmem:$0x18800] =	vst v63  }
0x4ca: {  	v3 =	vld [tilespmem:$0x470];
	_ =	sdelay $0x4  }
0x4cb: {  	v63 =	vshrl.u32 v3, $0x3  }
0x4cc: {  	v4 =	vmul.u32 $0x18, v63  }
0x4cd: {  	v3 =	vand.u32 $0x7, v3  }
0x4ce: {  	v3 =	vor.u32 v3, v4  }
0x4cf: {  	v4 =	vperm.xlane v3, v0;
	_ =	sdelay $0x1  }
0x4d0: {  	v4 =	vadd.s32 v1, v4;
	_ =	sdelay $0x1  }
0x4d1: {  	v3 =	vperm.xlane v3, v2;
	_ =	sdelay $0x1  }
0x4d2: {  	s17 =	simm.s32 $0xB000;
	v3 =	vadd.s32 v1, v3  }
0x4d3: {  	[tilespmem:s17], [sflag:$0x1] =	stream.indirect_vreg.gather [hbm4b:s4+s2], $0x80, v4, vm0, $0xb8;
	[tilespmem:$0x18800] =	vst v63  }
0x4d4: {  	s18 =	simm.s32 $0xB800  }
0x4d5: {  	[tilespmem:s18], [sflag:$0x1] =	stream.indirect_vreg.gather [hbm4b:s5+s2], $0x80, v4, vm1, $0xb8;
	[tilespmem:$0x18800] =	vst v63  }
0x4d6: {  	s19 =	simm.s32 $0xBC00  }
0x4d7: {  	[tilespmem:s19], [sflag:$0x1] =	stream.indirect_vreg.gather [hbm4b:s4+s2], $0x80, v3, vm0, $0xb8;
	[tilespmem:$0x18800] =	vst v63  }
0x4d8: {  	s29 =	simm.s32 $0xC400  }
0x4d9: {  	[tilespmem:s29], [sflag:$0x1] =	stream.indirect_vreg.gather [hbm4b:s5+s2], $0x80, v3, vm1, $0xb8;
	[tilespmem:$0x18800] =	vst v63  }
0x4da: {  	s8 =	simm.s32 $0xC800;
	s28 =	rddreg [dreg:$0xa]  }
0x4db: {  	[hbm4b:s28+s2] =	stream.linear.scatter [tilespmem:s8], [sflag:$0x4], $0xC000, $0x38;
	[tilespmem:$0x18800] =	vst v63  }
0x4dc: {  	_ =	swait.ge [sflag:s14], $0xC000  }
0x4dd: {  	[sflag:s14] =	ssyncset.done $0x0  }
0x4de: {  	[sflag:s14] =	ssyncadd.s32 $0xFFFF4000  }
0x4df: {  	_ =	swait.ge [sflag:s25], $0xC000  }
0x4e0: {  	[sflag:s25] =	ssyncset.done $0x0  }
0x4e1: {  	[sflag:s25] =	ssyncadd.s32 $0xFFFF4000  }
0x4e2: {  	v3 =	vld [tilespmem:$0x480];
	_ =	sdelay $0x4  }
0x4e3: {  	v8 =	vshrl.u32 v3, $0x3  }
0x4e4: {  	v4 =	vmul.u32 $0x18, v8  }
0x4e5: {  	v3 =	vand.u32 $0x7, v3  }
0x4e6: {  	v3 =	vor.u32 v3, v4  }
0x4e7: {  	v4 =	vperm.xlane v3, v0;
	_ =	sdelay $0x1  }
0x4e8: {  	v4 =	vadd.s32 v1, v4;
	_ =	sdelay $0x1  }
0x4e9: {  	v3 =	vperm.xlane v3, v2;
	_ =	sdelay $0x1  }
0x4ea: {  	v3 =	vadd.s32 v1, v3  }
0x4eb: {  	[tilespmem:s8], [sflag:$0x2] =	stream.indirect_vreg.gather [hbm4b:s4+s2], $0x80, v4, vm0, $0xb8;
	[tilespmem:$0x18800] =	vst v63  }
0x4ec: {  	_ = 	snop  }
0x4ed: {  	[tilespmem:s9], [sflag:$0x2] =	stream.indirect_vreg.gather [hbm4b:s5+s2], $0x80, v4, vm1, $0xb8;
	[tilespmem:$0x18800] =	vst v63  }
0x4ee: {  	_ = 	snop  }
0x4ef: {  	[tilespmem:s31], [sflag:$0x2] =	stream.indirect_vreg.gather [hbm4b:s4+s2], $0x80, v3, vm0, $0xb8;
	[tilespmem:$0x18800] =	vst v63  }
0x4f0: {  	s28 =	simm.s32 $0xDC00  }
0x4f1: {  	[tilespmem:s28], [sflag:$0x2] =	stream.indirect_vreg.gather [hbm4b:s5+s2], $0x80, v3, vm1, $0xb8;
	[tilespmem:$0x18800] =	vst v63  }
0x4f2: {  	v3 =	vld [tilespmem:$0x490];
	_ =	sdelay $0x4  }
0x4f3: {  	v9 =	vshrl.u32 v3, $0x3  }
0x4f4: {  	v4 =	vmul.u32 $0x18, v9  }
0x4f5: {  	v3 =	vand.u32 $0x7, v3  }
0x4f6: {  	v3 =	vor.u32 v3, v4  }
0x4f7: {  	v4 =	vperm.xlane v3, v0;
	_ =	sdelay $0x1  }
0x4f8: {  	v4 =	vadd.s32 v1, v4;
	_ =	sdelay $0x1  }
0x4f9: {  	v3 =	vperm.xlane v3, v2;
	_ =	sdelay $0x1  }
0x4fa: {  	v3 =	vadd.s32 v1, v3  }
0x4fb: {  	[tilespmem:s0], [sflag:$0x2] =	stream.indirect_vreg.gather [hbm4b:s4+s2], $0x80, v4, vm0, $0xb8;
	[tilespmem:$0x18800] =	vst v63  }
0x4fc: {  	s12 =	simm.s32 $0xE800  }
0x4fd: {  	[tilespmem:s12], [sflag:$0x2] =	stream.indirect_vreg.gather [hbm4b:s5+s2], $0x80, v4, vm1, $0xb8;
	[tilespmem:$0x18800] =	vst v63  }
0x4fe: {  	s21 =	simm.s32 $0xEC00  }
0x4ff: {  	[tilespmem:s21], [sflag:$0x2] =	stream.indirect_vreg.gather [hbm4b:s4+s2], $0x80, v3, vm0, $0xb8;
	[tilespmem:$0x18800] =	vst v63  }
0x500: {  	s29 =	simm.s32 $0xF400  }
0x501: {  	[tilespmem:s29], [sflag:$0x2] =	stream.indirect_vreg.gather [hbm4b:s5+s2], $0x80, v3, vm1, $0xb8;
	[tilespmem:$0x18800] =	vst v63  }
0x502: {  	v3 =	vld [tilespmem:$0x4A0];
	_ =	sdelay $0x4  }
0x503: {  	v10 =	vshrl.u32 v3, $0x3  }
0x504: {  	v4 =	vmul.u32 $0x18, v10  }
0x505: {  	v3 =	vand.u32 $0x7, v3  }
0x506: {  	v3 =	vor.u32 v3, v4  }
0x507: {  	v4 =	vperm.xlane v3, v0;
	_ =	sdelay $0x1  }
0x508: {  	v4 =	vadd.s32 v1, v4;
	_ =	sdelay $0x1  }
0x509: {  	v3 =	vperm.xlane v3, v2;
	_ =	sdelay $0x1  }
0x50a: {  	s26 =	simm.s32 $0xF800;
	v3 =	vadd.s32 v1, v3  }
0x50b: {  	[tilespmem:s26], [sflag:$0x2] =	stream.indirect_vreg.gather [hbm4b:s4+s2], $0x80, v4, vm0, $0xb8;
	[tilespmem:$0x18800] =	vst v63  }
0x50c: {  	s31 =	simm.s32 $0x10000  }
0x50d: {  	[tilespmem:s31], [sflag:$0x2] =	stream.indirect_vreg.gather [hbm4b:s5+s2], $0x80, v4, vm1, $0xb8;
	[tilespmem:$0x18800] =	vst v63  }
0x50e: {  	s8 =	simm.s32 $0x10400  }
0x50f: {  	[tilespmem:s8], [sflag:$0x2] =	stream.indirect_vreg.gather [hbm4b:s4+s2], $0x80, v3, vm0, $0xb8;
	[tilespmem:$0x18800] =	vst v63  }
0x510: {  	s31 =	simm.s32 $0x10C00  }
0x511: {  	[tilespmem:s31], [sflag:$0x2] =	stream.indirect_vreg.gather [hbm4b:s5+s2], $0x80, v3, vm1, $0xb8;
	[tilespmem:$0x18800] =	vst v63  }
0x512: {  	v3 =	vld [tilespmem:$0x4B0];
	_ =	sdelay $0x4  }
0x513: {  	v11 =	vshrl.u32 v3, $0x3  }
0x514: {  	v4 =	vmul.u32 $0x18, v11  }
0x515: {  	v3 =	vand.u32 $0x7, v3  }
0x516: {  	v3 =	vor.u32 v3, v4  }
0x517: {  	v4 =	vperm.xlane v3, v0;
	_ =	sdelay $0x1  }
0x518: {  	v4 =	vadd.s32 v1, v4;
	_ =	sdelay $0x1  }
0x519: {  	v3 =	vperm.xlane v3, v2;
	_ =	sdelay $0x1  }
0x51a: {  	s9 =	simm.s32 $0x11000;
	v3 =	vadd.s32 v1, v3  }
0x51b: {  	[tilespmem:s9], [sflag:$0x2] =	stream.indirect_vreg.gather [hbm4b:s4+s2], $0x80, v4, vm0, $0xb8;
	[tilespmem:$0x18800] =	vst v63  }
0x51c: {  	s10 =	simm.s32 $0x11800  }
0x51d: {  	[tilespmem:s10], [sflag:$0x2] =	stream.indirect_vreg.gather [hbm4b:s5+s2], $0x80, v4, vm1, $0xb8;
	[tilespmem:$0x18800] =	vst v63  }
0x51e: {  	s12 =	simm.s32 $0x11C00  }
0x51f: {  	[tilespmem:s12], [sflag:$0x2] =	stream.indirect_vreg.gather [hbm4b:s4+s2], $0x80, v3, vm0, $0xb8;
	[tilespmem:$0x18800] =	vst v63  }
0x520: {  	s8 =	simm.s32 $0x12400  }
0x521: {  	[tilespmem:s8], [sflag:$0x2] =	stream.indirect_vreg.gather [hbm4b:s5+s2], $0x80, v3, vm1, $0xb8;
	[tilespmem:$0x18800] =	vst v63  }
0x522: {  	v3 =	vld [tilespmem:$0x4C0];
	_ =	sdelay $0x4  }
0x523: {  	v12 =	vshrl.u32 v3, $0x3  }
0x524: {  	v4 =	vmul.u32 $0x18, v12  }
0x525: {  	v3 =	vand.u32 $0x7, v3  }
0x526: {  	v3 =	vor.u32 v3, v4  }
0x527: {  	v4 =	vperm.xlane v3, v0;
	_ =	sdelay $0x1  }
0x528: {  	v4 =	vadd.s32 v1, v4;
	_ =	sdelay $0x1  }
0x529: {  	v3 =	vperm.xlane v3, v2;
	_ =	sdelay $0x1  }
0x52a: {  	s21 =	simm.s32 $0x12800;
	v3 =	vadd.s32 v1, v3  }
0x52b: {  	[tilespmem:s21], [sflag:$0x2] =	stream.indirect_vreg.gather [hbm4b:s4+s2], $0x80, v4, vm0, $0xb8;
	[tilespmem:$0x18800] =	vst v63  }
0x52c: {  	s26 =	simm.s32 $0x13000  }
0x52d: {  	[tilespmem:s26], [sflag:$0x2] =	stream.indirect_vreg.gather [hbm4b:s5+s2], $0x80, v4, vm1, $0xb8;
	[tilespmem:$0x18800] =	vst v63  }
0x52e: {  	s9 =	simm.s32 $0x13400  }
0x52f: {  	[tilespmem:s9], [sflag:$0x2] =	stream.indirect_vreg.gather [hbm4b:s4+s2], $0x80, v3, vm0, $0xb8;
	[tilespmem:$0x18800] =	vst v63  }
0x530: {  	s9 =	simm.s32 $0x13C00  }
0x531: {  	[tilespmem:s9], [sflag:$0x2] =	stream.indirect_vreg.gather [hbm4b:s5+s2], $0x80, v3, vm1, $0xb8;
	[tilespmem:$0x18800] =	vst v63  }
0x532: {  	v3 =	vld [tilespmem:$0x4D0];
	_ =	sdelay $0x4  }
0x533: {  	v13 =	vshrl.u32 v3, $0x3  }
0x534: {  	v4 =	vmul.u32 $0x18, v13  }
0x535: {  	v3 =	vand.u32 $0x7, v3  }
0x536: {  	v3 =	vor.u32 v3, v4  }
0x537: {  	v4 =	vperm.xlane v3, v0;
	_ =	sdelay $0x1  }
0x538: {  	v4 =	vadd.s32 v1, v4;
	_ =	sdelay $0x1  }
0x539: {  	v3 =	vperm.xlane v3, v2;
	_ =	sdelay $0x1  }
0x53a: {  	s10 =	simm.s32 $0x14000;
	v3 =	vadd.s32 v1, v3  }
0x53b: {  	[tilespmem:s10], [sflag:$0x2] =	stream.indirect_vreg.gather [hbm4b:s4+s2], $0x80, v4, vm0, $0xb8;
	[tilespmem:$0x18800] =	vst v63  }
0x53c: {  	s12 =	simm.s32 $0x14800  }
0x53d: {  	[tilespmem:s12], [sflag:$0x2] =	stream.indirect_vreg.gather [hbm4b:s5+s2], $0x80, v4, vm1, $0xb8;
	[tilespmem:$0x18800] =	vst v63  }
0x53e: {  	s21 =	simm.s32 $0x14C00  }
0x53f: {  	[tilespmem:s21], [sflag:$0x2] =	stream.indirect_vreg.gather [hbm4b:s4+s2], $0x80, v3, vm0, $0xb8;
	[tilespmem:$0x18800] =	vst v63  }
0x540: {  	s10 =	simm.s32 $0x15400  }
0x541: {  	[tilespmem:s10], [sflag:$0x2] =	stream.indirect_vreg.gather [hbm4b:s5+s2], $0x80, v3, vm1, $0xb8;
	[tilespmem:$0x18800] =	vst v63  }
0x542: {  	v3 =	vld [tilespmem:$0x4E0];
	_ =	sdelay $0x4  }
0x543: {  	v14 =	vshrl.u32 v3, $0x3  }
0x544: {  	v4 =	vmul.u32 $0x18, v14  }
0x545: {  	v3 =	vand.u32 $0x7, v3  }
0x546: {  	v3 =	vor.u32 v3, v4  }
0x547: {  	v4 =	vperm.xlane v3, v0;
	_ =	sdelay $0x1  }
0x548: {  	v4 =	vadd.s32 v1, v4;
	_ =	sdelay $0x1  }
0x549: {  	v3 =	vperm.xlane v3, v2;
	_ =	sdelay $0x1  }
0x54a: {  	s26 =	simm.s32 $0x15800;
	v3 =	vadd.s32 v1, v3  }
0x54b: {  	[tilespmem:s26], [sflag:$0x2] =	stream.indirect_vreg.gather [hbm4b:s4+s2], $0x80, v4, vm0, $0xb8;
	[tilespmem:$0x18800] =	vst v63  }
0x54c: {  	s12 =	simm.s32 $0x16000  }
0x54d: {  	[tilespmem:s12], [sflag:$0x2] =	stream.indirect_vreg.gather [hbm4b:s5+s2], $0x80, v4, vm1, $0xb8;
	[tilespmem:$0x18800] =	vst v63  }
0x54e: {  	s21 =	simm.s32 $0x16400  }
0x54f: {  	[tilespmem:s21], [sflag:$0x2] =	stream.indirect_vreg.gather [hbm4b:s4+s2], $0x80, v3, vm0, $0xb8;
	[tilespmem:$0x18800] =	vst v63  }
0x550: {  	s26 =	simm.s32 $0x16C00  }
0x551: {  	[tilespmem:s26], [sflag:$0x2] =	stream.indirect_vreg.gather [hbm4b:s5+s2], $0x80, v3, vm1, $0xb8;
	[tilespmem:$0x18800] =	vst v63  }
0x552: {  	v3 =	vld [tilespmem:$0x4F0];
	_ =	sdelay $0x4  }
0x553: {  	v15 =	vshrl.u32 v3, $0x3  }
0x554: {  	v4 =	vmul.u32 $0x18, v15  }
0x555: {  	v3 =	vand.u32 $0x7, v3  }
0x556: {  	v3 =	vor.u32 v3, v4  }
0x557: {  	v4 =	vperm.xlane v3, v0;
	_ =	sdelay $0x1  }
0x558: {  	v4 =	vadd.s32 v1, v4;
	_ =	sdelay $0x1  }
0x559: {  	v3 =	vperm.xlane v3, v2;
	_ =	sdelay $0x1  }
0x55a: {  	s12 =	simm.s32 $0x17000;
	v3 =	vadd.s32 v1, v3  }
0x55b: {  	[tilespmem:s12], [sflag:$0x2] =	stream.indirect_vreg.gather [hbm4b:s4+s2], $0x80, v4, vm0, $0xb8;
	[tilespmem:$0x18800] =	vst v63  }
0x55c: {  	s21 =	simm.s32 $0x17800  }
0x55d: {  	[tilespmem:s21], [sflag:$0x2] =	stream.indirect_vreg.gather [hbm4b:s5+s2], $0x80, v4, vm1, $0xb8;
	[tilespmem:$0x18800] =	vst v63  }
0x55e: {  	s26 =	simm.s32 $0x17C00  }
0x55f: {  	[tilespmem:s26], [sflag:$0x2] =	stream.indirect_vreg.gather [hbm4b:s4+s2], $0x80, v3, vm0, $0xb8;
	[tilespmem:$0x18800] =	vst v63  }
0x560: {  	s21 =	simm.s32 $0x18400  }
0x561: {  	[tilespmem:s21], [sflag:$0x2] =	stream.indirect_vreg.gather [hbm4b:s5+s2], $0x80, v3, vm1, $0xb8;
	[tilespmem:$0x18800] =	vst v63  }
0x562: {  	s0 =	rddreg [dreg:$0xb];
	s12 =	simm.s32 $0x800  }
0x563: {  	[hbm4b:s0+s2] =	stream.linear.scatter [tilespmem:s12], [sflag:$0x3], $0xC000, $0x38;
	[tilespmem:$0x18800] =	vst v63  }
0x564: {  	_ =	swait.ge [sflag:s23], $0xC000  }
0x565: {  	[sflag:s23] =	ssyncset.done $0x0  }
0x566: {  	[sflag:s23] =	ssyncadd.s32 $0xFFFF4000  }
0x567: {  	_ =	swait.ge [sflag:s24], $0xC000  }
0x568: {  	[sflag:s24] =	ssyncset.done $0x0  }
0x569: {  	[sflag:s24] =	ssyncadd.s32 $0xFFFF4000  }
0x56a: {  	v3 =	vld [tilespmem:$0x500];
	_ =	sdelay $0x4  }
0x56b: {  	v16 =	vshrl.u32 v3, $0x3  }
0x56c: {  	v4 =	vmul.u32 $0x18, v16  }
0x56d: {  	v3 =	vand.u32 $0x7, v3  }
0x56e: {  	v3 =	vor.u32 v3, v4  }
0x56f: {  	v4 =	vperm.xlane v3, v0;
	_ =	sdelay $0x1  }
0x570: {  	v4 =	vadd.s32 v1, v4;
	_ =	sdelay $0x1  }
0x571: {  	v3 =	vperm.xlane v3, v2;
	_ =	sdelay $0x1  }
0x572: {  	v3 =	vadd.s32 v1, v3  }
0x573: {  	[tilespmem:s12], [sflag:$0x1] =	stream.indirect_vreg.gather [hbm4b:s4+s2], $0x80, v4, vm0, $0xb8;
	[tilespmem:$0x18800] =	vst v63  }
0x574: {  	s12 =	simm.s32 $0x1000  }
0x575: {  	[tilespmem:s12], [sflag:$0x1] =	stream.indirect_vreg.gather [hbm4b:s5+s2], $0x80, v4, vm1, $0xb8;
	[tilespmem:$0x18800] =	vst v63  }
0x576: {  	s26 =	simm.s32 $0x1400  }
0x577: {  	[tilespmem:s26], [sflag:$0x1] =	stream.indirect_vreg.gather [hbm4b:s4+s2], $0x80, v3, vm0, $0xb8;
	[tilespmem:$0x18800] =	vst v63  }
0x578: {  	_ = 	snop  }
0x579: {  	[tilespmem:s11], [sflag:$0x1] =	stream.indirect_vreg.gather [hbm4b:s5+s2], $0x80, v3, vm1, $0xb8;
	[tilespmem:$0x18800] =	vst v63  }
0x57a: {  	v3 =	vld [tilespmem:$0x510];
	_ =	sdelay $0x4  }
0x57b: {  	v17 =	vshrl.u32 v3, $0x3  }
0x57c: {  	v4 =	vmul.u32 $0x18, v17  }
0x57d: {  	v3 =	vand.u32 $0x7, v3  }
0x57e: {  	v3 =	vor.u32 v3, v4  }
0x57f: {  	v4 =	vperm.xlane v3, v0;
	_ =	sdelay $0x1  }
0x580: {  	v4 =	vadd.s32 v1, v4;
	_ =	sdelay $0x1  }
0x581: {  	v3 =	vperm.xlane v3, v2;
	_ =	sdelay $0x1  }
0x582: {  	s11 =	simm.s32 $0x2000;
	v3 =	vadd.s32 v1, v3  }
0x583: {  	[tilespmem:s11], [sflag:$0x1] =	stream.indirect_vreg.gather [hbm4b:s4+s2], $0x80, v4, vm0, $0xb8;
	[tilespmem:$0x18800] =	vst v63  }
0x584: {  	s26 =	simm.s32 $0x2800  }
0x585: {  	[tilespmem:s26], [sflag:$0x1] =	stream.indirect_vreg.gather [hbm4b:s5+s2], $0x80, v4, vm1, $0xb8;
	[tilespmem:$0x18800] =	vst v63  }
0x586: {  	s26 =	simm.s32 $0x2C00  }
0x587: {  	[tilespmem:s26], [sflag:$0x1] =	stream.indirect_vreg.gather [hbm4b:s4+s2], $0x80, v3, vm0, $0xb8;
	[tilespmem:$0x18800] =	vst v63  }
0x588: {  	_ = 	snop  }
0x589: {  	[tilespmem:s1], [sflag:$0x1] =	stream.indirect_vreg.gather [hbm4b:s5+s2], $0x80, v3, vm1, $0xb8;
	[tilespmem:$0x18800] =	vst v63  }
0x58a: {  	v3 =	vld [tilespmem:$0x520];
	_ =	sdelay $0x4  }
0x58b: {  	v18 =	vshrl.u32 v3, $0x3  }
0x58c: {  	v4 =	vmul.u32 $0x18, v18  }
0x58d: {  	v3 =	vand.u32 $0x7, v3  }
0x58e: {  	v3 =	vor.u32 v3, v4  }
0x58f: {  	v4 =	vperm.xlane v3, v0;
	_ =	sdelay $0x1  }
0x590: {  	v4 =	vadd.s32 v1, v4;
	_ =	sdelay $0x1  }
0x591: {  	v3 =	vperm.xlane v3, v2;
	_ =	sdelay $0x1  }
0x592: {  	s26 =	simm.s32 $0x3800;
	v3 =	vadd.s32 v1, v3  }
0x593: {  	[tilespmem:s26], [sflag:$0x1] =	stream.indirect_vreg.gather [hbm4b:s4+s2], $0x80, v4, vm0, $0xb8;
	[tilespmem:$0x18800] =	vst v63  }
0x594: {  	s26 =	simm.s32 $0x4000  }
0x595: {  	[tilespmem:s26], [sflag:$0x1] =	stream.indirect_vreg.gather [hbm4b:s5+s2], $0x80, v4, vm1, $0xb8;
	[tilespmem:$0x18800] =	vst v63  }
0x596: {  	s26 =	simm.s32 $0x4400  }
0x597: {  	[tilespmem:s26], [sflag:$0x1] =	stream.indirect_vreg.gather [hbm4b:s4+s2], $0x80, v3, vm0, $0xb8;
	[tilespmem:$0x18800] =	vst v63  }
0x598: {  	_ = 	snop  }
0x599: {  	[tilespmem:s3], [sflag:$0x1] =	stream.indirect_vreg.gather [hbm4b:s5+s2], $0x80, v3, vm1, $0xb8;
	[tilespmem:$0x18800] =	vst v63  }
0x59a: {  	v3 =	vld [tilespmem:$0x530];
	_ =	sdelay $0x4  }
0x59b: {  	v19 =	vshrl.u32 v3, $0x3  }
0x59c: {  	v4 =	vmul.u32 $0x18, v19  }
0x59d: {  	v3 =	vand.u32 $0x7, v3  }
0x59e: {  	v3 =	vor.u32 v3, v4  }
0x59f: {  	v4 =	vperm.xlane v3, v0;
	_ =	sdelay $0x1  }
0x5a0: {  	v4 =	vadd.s32 v1, v4;
	_ =	sdelay $0x1  }
0x5a1: {  	v3 =	vperm.xlane v3, v2;
	_ =	sdelay $0x1  }
0x5a2: {  	s3 =	simm.s32 $0x5000;
	v3 =	vadd.s32 v1, v3  }
0x5a3: {  	[tilespmem:s3], [sflag:$0x1] =	stream.indirect_vreg.gather [hbm4b:s4+s2], $0x80, v4, vm0, $0xb8;
	[tilespmem:$0x18800] =	vst v63  }
0x5a4: {  	s26 =	simm.s32 $0x5800  }
0x5a5: {  	[tilespmem:s26], [sflag:$0x1] =	stream.indirect_vreg.gather [hbm4b:s5+s2], $0x80, v4, vm1, $0xb8;
	[tilespmem:$0x18800] =	vst v63  }
0x5a6: {  	s26 =	simm.s32 $0x5C00  }
0x5a7: {  	[tilespmem:s26], [sflag:$0x1] =	stream.indirect_vreg.gather [hbm4b:s4+s2], $0x80, v3, vm0, $0xb8;
	[tilespmem:$0x18800] =	vst v63  }
0x5a8: {  	_ = 	snop  }
0x5a9: {  	[tilespmem:s6], [sflag:$0x1] =	stream.indirect_vreg.gather [hbm4b:s5+s2], $0x80, v3, vm1, $0xb8;
	[tilespmem:$0x18800] =	vst v63  }
0x5aa: {  	v3 =	vld [tilespmem:$0x540];
	_ =	sdelay $0x4  }
0x5ab: {  	v20 =	vshrl.u32 v3, $0x3  }
0x5ac: {  	v4 =	vmul.u32 $0x18, v20  }
0x5ad: {  	v3 =	vand.u32 $0x7, v3  }
0x5ae: {  	v3 =	vor.u32 v3, v4  }
0x5af: {  	v4 =	vperm.xlane v3, v0;
	_ =	sdelay $0x1  }
0x5b0: {  	v4 =	vadd.s32 v1, v4;
	_ =	sdelay $0x1  }
0x5b1: {  	v3 =	vperm.xlane v3, v2;
	_ =	sdelay $0x1  }
0x5b2: {  	s6 =	simm.s32 $0x6800;
	v3 =	vadd.s32 v1, v3  }
0x5b3: {  	[tilespmem:s6], [sflag:$0x1] =	stream.indirect_vreg.gather [hbm4b:s4+s2], $0x80, v4, vm0, $0xb8;
	[tilespmem:$0x18800] =	vst v63  }
0x5b4: {  	s26 =	simm.s32 $0x7000  }
0x5b5: {  	[tilespmem:s26], [sflag:$0x1] =	stream.indirect_vreg.gather [hbm4b:s5+s2], $0x80, v4, vm1, $0xb8;
	[tilespmem:$0x18800] =	vst v63  }
0x5b6: {  	s26 =	simm.s32 $0x7400  }
0x5b7: {  	[tilespmem:s26], [sflag:$0x1] =	stream.indirect_vreg.gather [hbm4b:s4+s2], $0x80, v3, vm0, $0xb8;
	[tilespmem:$0x18800] =	vst v63  }
0x5b8: {  	_ = 	snop  }
0x5b9: {  	[tilespmem:s7], [sflag:$0x1] =	stream.indirect_vreg.gather [hbm4b:s5+s2], $0x80, v3, vm1, $0xb8;
	[tilespmem:$0x18800] =	vst v63  }
0x5ba: {  	v3 =	vld [tilespmem:$0x550];
	_ =	sdelay $0x4  }
0x5bb: {  	v21 =	vshrl.u32 v3, $0x3  }
0x5bc: {  	v4 =	vmul.u32 $0x18, v21  }
0x5bd: {  	v3 =	vand.u32 $0x7, v3  }
0x5be: {  	v3 =	vor.u32 v3, v4  }
0x5bf: {  	v4 =	vperm.xlane v3, v0;
	_ =	sdelay $0x1  }
0x5c0: {  	v4 =	vadd.s32 v1, v4;
	_ =	sdelay $0x1  }
0x5c1: {  	v3 =	vperm.xlane v3, v2;
	_ =	sdelay $0x1  }
0x5c2: {  	v3 =	vadd.s32 v1, v3  }
0x5c3: {  	[tilespmem:s30], [sflag:$0x1] =	stream.indirect_vreg.gather [hbm4b:s4+s2], $0x80, v4, vm0, $0xb8;
	[tilespmem:$0x18800] =	vst v63  }
0x5c4: {  	_ = 	snop  }
0x5c5: {  	[tilespmem:s22], [sflag:$0x1] =	stream.indirect_vreg.gather [hbm4b:s5+s2], $0x80, v4, vm1, $0xb8;
	[tilespmem:$0x18800] =	vst v63  }
0x5c6: {  	s7 =	simm.s32 $0x8C00  }
0x5c7: {  	[tilespmem:s7], [sflag:$0x1] =	stream.indirect_vreg.gather [hbm4b:s4+s2], $0x80, v3, vm0, $0xb8;
	[tilespmem:$0x18800] =	vst v63  }
0x5c8: {  	_ = 	snop  }
0x5c9: {  	[tilespmem:s20], [sflag:$0x1] =	stream.indirect_vreg.gather [hbm4b:s5+s2], $0x80, v3, vm1, $0xb8;
	[tilespmem:$0x18800] =	vst v63  }
0x5ca: {  	v3 =	vld [tilespmem:$0x560];
	_ =	sdelay $0x4  }
0x5cb: {  	v22 =	vshrl.u32 v3, $0x3  }
0x5cc: {  	v4 =	vmul.u32 $0x18, v22  }
0x5cd: {  	v3 =	vand.u32 $0x7, v3  }
0x5ce: {  	v3 =	vor.u32 v3, v4  }
0x5cf: {  	v4 =	vperm.xlane v3, v0;
	_ =	sdelay $0x1  }
0x5d0: {  	v4 =	vadd.s32 v1, v4;
	_ =	sdelay $0x1  }
0x5d1: {  	v3 =	vperm.xlane v3, v2;
	_ =	sdelay $0x1  }
0x5d2: {  	v3 =	vadd.s32 v1, v3  }
0x5d3: {  	[tilespmem:s13], [sflag:$0x1] =	stream.indirect_vreg.gather [hbm4b:s4+s2], $0x80, v4, vm0, $0xb8;
	[tilespmem:$0x18800] =	vst v63  }
0x5d4: {  	_ = 	snop  }
0x5d5: {  	[tilespmem:s15], [sflag:$0x1] =	stream.indirect_vreg.gather [hbm4b:s5+s2], $0x80, v4, vm1, $0xb8;
	[tilespmem:$0x18800] =	vst v63  }
0x5d6: {  	_ = 	snop  }
0x5d7: {  	[tilespmem:s16], [sflag:$0x1] =	stream.indirect_vreg.gather [hbm4b:s4+s2], $0x80, v3, vm0, $0xb8;
	[tilespmem:$0x18800] =	vst v63  }
0x5d8: {  	s20 =	simm.s32 $0xAC00  }
0x5d9: {  	[tilespmem:s20], [sflag:$0x1] =	stream.indirect_vreg.gather [hbm4b:s5+s2], $0x80, v3, vm1, $0xb8;
	[tilespmem:$0x18800] =	vst v63  }
0x5da: {  	v3 =	vld [tilespmem:$0x570];
	_ =	sdelay $0x4  }
0x5db: {  	v23 =	vshrl.u32 v3, $0x3  }
0x5dc: {  	v4 =	vmul.u32 $0x18, v23  }
0x5dd: {  	v3 =	vand.u32 $0x7, v3  }
0x5de: {  	v3 =	vor.u32 v3, v4  }
0x5df: {  	v4 =	vperm.xlane v3, v0;
	_ =	sdelay $0x1  }
0x5e0: {  	v4 =	vadd.s32 v1, v4;
	_ =	sdelay $0x1  }
0x5e1: {  	v3 =	vperm.xlane v3, v2;
	_ =	sdelay $0x1  }
0x5e2: {  	v3 =	vadd.s32 v1, v3  }
0x5e3: {  	[tilespmem:s17], [sflag:$0x1] =	stream.indirect_vreg.gather [hbm4b:s4+s2], $0x80, v4, vm0, $0xb8;
	[tilespmem:$0x18800] =	vst v63  }
0x5e4: {  	_ = 	snop  }
0x5e5: {  	[tilespmem:s18], [sflag:$0x1] =	stream.indirect_vreg.gather [hbm4b:s5+s2], $0x80, v4, vm1, $0xb8;
	[tilespmem:$0x18800] =	vst v63  }
0x5e6: {  	_ = 	snop  }
0x5e7: {  	[tilespmem:s19], [sflag:$0x1] =	stream.indirect_vreg.gather [hbm4b:s4+s2], $0x80, v3, vm0, $0xb8;
	[tilespmem:$0x18800] =	vst v63  }
0x5e8: {  	s1 =	simm.s32 $0xC400  }
0x5e9: {  	[tilespmem:s1], [sflag:$0x1] =	stream.indirect_vreg.gather [hbm4b:s5+s2], $0x80, v3, vm1, $0xb8;
	[tilespmem:$0x18800] =	vst v63  }
0x5ea: {  	s22 =	simm.s32 $0xC800;
	s19 =	rddreg [dreg:$0xc]  }
0x5eb: {  	[hbm4b:s19+s2] =	stream.linear.scatter [tilespmem:s22], [sflag:$0x4], $0xC000, $0x38;
	[tilespmem:$0x18800] =	vst v63  }
0x5ec: {  	_ =	swait.ge [sflag:s14], $0xC000  }
0x5ed: {  	[sflag:s14] =	ssyncset.done $0x0  }
0x5ee: {  	[sflag:s14] =	ssyncadd.s32 $0xFFFF4000  }
0x5ef: {  	_ =	swait.ge [sflag:s25], $0xC000  }
0x5f0: {  	[sflag:s25] =	ssyncset.done $0x0  }
0x5f1: {  	[sflag:s25] =	ssyncadd.s32 $0xFFFF4000  }
0x5f2: {  	v3 =	vld [tilespmem:$0x580];
	_ =	sdelay $0x4  }
0x5f3: {  	v24 =	vshrl.u32 v3, $0x3  }
0x5f4: {  	v4 =	vmul.u32 $0x18, v24  }
0x5f5: {  	v3 =	vand.u32 $0x7, v3  }
0x5f6: {  	v3 =	vor.u32 v3, v4  }
0x5f7: {  	v4 =	vperm.xlane v3, v0;
	_ =	sdelay $0x1  }
0x5f8: {  	v4 =	vadd.s32 v1, v4;
	_ =	sdelay $0x1  }
0x5f9: {  	v3 =	vperm.xlane v3, v2;
	_ =	sdelay $0x1  }
0x5fa: {  	v3 =	vadd.s32 v1, v3  }
0x5fb: {  	[tilespmem:s22], [sflag:$0x2] =	stream.indirect_vreg.gather [hbm4b:s4+s2], $0x80, v4, vm0, $0xb8;
	[tilespmem:$0x18800] =	vst v63  }
0x5fc: {  	s19 =	simm.s32 $0xD000  }
0x5fd: {  	[tilespmem:s19], [sflag:$0x2] =	stream.indirect_vreg.gather [hbm4b:s5+s2], $0x80, v4, vm1, $0xb8;
	[tilespmem:$0x18800] =	vst v63  }
0x5fe: {  	s7 =	simm.s32 $0xD400  }
0x5ff: {  	[tilespmem:s7], [sflag:$0x2] =	stream.indirect_vreg.gather [hbm4b:s4+s2], $0x80, v3, vm0, $0xb8;
	[tilespmem:$0x18800] =	vst v63  }
0x600: {  	_ = 	snop  }
0x601: {  	[tilespmem:s28], [sflag:$0x2] =	stream.indirect_vreg.gather [hbm4b:s5+s2], $0x80, v3, vm1, $0xb8;
	[tilespmem:$0x18800] =	vst v63  }
0x602: {  	v3 =	vld [tilespmem:$0x590];
	_ =	sdelay $0x4  }
0x603: {  	v25 =	vshrl.u32 v3, $0x3  }
0x604: {  	v4 =	vmul.u32 $0x18, v25  }
0x605: {  	v3 =	vand.u32 $0x7, v3  }
0x606: {  	v3 =	vor.u32 v3, v4  }
0x607: {  	v4 =	vperm.xlane v3, v0;
	_ =	sdelay $0x1  }
0x608: {  	v4 =	vadd.s32 v1, v4;
	_ =	sdelay $0x1  }
0x609: {  	v3 =	vperm.xlane v3, v2;
	_ =	sdelay $0x1  }
0x60a: {  	s30 =	simm.s32 $0xE000;
	v3 =	vadd.s32 v1, v3  }
0x60b: {  	[tilespmem:s30], [sflag:$0x2] =	stream.indirect_vreg.gather [hbm4b:s4+s2], $0x80, v4, vm0, $0xb8;
	[tilespmem:$0x18800] =	vst v63  }
0x60c: {  	s13 =	simm.s32 $0xE800  }
0x60d: {  	[tilespmem:s13], [sflag:$0x2] =	stream.indirect_vreg.gather [hbm4b:s5+s2], $0x80, v4, vm1, $0xb8;
	[tilespmem:$0x18800] =	vst v63  }
0x60e: {  	s15 =	simm.s32 $0xEC00  }
0x60f: {  	[tilespmem:s15], [sflag:$0x2] =	stream.indirect_vreg.gather [hbm4b:s4+s2], $0x80, v3, vm0, $0xb8;
	[tilespmem:$0x18800] =	vst v63  }
0x610: {  	_ = 	snop  }
0x611: {  	[tilespmem:s29], [sflag:$0x2] =	stream.indirect_vreg.gather [hbm4b:s5+s2], $0x80, v3, vm1, $0xb8;
	[tilespmem:$0x18800] =	vst v63  }
0x612: {  	v3 =	vld [tilespmem:$0x5A0];
	_ =	sdelay $0x4  }
0x613: {  	v26 =	vshrl.u32 v3, $0x3  }
0x614: {  	v4 =	vmul.u32 $0x18, v26  }
0x615: {  	v3 =	vand.u32 $0x7, v3  }
0x616: {  	v3 =	vor.u32 v3, v4  }
0x617: {  	v4 =	vperm.xlane v3, v0;
	_ =	sdelay $0x1  }
0x618: {  	v4 =	vadd.s32 v1, v4;
	_ =	sdelay $0x1  }
0x619: {  	v3 =	vperm.xlane v3, v2;
	_ =	sdelay $0x1  }
0x61a: {  	s16 =	simm.s32 $0xF800;
	v3 =	vadd.s32 v1, v3  }
0x61b: {  	[tilespmem:s16], [sflag:$0x2] =	stream.indirect_vreg.gather [hbm4b:s4+s2], $0x80, v4, vm0, $0xb8;
	[tilespmem:$0x18800] =	vst v63  }
0x61c: {  	s17 =	simm.s32 $0x10000  }
0x61d: {  	[tilespmem:s17], [sflag:$0x2] =	stream.indirect_vreg.gather [hbm4b:s5+s2], $0x80, v4, vm1, $0xb8;
	[tilespmem:$0x18800] =	vst v63  }
0x61e: {  	s18 =	simm.s32 $0x10400  }
0x61f: {  	[tilespmem:s18], [sflag:$0x2] =	stream.indirect_vreg.gather [hbm4b:s4+s2], $0x80, v3, vm0, $0xb8;
	[tilespmem:$0x18800] =	vst v63  }
0x620: {  	_ = 	snop  }
0x621: {  	[tilespmem:s31], [sflag:$0x2] =	stream.indirect_vreg.gather [hbm4b:s5+s2], $0x80, v3, vm1, $0xb8;
	[tilespmem:$0x18800] =	vst v63  }
0x622: {  	v3 =	vld [tilespmem:$0x5B0];
	_ =	sdelay $0x4  }
0x623: {  	v27 =	vshrl.u32 v3, $0x3  }
0x624: {  	v4 =	vmul.u32 $0x18, v27  }
0x625: {  	v3 =	vand.u32 $0x7, v3  }
0x626: {  	v3 =	vor.u32 v3, v4  }
0x627: {  	v4 =	vperm.xlane v3, v0;
	_ =	sdelay $0x1  }
0x628: {  	v4 =	vadd.s32 v1, v4;
	_ =	sdelay $0x1  }
0x629: {  	v3 =	vperm.xlane v3, v2;
	_ =	sdelay $0x1  }
0x62a: {  	s22 =	simm.s32 $0x11000;
	v3 =	vadd.s32 v1, v3  }
0x62b: {  	[tilespmem:s22], [sflag:$0x2] =	stream.indirect_vreg.gather [hbm4b:s4+s2], $0x80, v4, vm0, $0xb8;
	[tilespmem:$0x18800] =	vst v63  }
0x62c: {  	s28 =	simm.s32 $0x11800  }
0x62d: {  	[tilespmem:s28], [sflag:$0x2] =	stream.indirect_vreg.gather [hbm4b:s5+s2], $0x80, v4, vm1, $0xb8;
	[tilespmem:$0x18800] =	vst v63  }
0x62e: {  	s29 =	simm.s32 $0x11C00  }
0x62f: {  	[tilespmem:s29], [sflag:$0x2] =	stream.indirect_vreg.gather [hbm4b:s4+s2], $0x80, v3, vm0, $0xb8;
	[tilespmem:$0x18800] =	vst v63  }
0x630: {  	_ = 	snop  }
0x631: {  	[tilespmem:s8], [sflag:$0x2] =	stream.indirect_vreg.gather [hbm4b:s5+s2], $0x80, v3, vm1, $0xb8;
	[tilespmem:$0x18800] =	vst v63  }
0x632: {  	v3 =	vld [tilespmem:$0x5C0];
	_ =	sdelay $0x4  }
0x633: {  	v28 =	vshrl.u32 v3, $0x3  }
0x634: {  	v4 =	vmul.u32 $0x18, v28  }
0x635: {  	v3 =	vand.u32 $0x7, v3  }
0x636: {  	v3 =	vor.u32 v3, v4  }
0x637: {  	v4 =	vperm.xlane v3, v0;
	_ =	sdelay $0x1  }
0x638: {  	v4 =	vadd.s32 v1, v4;
	_ =	sdelay $0x1  }
0x639: {  	v3 =	vperm.xlane v3, v2;
	_ =	sdelay $0x1  }
0x63a: {  	s31 =	simm.s32 $0x12800;
	v3 =	vadd.s32 v1, v3  }
0x63b: {  	[tilespmem:s31], [sflag:$0x2] =	stream.indirect_vreg.gather [hbm4b:s4+s2], $0x80, v4, vm0, $0xb8;
	[tilespmem:$0x18800] =	vst v63  }
0x63c: {  	s30 =	simm.s32 $0x13000  }
0x63d: {  	[tilespmem:s30], [sflag:$0x2] =	stream.indirect_vreg.gather [hbm4b:s5+s2], $0x80, v4, vm1, $0xb8;
	[tilespmem:$0x18800] =	vst v63  }
0x63e: {  	s31 =	simm.s32 $0x13400  }
0x63f: {  	[tilespmem:s31], [sflag:$0x2] =	stream.indirect_vreg.gather [hbm4b:s4+s2], $0x80, v3, vm0, $0xb8;
	[tilespmem:$0x18800] =	vst v63  }
0x640: {  	_ = 	snop  }
0x641: {  	[tilespmem:s9], [sflag:$0x2] =	stream.indirect_vreg.gather [hbm4b:s5+s2], $0x80, v3, vm1, $0xb8;
	[tilespmem:$0x18800] =	vst v63  }
0x642: {  	v3 =	vld [tilespmem:$0x5D0];
	_ =	sdelay $0x4  }
0x643: {  	v29 =	vshrl.u32 v3, $0x3  }
0x644: {  	v4 =	vmul.u32 $0x18, v29  }
0x645: {  	v3 =	vand.u32 $0x7, v3  }
0x646: {  	v3 =	vor.u32 v3, v4  }
0x647: {  	v4 =	vperm.xlane v3, v0;
	_ =	sdelay $0x1  }
0x648: {  	v4 =	vadd.s32 v1, v4;
	_ =	sdelay $0x1  }
0x649: {  	v3 =	vperm.xlane v3, v2;
	_ =	sdelay $0x1  }
0x64a: {  	s26 =	simm.s32 $0x14000;
	v3 =	vadd.s32 v1, v3  }
0x64b: {  	[tilespmem:s26], [sflag:$0x2] =	stream.indirect_vreg.gather [hbm4b:s4+s2], $0x80, v4, vm0, $0xb8;
	[tilespmem:$0x18800] =	vst v63  }
0x64c: {  	s9 =	simm.s32 $0x14800  }
0x64d: {  	[tilespmem:s9], [sflag:$0x2] =	stream.indirect_vreg.gather [hbm4b:s5+s2], $0x80, v4, vm1, $0xb8;
	[tilespmem:$0x18800] =	vst v63  }
0x64e: {  	s8 =	simm.s32 $0x14C00  }
0x64f: {  	[tilespmem:s8], [sflag:$0x2] =	stream.indirect_vreg.gather [hbm4b:s4+s2], $0x80, v3, vm0, $0xb8;
	[tilespmem:$0x18800] =	vst v63  }
0x650: {  	_ = 	snop  }
0x651: {  	[tilespmem:s10], [sflag:$0x2] =	stream.indirect_vreg.gather [hbm4b:s5+s2], $0x80, v3, vm1, $0xb8;
	[tilespmem:$0x18800] =	vst v63  }
0x652: {  	v3 =	vld [tilespmem:$0x5E0];
	_ =	sdelay $0x4  }
0x653: {  	v30 =	vshrl.u32 v3, $0x3  }
0x654: {  	v4 =	vmul.u32 $0x18, v30  }
0x655: {  	v3 =	vand.u32 $0x7, v3  }
0x656: {  	v3 =	vor.u32 v3, v4  }
0x657: {  	v4 =	vperm.xlane v3, v0;
	_ =	sdelay $0x1  }
0x658: {  	v4 =	vadd.s32 v1, v4;
	_ =	sdelay $0x1  }
0x659: {  	v3 =	vperm.xlane v3, v2;
	_ =	sdelay $0x1  }
0x65a: {  	s9 =	simm.s32 $0x15800;
	v3 =	vadd.s32 v1, v3  }
0x65b: {  	[tilespmem:s9], [sflag:$0x2] =	stream.indirect_vreg.gather [hbm4b:s4+s2], $0x80, v4, vm0, $0xb8;
	[tilespmem:$0x18800] =	vst v63  }
0x65c: {  	s10 =	simm.s32 $0x16000  }
0x65d: {  	[tilespmem:s10], [sflag:$0x2] =	stream.indirect_vreg.gather [hbm4b:s5+s2], $0x80, v4, vm1, $0xb8;
	[tilespmem:$0x18800] =	vst v63  }
0x65e: {  	s8 =	simm.s32 $0x16400  }
0x65f: {  	[tilespmem:s8], [sflag:$0x2] =	stream.indirect_vreg.gather [hbm4b:s4+s2], $0x80, v3, vm0, $0xb8;
	[tilespmem:$0x18800] =	vst v63  }
0x660: {  	s9 =	simm.s32 $0x16C00  }
0x661: {  	[tilespmem:s9], [sflag:$0x2] =	stream.indirect_vreg.gather [hbm4b:s5+s2], $0x80, v3, vm1, $0xb8;
	[tilespmem:$0x18800] =	vst v63  }
0x662: {  	v3 =	vld [tilespmem:$0x5F0];
	_ =	sdelay $0x4  }
0x663: {  	v31 =	vshrl.u32 v3, $0x3  }
0x664: {  	v4 =	vmul.u32 $0x18, v31  }
0x665: {  	v3 =	vand.u32 $0x7, v3  }
0x666: {  	v3 =	vor.u32 v3, v4  }
0x667: {  	v4 =	vperm.xlane v3, v0;
	_ =	sdelay $0x1  }
0x668: {  	v4 =	vadd.s32 v1, v4;
	_ =	sdelay $0x1  }
0x669: {  	v3 =	vperm.xlane v3, v2;
	_ =	sdelay $0x1  }
0x66a: {  	s10 =	simm.s32 $0x17000;
	v3 =	vadd.s32 v1, v3  }
0x66b: {  	[tilespmem:s10], [sflag:$0x2] =	stream.indirect_vreg.gather [hbm4b:s4+s2], $0x80, v4, vm0, $0xb8;
	[tilespmem:$0x18800] =	vst v63  }
0x66c: {  	s8 =	simm.s32 $0x17800  }
0x66d: {  	[tilespmem:s8], [sflag:$0x2] =	stream.indirect_vreg.gather [hbm4b:s5+s2], $0x80, v4, vm1, $0xb8;
	[tilespmem:$0x18800] =	vst v63  }
0x66e: {  	s9 =	simm.s32 $0x17C00  }
0x66f: {  	[tilespmem:s9], [sflag:$0x2] =	stream.indirect_vreg.gather [hbm4b:s4+s2], $0x80, v3, vm0, $0xb8;
	[tilespmem:$0x18800] =	vst v63  }
0x670: {  	_ = 	snop  }
0x671: {  	[tilespmem:s21], [sflag:$0x2] =	stream.indirect_vreg.gather [hbm4b:s5+s2], $0x80, v3, vm1, $0xb8;
	[tilespmem:$0x18800] =	vst v63  }
0x672: {  	s0 =	simm.s32 $0x800;
	s10 =	rddreg [dreg:$0xd]  }
0x673: {  	[hbm4b:s10+s2] =	stream.linear.scatter [tilespmem:s0], [sflag:$0x3], $0xC000, $0x38;
	[tilespmem:$0x18800] =	vst v63  }
0x674: {  	_ =	swait.ge [sflag:s23], $0xC000  }
0x675: {  	[sflag:s23] =	ssyncset.done $0x0  }
0x676: {  	[sflag:s23] =	ssyncadd.s32 $0xFFFF4000  }
0x677: {  	_ =	swait.ge [sflag:s24], $0xC000  }
0x678: {  	[sflag:s24] =	ssyncset.done $0x0  }
0x679: {  	[sflag:s24] =	ssyncadd.s32 $0xFFFF4000  }
0x67a: {  	v3 =	vld [tilespmem:$0x600];
	_ =	sdelay $0x4  }
0x67b: {  	v32 =	vshrl.u32 v3, $0x3  }
0x67c: {  	v4 =	vmul.u32 $0x18, v32  }
0x67d: {  	v3 =	vand.u32 $0x7, v3  }
0x67e: {  	v3 =	vor.u32 v3, v4  }
0x67f: {  	v4 =	vperm.xlane v3, v0;
	_ =	sdelay $0x1  }
0x680: {  	v4 =	vadd.s32 v1, v4;
	_ =	sdelay $0x1  }
0x681: {  	v3 =	vperm.xlane v3, v2;
	_ =	sdelay $0x1  }
0x682: {  	v3 =	vadd.s32 v1, v3  }
0x683: {  	[tilespmem:s0], [sflag:$0x1] =	stream.indirect_vreg.gather [hbm4b:s4+s2], $0x80, v4, vm0, $0xb8;
	[tilespmem:$0x18800] =	vst v63  }
0x684: {  	_ = 	snop  }
0x685: {  	[tilespmem:s12], [sflag:$0x1] =	stream.indirect_vreg.gather [hbm4b:s5+s2], $0x80, v4, vm1, $0xb8;
	[tilespmem:$0x18800] =	vst v63  }
0x686: {  	s26 =	simm.s32 $0x1400  }
0x687: {  	[tilespmem:s26], [sflag:$0x1] =	stream.indirect_vreg.gather [hbm4b:s4+s2], $0x80, v3, vm0, $0xb8;
	[tilespmem:$0x18800] =	vst v63  }
0x688: {  	s8 =	simm.s32 $0x1C00  }
0x689: {  	[tilespmem:s8], [sflag:$0x1] =	stream.indirect_vreg.gather [hbm4b:s5+s2], $0x80, v3, vm1, $0xb8;
	[tilespmem:$0x18800] =	vst v63  }
0x68a: {  	v3 =	vld [tilespmem:$0x610];
	_ =	sdelay $0x4  }
0x68b: {  	v33 =	vshrl.u32 v3, $0x3  }
0x68c: {  	v4 =	vmul.u32 $0x18, v33  }
0x68d: {  	v3 =	vand.u32 $0x7, v3  }
0x68e: {  	v3 =	vor.u32 v3, v4  }
0x68f: {  	v4 =	vperm.xlane v3, v0;
	_ =	sdelay $0x1  }
0x690: {  	v4 =	vadd.s32 v1, v4;
	_ =	sdelay $0x1  }
0x691: {  	v3 =	vperm.xlane v3, v2;
	_ =	sdelay $0x1  }
0x692: {  	v3 =	vadd.s32 v1, v3  }
0x693: {  	[tilespmem:s11], [sflag:$0x1] =	stream.indirect_vreg.gather [hbm4b:s4+s2], $0x80, v4, vm0, $0xb8;
	[tilespmem:$0x18800] =	vst v63  }
0x694: {  	s9 =	simm.s32 $0x2800  }
0x695: {  	[tilespmem:s9], [sflag:$0x1] =	stream.indirect_vreg.gather [hbm4b:s5+s2], $0x80, v4, vm1, $0xb8;
	[tilespmem:$0x18800] =	vst v63  }
0x696: {  	s10 =	simm.s32 $0x2C00  }
0x697: {  	[tilespmem:s10], [sflag:$0x1] =	stream.indirect_vreg.gather [hbm4b:s4+s2], $0x80, v3, vm0, $0xb8;
	[tilespmem:$0x18800] =	vst v63  }
0x698: {  	s11 =	simm.s32 $0x3400  }
0x699: {  	[tilespmem:s11], [sflag:$0x1] =	stream.indirect_vreg.gather [hbm4b:s5+s2], $0x80, v3, vm1, $0xb8;
	[tilespmem:$0x18800] =	vst v63  }
0x69a: {  	v3 =	vld [tilespmem:$0x620];
	_ =	sdelay $0x4  }
0x69b: {  	v34 =	vshrl.u32 v3, $0x3  }
0x69c: {  	v4 =	vmul.u32 $0x18, v34  }
0x69d: {  	v3 =	vand.u32 $0x7, v3  }
0x69e: {  	v3 =	vor.u32 v3, v4  }
0x69f: {  	v4 =	vperm.xlane v3, v0;
	_ =	sdelay $0x1  }
0x6a0: {  	v4 =	vadd.s32 v1, v4;
	_ =	sdelay $0x1  }
0x6a1: {  	v3 =	vperm.xlane v3, v2;
	_ =	sdelay $0x1  }
0x6a2: {  	s12 =	simm.s32 $0x3800;
	v3 =	vadd.s32 v1, v3  }
0x6a3: {  	[tilespmem:s12], [sflag:$0x1] =	stream.indirect_vreg.gather [hbm4b:s4+s2], $0x80, v4, vm0, $0xb8;
	[tilespmem:$0x18800] =	vst v63  }
0x6a4: {  	s21 =	simm.s32 $0x4000  }
0x6a5: {  	[tilespmem:s21], [sflag:$0x1] =	stream.indirect_vreg.gather [hbm4b:s5+s2], $0x80, v4, vm1, $0xb8;
	[tilespmem:$0x18800] =	vst v63  }
0x6a6: {  	s26 =	simm.s32 $0x4400  }
0x6a7: {  	[tilespmem:s26], [sflag:$0x1] =	stream.indirect_vreg.gather [hbm4b:s4+s2], $0x80, v3, vm0, $0xb8;
	[tilespmem:$0x18800] =	vst v63  }
0x6a8: {  	s8 =	simm.s32 $0x4C00  }
0x6a9: {  	[tilespmem:s8], [sflag:$0x1] =	stream.indirect_vreg.gather [hbm4b:s5+s2], $0x80, v3, vm1, $0xb8;
	[tilespmem:$0x18800] =	vst v63  }
0x6aa: {  	v3 =	vld [tilespmem:$0x630];
	_ =	sdelay $0x4  }
0x6ab: {  	v35 =	vshrl.u32 v3, $0x3  }
0x6ac: {  	v4 =	vmul.u32 $0x18, v35  }
0x6ad: {  	v3 =	vand.u32 $0x7, v3  }
0x6ae: {  	v3 =	vor.u32 v3, v4  }
0x6af: {  	v4 =	vperm.xlane v3, v0;
	_ =	sdelay $0x1  }
0x6b0: {  	v4 =	vadd.s32 v1, v4;
	_ =	sdelay $0x1  }
0x6b1: {  	v3 =	vperm.xlane v3, v2;
	_ =	sdelay $0x1  }
0x6b2: {  	v3 =	vadd.s32 v1, v3  }
0x6b3: {  	[tilespmem:s3], [sflag:$0x1] =	stream.indirect_vreg.gather [hbm4b:s4+s2], $0x80, v4, vm0, $0xb8;
	[tilespmem:$0x18800] =	vst v63  }
0x6b4: {  	s9 =	simm.s32 $0x5800  }
0x6b5: {  	[tilespmem:s9], [sflag:$0x1] =	stream.indirect_vreg.gather [hbm4b:s5+s2], $0x80, v4, vm1, $0xb8;
	[tilespmem:$0x18800] =	vst v63  }
0x6b6: {  	s10 =	simm.s32 $0x5C00  }
0x6b7: {  	[tilespmem:s10], [sflag:$0x1] =	stream.indirect_vreg.gather [hbm4b:s4+s2], $0x80, v3, vm0, $0xb8;
	[tilespmem:$0x18800] =	vst v63  }
0x6b8: {  	s11 =	simm.s32 $0x6400  }
0x6b9: {  	[tilespmem:s11], [sflag:$0x1] =	stream.indirect_vreg.gather [hbm4b:s5+s2], $0x80, v3, vm1, $0xb8;
	[tilespmem:$0x18800] =	vst v63  }
0x6ba: {  	v3 =	vld [tilespmem:$0x640];
	_ =	sdelay $0x4  }
0x6bb: {  	v36 =	vshrl.u32 v3, $0x3  }
0x6bc: {  	v4 =	vmul.u32 $0x18, v36  }
0x6bd: {  	v3 =	vand.u32 $0x7, v3  }
0x6be: {  	v3 =	vor.u32 v3, v4  }
0x6bf: {  	v4 =	vperm.xlane v3, v0;
	_ =	sdelay $0x1  }
0x6c0: {  	v4 =	vadd.s32 v1, v4;
	_ =	sdelay $0x1  }
0x6c1: {  	v3 =	vperm.xlane v3, v2;
	_ =	sdelay $0x1  }
0x6c2: {  	v3 =	vadd.s32 v1, v3  }
0x6c3: {  	[tilespmem:s6], [sflag:$0x1] =	stream.indirect_vreg.gather [hbm4b:s4+s2], $0x80, v4, vm0, $0xb8;
	[tilespmem:$0x18800] =	vst v63  }
0x6c4: {  	s12 =	simm.s32 $0x7000  }
0x6c5: {  	[tilespmem:s12], [sflag:$0x1] =	stream.indirect_vreg.gather [hbm4b:s5+s2], $0x80, v4, vm1, $0xb8;
	[tilespmem:$0x18800] =	vst v63  }
0x6c6: {  	s21 =	simm.s32 $0x7400  }
0x6c7: {  	[tilespmem:s21], [sflag:$0x1] =	stream.indirect_vreg.gather [hbm4b:s4+s2], $0x80, v3, vm0, $0xb8;
	[tilespmem:$0x18800] =	vst v63  }
0x6c8: {  	s26 =	simm.s32 $0x7C00  }
0x6c9: {  	[tilespmem:s26], [sflag:$0x1] =	stream.indirect_vreg.gather [hbm4b:s5+s2], $0x80, v3, vm1, $0xb8;
	[tilespmem:$0x18800] =	vst v63  }
0x6ca: {  	v3 =	vld [tilespmem:$0x650];
	_ =	sdelay $0x4  }
0x6cb: {  	v37 =	vshrl.u32 v3, $0x3  }
0x6cc: {  	v4 =	vmul.u32 $0x18, v37  }
0x6cd: {  	v3 =	vand.u32 $0x7, v3  }
0x6ce: {  	v3 =	vor.u32 v3, v4  }
0x6cf: {  	v4 =	vperm.xlane v3, v0;
	_ =	sdelay $0x1  }
0x6d0: {  	v4 =	vadd.s32 v1, v4;
	_ =	sdelay $0x1  }
0x6d1: {  	v3 =	vperm.xlane v3, v2;
	_ =	sdelay $0x1  }
0x6d2: {  	s21 =	simm.s32 $0x8000;
	v3 =	vadd.s32 v1, v3  }
0x6d3: {  	[tilespmem:s21], [sflag:$0x1] =	stream.indirect_vreg.gather [hbm4b:s4+s2], $0x80, v4, vm0, $0xb8;
	[tilespmem:$0x18800] =	vst v63  }
0x6d4: {  	s0 =	simm.s32 $0x8800  }
0x6d5: {  	[tilespmem:s0], [sflag:$0x1] =	stream.indirect_vreg.gather [hbm4b:s5+s2], $0x80, v4, vm1, $0xb8;
	[tilespmem:$0x18800] =	vst v63  }
0x6d6: {  	s0 =	simm.s32 $0x8C00  }
0x6d7: {  	[tilespmem:s0], [sflag:$0x1] =	stream.indirect_vreg.gather [hbm4b:s4+s2], $0x80, v3, vm0, $0xb8;
	[tilespmem:$0x18800] =	vst v63  }
0x6d8: {  	s6 =	simm.s32 $0x9400  }
0x6d9: {  	[tilespmem:s6], [sflag:$0x1] =	stream.indirect_vreg.gather [hbm4b:s5+s2], $0x80, v3, vm1, $0xb8;
	[tilespmem:$0x18800] =	vst v63  }
0x6da: {  	v3 =	vld [tilespmem:$0x660];
	_ =	sdelay $0x4  }
0x6db: {  	v38 =	vshrl.u32 v3, $0x3  }
0x6dc: {  	v4 =	vmul.u32 $0x18, v38  }
0x6dd: {  	v3 =	vand.u32 $0x7, v3  }
0x6de: {  	v3 =	vor.u32 v3, v4  }
0x6df: {  	v4 =	vperm.xlane v3, v0;
	_ =	sdelay $0x1  }
0x6e0: {  	v4 =	vadd.s32 v1, v4;
	_ =	sdelay $0x1  }
0x6e1: {  	v3 =	vperm.xlane v3, v2;
	_ =	sdelay $0x1  }
0x6e2: {  	s8 =	simm.s32 $0x9800;
	v3 =	vadd.s32 v1, v3  }
0x6e3: {  	[tilespmem:s8], [sflag:$0x1] =	stream.indirect_vreg.gather [hbm4b:s4+s2], $0x80, v4, vm0, $0xb8;
	[tilespmem:$0x18800] =	vst v63  }
0x6e4: {  	s9 =	simm.s32 $0xA000  }
0x6e5: {  	[tilespmem:s9], [sflag:$0x1] =	stream.indirect_vreg.gather [hbm4b:s5+s2], $0x80, v4, vm1, $0xb8;
	[tilespmem:$0x18800] =	vst v63  }
0x6e6: {  	s3 =	simm.s32 $0xA400  }
0x6e7: {  	[tilespmem:s3], [sflag:$0x1] =	stream.indirect_vreg.gather [hbm4b:s4+s2], $0x80, v3, vm0, $0xb8;
	[tilespmem:$0x18800] =	vst v63  }
0x6e8: {  	_ = 	snop  }
0x6e9: {  	[tilespmem:s20], [sflag:$0x1] =	stream.indirect_vreg.gather [hbm4b:s5+s2], $0x80, v3, vm1, $0xb8;
	[tilespmem:$0x18800] =	vst v63  }
0x6ea: {  	v3 =	vld [tilespmem:$0x670];
	_ =	sdelay $0x4  }
0x6eb: {  	v39 =	vshrl.u32 v3, $0x3  }
0x6ec: {  	v4 =	vmul.u32 $0x18, v39  }
0x6ed: {  	v3 =	vand.u32 $0x7, v3  }
0x6ee: {  	v3 =	vor.u32 v3, v4  }
0x6ef: {  	v4 =	vperm.xlane v3, v0;
	_ =	sdelay $0x1  }
0x6f0: {  	v4 =	vadd.s32 v1, v4;
	_ =	sdelay $0x1  }
0x6f1: {  	v3 =	vperm.xlane v3, v2;
	_ =	sdelay $0x1  }
0x6f2: {  	s10 =	simm.s32 $0xB000;
	v3 =	vadd.s32 v1, v3  }
0x6f3: {  	[tilespmem:s10], [sflag:$0x1] =	stream.indirect_vreg.gather [hbm4b:s4+s2], $0x80, v4, vm0, $0xb8;
	[tilespmem:$0x18800] =	vst v63  }
0x6f4: {  	s11 =	simm.s32 $0xB800  }
0x6f5: {  	[tilespmem:s11], [sflag:$0x1] =	stream.indirect_vreg.gather [hbm4b:s5+s2], $0x80, v4, vm1, $0xb8;
	[tilespmem:$0x18800] =	vst v63  }
0x6f6: {  	s6 =	simm.s32 $0xBC00  }
0x6f7: {  	[tilespmem:s6], [sflag:$0x1] =	stream.indirect_vreg.gather [hbm4b:s4+s2], $0x80, v3, vm0, $0xb8;
	[tilespmem:$0x18800] =	vst v63  }
0x6f8: {  	_ = 	snop  }
0x6f9: {  	[tilespmem:s1], [sflag:$0x1] =	stream.indirect_vreg.gather [hbm4b:s5+s2], $0x80, v3, vm1, $0xb8;
	[tilespmem:$0x18800] =	vst v63  }
0x6fa: {  	s12 =	rddreg [dreg:$0xe];
	s20 =	simm.s32 $0xC800  }
0x6fb: {  	[hbm4b:s12+s2] =	stream.linear.scatter [tilespmem:s20], [sflag:$0x4], $0xC000, $0x38;
	[tilespmem:$0x18800] =	vst v63  }
0x6fc: {  	_ =	swait.ge [sflag:s14], $0xC000  }
0x6fd: {  	[sflag:s14] =	ssyncset.done $0x0  }
0x6fe: {  	[sflag:s14] =	ssyncadd.s32 $0xFFFF4000  }
0x6ff: {  	_ =	swait.ge [sflag:s25], $0xC000  }
0x700: {  	[sflag:s25] =	ssyncset.done $0x0  }
0x701: {  	[sflag:s25] =	ssyncadd.s32 $0xFFFF4000  }
0x702: {  	v3 =	vld [tilespmem:$0x680];
	_ =	sdelay $0x4  }
0x703: {  	v40 =	vshrl.u32 v3, $0x3  }
0x704: {  	v4 =	vmul.u32 $0x18, v40  }
0x705: {  	v3 =	vand.u32 $0x7, v3  }
0x706: {  	v3 =	vor.u32 v3, v4  }
0x707: {  	v4 =	vperm.xlane v3, v0;
	_ =	sdelay $0x1  }
0x708: {  	v4 =	vadd.s32 v1, v4;
	_ =	sdelay $0x1  }
0x709: {  	v3 =	vperm.xlane v3, v2;
	_ =	sdelay $0x1  }
0x70a: {  	v3 =	vadd.s32 v1, v3  }
0x70b: {  	[tilespmem:s20], [sflag:$0x2] =	stream.indirect_vreg.gather [hbm4b:s4+s2], $0x80, v4, vm0, $0xb8;
	[tilespmem:$0x18800] =	vst v63  }
0x70c: {  	_ = 	snop  }
0x70d: {  	[tilespmem:s19], [sflag:$0x2] =	stream.indirect_vreg.gather [hbm4b:s5+s2], $0x80, v4, vm1, $0xb8;
	[tilespmem:$0x18800] =	vst v63  }
0x70e: {  	_ = 	snop  }
0x70f: {  	[tilespmem:s7], [sflag:$0x2] =	stream.indirect_vreg.gather [hbm4b:s4+s2], $0x80, v3, vm0, $0xb8;
	[tilespmem:$0x18800] =	vst v63  }
0x710: {  	s7 =	simm.s32 $0xDC00  }
0x711: {  	[tilespmem:s7], [sflag:$0x2] =	stream.indirect_vreg.gather [hbm4b:s5+s2], $0x80, v3, vm1, $0xb8;
	[tilespmem:$0x18800] =	vst v63  }
0x712: {  	v3 =	vld [tilespmem:$0x690];
	_ =	sdelay $0x4  }
0x713: {  	v41 =	vshrl.u32 v3, $0x3  }
0x714: {  	v4 =	vmul.u32 $0x18, v41  }
0x715: {  	v3 =	vand.u32 $0x7, v3  }
0x716: {  	v3 =	vor.u32 v3, v4  }
0x717: {  	v4 =	vperm.xlane v3, v0;
	_ =	sdelay $0x1  }
0x718: {  	v4 =	vadd.s32 v1, v4;
	_ =	sdelay $0x1  }
0x719: {  	v3 =	vperm.xlane v3, v2;
	_ =	sdelay $0x1  }
0x71a: {  	s26 =	simm.s32 $0xE000;
	v3 =	vadd.s32 v1, v3  }
0x71b: {  	[tilespmem:s26], [sflag:$0x2] =	stream.indirect_vreg.gather [hbm4b:s4+s2], $0x80, v4, vm0, $0xb8;
	[tilespmem:$0x18800] =	vst v63  }
0x71c: {  	_ = 	snop  }
0x71d: {  	[tilespmem:s13], [sflag:$0x2] =	stream.indirect_vreg.gather [hbm4b:s5+s2], $0x80, v4, vm1, $0xb8;
	[tilespmem:$0x18800] =	vst v63  }
0x71e: {  	_ = 	snop  }
0x71f: {  	[tilespmem:s15], [sflag:$0x2] =	stream.indirect_vreg.gather [hbm4b:s4+s2], $0x80, v3, vm0, $0xb8;
	[tilespmem:$0x18800] =	vst v63  }
0x720: {  	s8 =	simm.s32 $0xF400  }
0x721: {  	[tilespmem:s8], [sflag:$0x2] =	stream.indirect_vreg.gather [hbm4b:s5+s2], $0x80, v3, vm1, $0xb8;
	[tilespmem:$0x18800] =	vst v63  }
0x722: {  	v3 =	vld [tilespmem:$0x6A0];
	_ =	sdelay $0x4  }
0x723: {  	v42 =	vshrl.u32 v3, $0x3  }
0x724: {  	v4 =	vmul.u32 $0x18, v42  }
0x725: {  	v3 =	vand.u32 $0x7, v3  }
0x726: {  	v3 =	vor.u32 v3, v4  }
0x727: {  	v4 =	vperm.xlane v3, v0;
	_ =	sdelay $0x1  }
0x728: {  	v4 =	vadd.s32 v1, v4;
	_ =	sdelay $0x1  }
0x729: {  	v3 =	vperm.xlane v3, v2;
	_ =	sdelay $0x1  }
0x72a: {  	v3 =	vadd.s32 v1, v3  }
0x72b: {  	[tilespmem:s16], [sflag:$0x2] =	stream.indirect_vreg.gather [hbm4b:s4+s2], $0x80, v4, vm0, $0xb8;
	[tilespmem:$0x18800] =	vst v63  }
0x72c: {  	_ = 	snop  }
0x72d: {  	[tilespmem:s17], [sflag:$0x2] =	stream.indirect_vreg.gather [hbm4b:s5+s2], $0x80, v4, vm1, $0xb8;
	[tilespmem:$0x18800] =	vst v63  }
0x72e: {  	_ = 	snop  }
0x72f: {  	[tilespmem:s18], [sflag:$0x2] =	stream.indirect_vreg.gather [hbm4b:s4+s2], $0x80, v3, vm0, $0xb8;
	[tilespmem:$0x18800] =	vst v63  }
0x730: {  	s9 =	simm.s32 $0x10C00  }
0x731: {  	[tilespmem:s9], [sflag:$0x2] =	stream.indirect_vreg.gather [hbm4b:s5+s2], $0x80, v3, vm1, $0xb8;
	[tilespmem:$0x18800] =	vst v63  }
0x732: {  	v3 =	vld [tilespmem:$0x6B0];
	_ =	sdelay $0x4  }
0x733: {  	v43 =	vshrl.u32 v3, $0x3  }
0x734: {  	v4 =	vmul.u32 $0x18, v43  }
0x735: {  	v3 =	vand.u32 $0x7, v3  }
0x736: {  	v3 =	vor.u32 v3, v4  }
0x737: {  	v4 =	vperm.xlane v3, v0;
	_ =	sdelay $0x1  }
0x738: {  	v4 =	vadd.s32 v1, v4;
	_ =	sdelay $0x1  }
0x739: {  	v3 =	vperm.xlane v3, v2;
	_ =	sdelay $0x1  }
0x73a: {  	v3 =	vadd.s32 v1, v3  }
0x73b: {  	[tilespmem:s22], [sflag:$0x2] =	stream.indirect_vreg.gather [hbm4b:s4+s2], $0x80, v4, vm0, $0xb8;
	[tilespmem:$0x18800] =	vst v63  }
0x73c: {  	_ = 	snop  }
0x73d: {  	[tilespmem:s28], [sflag:$0x2] =	stream.indirect_vreg.gather [hbm4b:s5+s2], $0x80, v4, vm1, $0xb8;
	[tilespmem:$0x18800] =	vst v63  }
0x73e: {  	_ = 	snop  }
0x73f: {  	[tilespmem:s29], [sflag:$0x2] =	stream.indirect_vreg.gather [hbm4b:s4+s2], $0x80, v3, vm0, $0xb8;
	[tilespmem:$0x18800] =	vst v63  }
0x740: {  	s10 =	simm.s32 $0x12400  }
0x741: {  	[tilespmem:s10], [sflag:$0x2] =	stream.indirect_vreg.gather [hbm4b:s5+s2], $0x80, v3, vm1, $0xb8;
	[tilespmem:$0x18800] =	vst v63  }
0x742: {  	v3 =	vld [tilespmem:$0x6C0];
	_ =	sdelay $0x4  }
0x743: {  	v44 =	vshrl.u32 v3, $0x3  }
0x744: {  	v4 =	vmul.u32 $0x18, v44  }
0x745: {  	v3 =	vand.u32 $0x7, v3  }
0x746: {  	v3 =	vor.u32 v3, v4  }
0x747: {  	v4 =	vperm.xlane v3, v0;
	_ =	sdelay $0x1  }
0x748: {  	v4 =	vadd.s32 v1, v4;
	_ =	sdelay $0x1  }
0x749: {  	v3 =	vperm.xlane v3, v2;
	_ =	sdelay $0x1  }
0x74a: {  	s29 =	simm.s32 $0x12800;
	v3 =	vadd.s32 v1, v3  }
0x74b: {  	[tilespmem:s29], [sflag:$0x2] =	stream.indirect_vreg.gather [hbm4b:s4+s2], $0x80, v4, vm0, $0xb8;
	[tilespmem:$0x18800] =	vst v63  }
0x74c: {  	_ = 	snop  }
0x74d: {  	[tilespmem:s30], [sflag:$0x2] =	stream.indirect_vreg.gather [hbm4b:s5+s2], $0x80, v4, vm1, $0xb8;
	[tilespmem:$0x18800] =	vst v63  }
0x74e: {  	_ = 	snop  }
0x74f: {  	[tilespmem:s31], [sflag:$0x2] =	stream.indirect_vreg.gather [hbm4b:s4+s2], $0x80, v3, vm0, $0xb8;
	[tilespmem:$0x18800] =	vst v63  }
0x750: {  	s11 =	simm.s32 $0x13C00  }
0x751: {  	[tilespmem:s11], [sflag:$0x2] =	stream.indirect_vreg.gather [hbm4b:s5+s2], $0x80, v3, vm1, $0xb8;
	[tilespmem:$0x18800] =	vst v63  }
0x752: {  	v3 =	vld [tilespmem:$0x6D0];
	_ =	sdelay $0x4  }
0x753: {  	v45 =	vshrl.u32 v3, $0x3  }
0x754: {  	v4 =	vmul.u32 $0x18, v45  }
0x755: {  	v3 =	vand.u32 $0x7, v3  }
0x756: {  	v3 =	vor.u32 v3, v4  }
0x757: {  	v4 =	vperm.xlane v3, v0;
	_ =	sdelay $0x1  }
0x758: {  	v4 =	vadd.s32 v1, v4;
	_ =	sdelay $0x1  }
0x759: {  	v3 =	vperm.xlane v3, v2;
	_ =	sdelay $0x1  }
0x75a: {  	s31 =	simm.s32 $0x14000;
	v3 =	vadd.s32 v1, v3  }
0x75b: {  	[tilespmem:s31], [sflag:$0x2] =	stream.indirect_vreg.gather [hbm4b:s4+s2], $0x80, v4, vm0, $0xb8;
	[tilespmem:$0x18800] =	vst v63  }
0x75c: {  	s12 =	simm.s32 $0x14800  }
0x75d: {  	[tilespmem:s12], [sflag:$0x2] =	stream.indirect_vreg.gather [hbm4b:s5+s2], $0x80, v4, vm1, $0xb8;
	[tilespmem:$0x18800] =	vst v63  }
0x75e: {  	s13 =	simm.s32 $0x14C00  }
0x75f: {  	[tilespmem:s13], [sflag:$0x2] =	stream.indirect_vreg.gather [hbm4b:s4+s2], $0x80, v3, vm0, $0xb8;
	[tilespmem:$0x18800] =	vst v63  }
0x760: {  	s12 =	simm.s32 $0x15400  }
0x761: {  	[tilespmem:s12], [sflag:$0x2] =	stream.indirect_vreg.gather [hbm4b:s5+s2], $0x80, v3, vm1, $0xb8;
	[tilespmem:$0x18800] =	vst v63  }
0x762: {  	v3 =	vld [tilespmem:$0x6E0];
	_ =	sdelay $0x4  }
0x763: {  	v46 =	vshrl.u32 v3, $0x3  }
0x764: {  	v4 =	vmul.u32 $0x18, v46  }
0x765: {  	v3 =	vand.u32 $0x7, v3  }
0x766: {  	v3 =	vor.u32 v3, v4  }
0x767: {  	v4 =	vperm.xlane v3, v0;
	_ =	sdelay $0x1  }
0x768: {  	v4 =	vadd.s32 v1, v4;
	_ =	sdelay $0x1  }
0x769: {  	v3 =	vperm.xlane v3, v2;
	_ =	sdelay $0x1  }
0x76a: {  	s26 =	simm.s32 $0x15800;
	v3 =	vadd.s32 v1, v3  }
0x76b: {  	[tilespmem:s26], [sflag:$0x2] =	stream.indirect_vreg.gather [hbm4b:s4+s2], $0x80, v4, vm0, $0xb8;
	[tilespmem:$0x18800] =	vst v63  }
0x76c: {  	s1 =	simm.s32 $0x16000  }
0x76d: {  	[tilespmem:s1], [sflag:$0x2] =	stream.indirect_vreg.gather [hbm4b:s5+s2], $0x80, v4, vm1, $0xb8;
	[tilespmem:$0x18800] =	vst v63  }
0x76e: {  	s13 =	simm.s32 $0x16400  }
0x76f: {  	[tilespmem:s13], [sflag:$0x2] =	stream.indirect_vreg.gather [hbm4b:s4+s2], $0x80, v3, vm0, $0xb8;
	[tilespmem:$0x18800] =	vst v63  }
0x770: {  	s1 =	simm.s32 $0x16C00  }
0x771: {  	[tilespmem:s1], [sflag:$0x2] =	stream.indirect_vreg.gather [hbm4b:s5+s2], $0x80, v3, vm1, $0xb8;
	[tilespmem:$0x18800] =	vst v63  }
0x772: {  	v3 =	vld [tilespmem:$0x6F0];
	_ =	sdelay $0x4  }
0x773: {  	v47 =	vshrl.u32 v3, $0x3  }
0x774: {  	v4 =	vmul.u32 $0x18, v47  }
0x775: {  	v3 =	vand.u32 $0x7, v3  }
0x776: {  	v3 =	vor.u32 v3, v4  }
0x777: {  	v4 =	vperm.xlane v3, v0;
	_ =	sdelay $0x1  }
0x778: {  	v4 =	vadd.s32 v1, v4;
	_ =	sdelay $0x1  }
0x779: {  	v3 =	vperm.xlane v3, v2;
	_ =	sdelay $0x1  }
0x77a: {  	s13 =	simm.s32 $0x17000;
	v3 =	vadd.s32 v1, v3  }
0x77b: {  	[tilespmem:s13], [sflag:$0x2] =	stream.indirect_vreg.gather [hbm4b:s4+s2], $0x80, v4, vm0, $0xb8;
	[tilespmem:$0x18800] =	vst v63  }
0x77c: {  	s1 =	simm.s32 $0x17800  }
0x77d: {  	[tilespmem:s1], [sflag:$0x2] =	stream.indirect_vreg.gather [hbm4b:s5+s2], $0x80, v4, vm1, $0xb8;
	[tilespmem:$0x18800] =	vst v63  }
0x77e: {  	s13 =	simm.s32 $0x17C00  }
0x77f: {  	[tilespmem:s13], [sflag:$0x2] =	stream.indirect_vreg.gather [hbm4b:s4+s2], $0x80, v3, vm0, $0xb8;
	[tilespmem:$0x18800] =	vst v63  }
0x780: {  	s13 =	simm.s32 $0x18400  }
0x781: {  	[tilespmem:s13], [sflag:$0x2] =	stream.indirect_vreg.gather [hbm4b:s5+s2], $0x80, v3, vm1, $0xb8;
	[tilespmem:$0x18800] =	vst v63  }
0x782: {  	s26 =	rddreg [dreg:$0xf];
	s1 =	simm.s32 $0x800  }
0x783: {  	[hbm4b:s26+s2] =	stream.linear.scatter [tilespmem:s1], [sflag:$0x3], $0xC000, $0x38;
	[tilespmem:$0x18800] =	vst v63  }
0x784: {  	_ =	swait.ge [sflag:s23], $0xC000  }
0x785: {  	[sflag:s23] =	ssyncset.done $0x0  }
0x786: {  	[sflag:s23] =	ssyncadd.s32 $0xFFFF4000  }
0x787: {  	_ =	swait.ge [sflag:s24], $0xC000  }
0x788: {  	[sflag:s24] =	ssyncset.done $0x0  }
0x789: {  	[sflag:s24] =	ssyncadd.s32 $0xFFFF4000  }
0x78a: {  	v3 =	vld [tilespmem:$0x700];
	_ =	sdelay $0x4  }
0x78b: {  	v48 =	vshrl.u32 v3, $0x3  }
0x78c: {  	v4 =	vmul.u32 $0x18, v48  }
0x78d: {  	v3 =	vand.u32 $0x7, v3  }
0x78e: {  	v3 =	vor.u32 v3, v4  }
0x78f: {  	v4 =	vperm.xlane v3, v0;
	_ =	sdelay $0x1  }
0x790: {  	v4 =	vadd.s32 v1, v4;
	_ =	sdelay $0x1  }
0x791: {  	v3 =	vperm.xlane v3, v2;
	_ =	sdelay $0x1  }
0x792: {  	v3 =	vadd.s32 v1, v3  }
0x793: {  	[tilespmem:s1], [sflag:$0x1] =	stream.indirect_vreg.gather [hbm4b:s4+s2], $0x80, v4, vm0, $0xb8;
	[tilespmem:$0x18800] =	vst v63  }
0x794: {  	s26 =	simm.s32 $0x1000  }
0x795: {  	[tilespmem:s26], [sflag:$0x1] =	stream.indirect_vreg.gather [hbm4b:s5+s2], $0x80, v4, vm1, $0xb8;
	[tilespmem:$0x18800] =	vst v63  }
0x796: {  	s26 =	simm.s32 $0x1400  }
0x797: {  	[tilespmem:s26], [sflag:$0x1] =	stream.indirect_vreg.gather [hbm4b:s4+s2], $0x80, v3, vm0, $0xb8;
	[tilespmem:$0x18800] =	vst v63  }
0x798: {  	s26 =	simm.s32 $0x1C00  }
0x799: {  	[tilespmem:s26], [sflag:$0x1] =	stream.indirect_vreg.gather [hbm4b:s5+s2], $0x80, v3, vm1, $0xb8;
	[tilespmem:$0x18800] =	vst v63  }
0x79a: {  	v3 =	vld [tilespmem:$0x710];
	_ =	sdelay $0x4  }
0x79b: {  	v49 =	vshrl.u32 v3, $0x3  }
0x79c: {  	v4 =	vmul.u32 $0x18, v49  }
0x79d: {  	v3 =	vand.u32 $0x7, v3  }
0x79e: {  	v3 =	vor.u32 v3, v4  }
0x79f: {  	v4 =	vperm.xlane v3, v0;
	_ =	sdelay $0x1  }
0x7a0: {  	v4 =	vadd.s32 v1, v4;
	_ =	sdelay $0x1  }
0x7a1: {  	v3 =	vperm.xlane v3, v2;
	_ =	sdelay $0x1  }
0x7a2: {  	s26 =	simm.s32 $0x2000;
	v3 =	vadd.s32 v1, v3  }
0x7a3: {  	[tilespmem:s26], [sflag:$0x1] =	stream.indirect_vreg.gather [hbm4b:s4+s2], $0x80, v4, vm0, $0xb8;
	[tilespmem:$0x18800] =	vst v63  }
0x7a4: {  	s26 =	simm.s32 $0x2800  }
0x7a5: {  	[tilespmem:s26], [sflag:$0x1] =	stream.indirect_vreg.gather [hbm4b:s5+s2], $0x80, v4, vm1, $0xb8;
	[tilespmem:$0x18800] =	vst v63  }
0x7a6: {  	s26 =	simm.s32 $0x2C00  }
0x7a7: {  	[tilespmem:s26], [sflag:$0x1] =	stream.indirect_vreg.gather [hbm4b:s4+s2], $0x80, v3, vm0, $0xb8;
	[tilespmem:$0x18800] =	vst v63  }
0x7a8: {  	s26 =	simm.s32 $0x3400  }
0x7a9: {  	[tilespmem:s26], [sflag:$0x1] =	stream.indirect_vreg.gather [hbm4b:s5+s2], $0x80, v3, vm1, $0xb8;
	[tilespmem:$0x18800] =	vst v63  }
0x7aa: {  	v3 =	vld [tilespmem:$0x720];
	_ =	sdelay $0x4  }
0x7ab: {  	v50 =	vshrl.u32 v3, $0x3  }
0x7ac: {  	v4 =	vmul.u32 $0x18, v50  }
0x7ad: {  	v3 =	vand.u32 $0x7, v3  }
0x7ae: {  	v3 =	vor.u32 v3, v4  }
0x7af: {  	v4 =	vperm.xlane v3, v0;
	_ =	sdelay $0x1  }
0x7b0: {  	v4 =	vadd.s32 v1, v4;
	_ =	sdelay $0x1  }
0x7b1: {  	v3 =	vperm.xlane v3, v2;
	_ =	sdelay $0x1  }
0x7b2: {  	s26 =	simm.s32 $0x3800;
	v3 =	vadd.s32 v1, v3  }
0x7b3: {  	[tilespmem:s26], [sflag:$0x1] =	stream.indirect_vreg.gather [hbm4b:s4+s2], $0x80, v4, vm0, $0xb8;
	[tilespmem:$0x18800] =	vst v63  }
0x7b4: {  	s26 =	simm.s32 $0x4000  }
0x7b5: {  	[tilespmem:s26], [sflag:$0x1] =	stream.indirect_vreg.gather [hbm4b:s5+s2], $0x80, v4, vm1, $0xb8;
	[tilespmem:$0x18800] =	vst v63  }
0x7b6: {  	s26 =	simm.s32 $0x4400  }
0x7b7: {  	[tilespmem:s26], [sflag:$0x1] =	stream.indirect_vreg.gather [hbm4b:s4+s2], $0x80, v3, vm0, $0xb8;
	[tilespmem:$0x18800] =	vst v63  }
0x7b8: {  	s26 =	simm.s32 $0x4C00  }
0x7b9: {  	[tilespmem:s26], [sflag:$0x1] =	stream.indirect_vreg.gather [hbm4b:s5+s2], $0x80, v3, vm1, $0xb8;
	[tilespmem:$0x18800] =	vst v63  }
0x7ba: {  	v3 =	vld [tilespmem:$0x730];
	_ =	sdelay $0x4  }
0x7bb: {  	v51 =	vshrl.u32 v3, $0x3  }
0x7bc: {  	v4 =	vmul.u32 $0x18, v51  }
0x7bd: {  	v3 =	vand.u32 $0x7, v3  }
0x7be: {  	v3 =	vor.u32 v3, v4  }
0x7bf: {  	v4 =	vperm.xlane v3, v0;
	_ =	sdelay $0x1  }
0x7c0: {  	v4 =	vadd.s32 v1, v4;
	_ =	sdelay $0x1  }
0x7c1: {  	v3 =	vperm.xlane v3, v2;
	_ =	sdelay $0x1  }
0x7c2: {  	s26 =	simm.s32 $0x5000;
	v3 =	vadd.s32 v1, v3  }
0x7c3: {  	[tilespmem:s26], [sflag:$0x1] =	stream.indirect_vreg.gather [hbm4b:s4+s2], $0x80, v4, vm0, $0xb8;
	[tilespmem:$0x18800] =	vst v63  }
0x7c4: {  	s26 =	simm.s32 $0x5800  }
0x7c5: {  	[tilespmem:s26], [sflag:$0x1] =	stream.indirect_vreg.gather [hbm4b:s5+s2], $0x80, v4, vm1, $0xb8;
	[tilespmem:$0x18800] =	vst v63  }
0x7c6: {  	s26 =	simm.s32 $0x5C00  }
0x7c7: {  	[tilespmem:s26], [sflag:$0x1] =	stream.indirect_vreg.gather [hbm4b:s4+s2], $0x80, v3, vm0, $0xb8;
	[tilespmem:$0x18800] =	vst v63  }
0x7c8: {  	s26 =	simm.s32 $0x6400  }
0x7c9: {  	[tilespmem:s26], [sflag:$0x1] =	stream.indirect_vreg.gather [hbm4b:s5+s2], $0x80, v3, vm1, $0xb8;
	[tilespmem:$0x18800] =	vst v63  }
0x7ca: {  	v3 =	vld [tilespmem:$0x740];
	_ =	sdelay $0x4  }
0x7cb: {  	v52 =	vshrl.u32 v3, $0x3  }
0x7cc: {  	v4 =	vmul.u32 $0x18, v52  }
0x7cd: {  	v3 =	vand.u32 $0x7, v3  }
0x7ce: {  	v3 =	vor.u32 v3, v4  }
0x7cf: {  	v4 =	vperm.xlane v3, v0;
	_ =	sdelay $0x1  }
0x7d0: {  	v4 =	vadd.s32 v1, v4;
	_ =	sdelay $0x1  }
0x7d1: {  	v3 =	vperm.xlane v3, v2;
	_ =	sdelay $0x1  }
0x7d2: {  	s26 =	simm.s32 $0x6800;
	v3 =	vadd.s32 v1, v3  }
0x7d3: {  	[tilespmem:s26], [sflag:$0x1] =	stream.indirect_vreg.gather [hbm4b:s4+s2], $0x80, v4, vm0, $0xb8;
	[tilespmem:$0x18800] =	vst v63  }
0x7d4: {  	s26 =	simm.s32 $0x7000  }
0x7d5: {  	[tilespmem:s26], [sflag:$0x1] =	stream.indirect_vreg.gather [hbm4b:s5+s2], $0x80, v4, vm1, $0xb8;
	[tilespmem:$0x18800] =	vst v63  }
0x7d6: {  	s26 =	simm.s32 $0x7400  }
0x7d7: {  	[tilespmem:s26], [sflag:$0x1] =	stream.indirect_vreg.gather [hbm4b:s4+s2], $0x80, v3, vm0, $0xb8;
	[tilespmem:$0x18800] =	vst v63  }
0x7d8: {  	s26 =	simm.s32 $0x7C00  }
0x7d9: {  	[tilespmem:s26], [sflag:$0x1] =	stream.indirect_vreg.gather [hbm4b:s5+s2], $0x80, v3, vm1, $0xb8;
	[tilespmem:$0x18800] =	vst v63  }
0x7da: {  	v3 =	vld [tilespmem:$0x750];
	_ =	sdelay $0x4  }
0x7db: {  	v53 =	vshrl.u32 v3, $0x3  }
0x7dc: {  	v4 =	vmul.u32 $0x18, v53  }
0x7dd: {  	v3 =	vand.u32 $0x7, v3  }
0x7de: {  	v3 =	vor.u32 v3, v4  }
0x7df: {  	v4 =	vperm.xlane v3, v0;
	_ =	sdelay $0x1  }
0x7e0: {  	v4 =	vadd.s32 v1, v4;
	_ =	sdelay $0x1  }
0x7e1: {  	v3 =	vperm.xlane v3, v2;
	_ =	sdelay $0x1  }
0x7e2: {  	v3 =	vadd.s32 v1, v3  }
0x7e3: {  	[tilespmem:s21], [sflag:$0x1] =	stream.indirect_vreg.gather [hbm4b:s4+s2], $0x80, v4, vm0, $0xb8;
	[tilespmem:$0x18800] =	vst v63  }
0x7e4: {  	s26 =	simm.s32 $0x8800  }
0x7e5: {  	[tilespmem:s26], [sflag:$0x1] =	stream.indirect_vreg.gather [hbm4b:s5+s2], $0x80, v4, vm1, $0xb8;
	[tilespmem:$0x18800] =	vst v63  }
0x7e6: {  	_ = 	snop  }
0x7e7: {  	[tilespmem:s0], [sflag:$0x1] =	stream.indirect_vreg.gather [hbm4b:s4+s2], $0x80, v3, vm0, $0xb8;
	[tilespmem:$0x18800] =	vst v63  }
0x7e8: {  	s26 =	simm.s32 $0x9400  }
0x7e9: {  	[tilespmem:s26], [sflag:$0x1] =	stream.indirect_vreg.gather [hbm4b:s5+s2], $0x80, v3, vm1, $0xb8;
	[tilespmem:$0x18800] =	vst v63  }
0x7ea: {  	v3 =	vld [tilespmem:$0x760];
	_ =	sdelay $0x4  }
0x7eb: {  	v54 =	vshrl.u32 v3, $0x3  }
0x7ec: {  	v4 =	vmul.u32 $0x18, v54  }
0x7ed: {  	v3 =	vand.u32 $0x7, v3  }
0x7ee: {  	v3 =	vor.u32 v3, v4  }
0x7ef: {  	v4 =	vperm.xlane v3, v0;
	_ =	sdelay $0x1  }
0x7f0: {  	v4 =	vadd.s32 v1, v4;
	_ =	sdelay $0x1  }
0x7f1: {  	v3 =	vperm.xlane v3, v2;
	_ =	sdelay $0x1  }
0x7f2: {  	s21 =	simm.s32 $0x9800;
	v3 =	vadd.s32 v1, v3  }
0x7f3: {  	[tilespmem:s21], [sflag:$0x1] =	stream.indirect_vreg.gather [hbm4b:s4+s2], $0x80, v4, vm0, $0xb8;
	[tilespmem:$0x18800] =	vst v63  }
0x7f4: {  	s26 =	simm.s32 $0xA000  }
0x7f5: {  	[tilespmem:s26], [sflag:$0x1] =	stream.indirect_vreg.gather [hbm4b:s5+s2], $0x80, v4, vm1, $0xb8;
	[tilespmem:$0x18800] =	vst v63  }
0x7f6: {  	_ = 	snop  }
0x7f7: {  	[tilespmem:s3], [sflag:$0x1] =	stream.indirect_vreg.gather [hbm4b:s4+s2], $0x80, v3, vm0, $0xb8;
	[tilespmem:$0x18800] =	vst v63  }
0x7f8: {  	s3 =	simm.s32 $0xAC00  }
0x7f9: {  	[tilespmem:s3], [sflag:$0x1] =	stream.indirect_vreg.gather [hbm4b:s5+s2], $0x80, v3, vm1, $0xb8;
	[tilespmem:$0x18800] =	vst v63  }
0x7fa: {  	v3 =	vld [tilespmem:$0x770];
	_ =	sdelay $0x4  }
0x7fb: {  	v55 =	vshrl.u32 v3, $0x3  }
0x7fc: {  	v4 =	vmul.u32 $0x18, v55  }
0x7fd: {  	v3 =	vand.u32 $0x7, v3  }
0x7fe: {  	v3 =	vor.u32 v3, v4  }
0x7ff: {  	v4 =	vperm.xlane v3, v0;
	_ =	sdelay $0x1  }
0x800: {  	v4 =	vadd.s32 v1, v4;
	_ =	sdelay $0x1  }
0x801: {  	v3 =	vperm.xlane v3, v2;
	_ =	sdelay $0x1  }
0x802: {  	s21 =	simm.s32 $0xB000;
	v3 =	vadd.s32 v1, v3  }
0x803: {  	[tilespmem:s21], [sflag:$0x1] =	stream.indirect_vreg.gather [hbm4b:s4+s2], $0x80, v4, vm0, $0xb8;
	[tilespmem:$0x18800] =	vst v63  }
0x804: {  	s26 =	simm.s32 $0xB800  }
0x805: {  	[tilespmem:s26], [sflag:$0x1] =	stream.indirect_vreg.gather [hbm4b:s5+s2], $0x80, v4, vm1, $0xb8;
	[tilespmem:$0x18800] =	vst v63  }
0x806: {  	_ = 	snop  }
0x807: {  	[tilespmem:s6], [sflag:$0x1] =	stream.indirect_vreg.gather [hbm4b:s4+s2], $0x80, v3, vm0, $0xb8;
	[tilespmem:$0x18800] =	vst v63  }
0x808: {  	s6 =	simm.s32 $0xC400  }
0x809: {  	[tilespmem:s6], [sflag:$0x1] =	stream.indirect_vreg.gather [hbm4b:s5+s2], $0x80, v3, vm1, $0xb8;
	[tilespmem:$0x18800] =	vst v63  }
0x80a: {  	s20 =	simm.s32 $0xC800;
	s3 =	rddreg [dreg:$0x10]  }
0x80b: {  	[hbm4b:s3+s2] =	stream.linear.scatter [tilespmem:s20], [sflag:$0x4], $0xC000, $0x38;
	[tilespmem:$0x18800] =	vst v63  }
0x80c: {  	_ =	swait.ge [sflag:s14], $0xC000  }
0x80d: {  	[sflag:s14] =	ssyncset.done $0x0  }
0x80e: {  	[sflag:s14] =	ssyncadd.s32 $0xFFFF4000  }
0x80f: {  	_ =	swait.ge [sflag:s25], $0xC000  }
0x810: {  	[sflag:s25] =	ssyncset.done $0x0  }
0x811: {  	[sflag:s25] =	ssyncadd.s32 $0xFFFF4000  }
0x812: {  	v3 =	vld [tilespmem:$0x780];
	_ =	sdelay $0x4  }
0x813: {  	v56 =	vshrl.u32 v3, $0x3  }
0x814: {  	v4 =	vmul.u32 $0x18, v56  }
0x815: {  	v3 =	vand.u32 $0x7, v3  }
0x816: {  	v3 =	vor.u32 v3, v4  }
0x817: {  	v4 =	vperm.xlane v3, v0;
	_ =	sdelay $0x1  }
0x818: {  	v4 =	vadd.s32 v1, v4;
	_ =	sdelay $0x1  }
0x819: {  	v3 =	vperm.xlane v3, v2;
	_ =	sdelay $0x1  }
0x81a: {  	v3 =	vadd.s32 v1, v3  }
0x81b: {  	[tilespmem:s20], [sflag:$0x2] =	stream.indirect_vreg.gather [hbm4b:s4+s2], $0x80, v4, vm0, $0xb8;
	[tilespmem:$0x18800] =	vst v63  }
0x81c: {  	s21 =	simm.s32 $0xD000  }
0x81d: {  	[tilespmem:s21], [sflag:$0x2] =	stream.indirect_vreg.gather [hbm4b:s5+s2], $0x80, v4, vm1, $0xb8;
	[tilespmem:$0x18800] =	vst v63  }
0x81e: {  	s26 =	simm.s32 $0xD400  }
0x81f: {  	[tilespmem:s26], [sflag:$0x2] =	stream.indirect_vreg.gather [hbm4b:s4+s2], $0x80, v3, vm0, $0xb8;
	[tilespmem:$0x18800] =	vst v63  }
0x820: {  	_ = 	snop  }
0x821: {  	[tilespmem:s7], [sflag:$0x2] =	stream.indirect_vreg.gather [hbm4b:s5+s2], $0x80, v3, vm1, $0xb8;
	[tilespmem:$0x18800] =	vst v63  }
0x822: {  	v3 =	vld [tilespmem:$0x790];
	_ =	sdelay $0x4  }
0x823: {  	v57 =	vshrl.u32 v3, $0x3  }
0x824: {  	v4 =	vmul.u32 $0x18, v57  }
0x825: {  	v3 =	vand.u32 $0x7, v3  }
0x826: {  	v3 =	vor.u32 v3, v4  }
0x827: {  	v4 =	vperm.xlane v3, v0;
	_ =	sdelay $0x1  }
0x828: {  	v4 =	vadd.s32 v1, v4;
	_ =	sdelay $0x1  }
0x829: {  	v3 =	vperm.xlane v3, v2;
	_ =	sdelay $0x1  }
0x82a: {  	s6 =	simm.s32 $0xE000;
	v3 =	vadd.s32 v1, v3  }
0x82b: {  	[tilespmem:s6], [sflag:$0x2] =	stream.indirect_vreg.gather [hbm4b:s4+s2], $0x80, v4, vm0, $0xb8;
	[tilespmem:$0x18800] =	vst v63  }
0x82c: {  	s7 =	simm.s32 $0xE800  }
0x82d: {  	[tilespmem:s7], [sflag:$0x2] =	stream.indirect_vreg.gather [hbm4b:s5+s2], $0x80, v4, vm1, $0xb8;
	[tilespmem:$0x18800] =	vst v63  }
0x82e: {  	s15 =	simm.s32 $0xEC00  }
0x82f: {  	[tilespmem:s15], [sflag:$0x2] =	stream.indirect_vreg.gather [hbm4b:s4+s2], $0x80, v3, vm0, $0xb8;
	[tilespmem:$0x18800] =	vst v63  }
0x830: {  	_ = 	snop  }
0x831: {  	[tilespmem:s8], [sflag:$0x2] =	stream.indirect_vreg.gather [hbm4b:s5+s2], $0x80, v3, vm1, $0xb8;
	[tilespmem:$0x18800] =	vst v63  }
0x832: {  	v3 =	vld [tilespmem:$0x7A0];
	_ =	sdelay $0x4  }
0x833: {  	v58 =	vshrl.u32 v3, $0x3  }
0x834: {  	v4 =	vmul.u32 $0x18, v58  }
0x835: {  	v3 =	vand.u32 $0x7, v3  }
0x836: {  	v3 =	vor.u32 v3, v4  }
0x837: {  	v4 =	vperm.xlane v3, v0;
	_ =	sdelay $0x1  }
0x838: {  	v4 =	vadd.s32 v1, v4;
	_ =	sdelay $0x1  }
0x839: {  	v3 =	vperm.xlane v3, v2;
	_ =	sdelay $0x1  }
0x83a: {  	s16 =	simm.s32 $0xF800;
	v3 =	vadd.s32 v1, v3  }
0x83b: {  	[tilespmem:s16], [sflag:$0x2] =	stream.indirect_vreg.gather [hbm4b:s4+s2], $0x80, v4, vm0, $0xb8;
	[tilespmem:$0x18800] =	vst v63  }
0x83c: {  	s17 =	simm.s32 $0x10000  }
0x83d: {  	[tilespmem:s17], [sflag:$0x2] =	stream.indirect_vreg.gather [hbm4b:s5+s2], $0x80, v4, vm1, $0xb8;
	[tilespmem:$0x18800] =	vst v63  }
0x83e: {  	s18 =	simm.s32 $0x10400  }
0x83f: {  	[tilespmem:s18], [sflag:$0x2] =	stream.indirect_vreg.gather [hbm4b:s4+s2], $0x80, v3, vm0, $0xb8;
	[tilespmem:$0x18800] =	vst v63  }
0x840: {  	_ = 	snop  }
0x841: {  	[tilespmem:s9], [sflag:$0x2] =	stream.indirect_vreg.gather [hbm4b:s5+s2], $0x80, v3, vm1, $0xb8;
	[tilespmem:$0x18800] =	vst v63  }
0x842: {  	v3 =	vld [tilespmem:$0x7B0];
	_ =	sdelay $0x4  }
0x843: {  	v59 =	vshrl.u32 v3, $0x3  }
0x844: {  	v4 =	vmul.u32 $0x18, v59  }
0x845: {  	v3 =	vand.u32 $0x7, v3  }
0x846: {  	v3 =	vor.u32 v3, v4  }
0x847: {  	v4 =	vperm.xlane v3, v0;
	_ =	sdelay $0x1  }
0x848: {  	v4 =	vadd.s32 v1, v4;
	_ =	sdelay $0x1  }
0x849: {  	v3 =	vperm.xlane v3, v2;
	_ =	sdelay $0x1  }
0x84a: {  	s19 =	simm.s32 $0x11000;
	v3 =	vadd.s32 v1, v3  }
0x84b: {  	[tilespmem:s19], [sflag:$0x2] =	stream.indirect_vreg.gather [hbm4b:s4+s2], $0x80, v4, vm0, $0xb8;
	[tilespmem:$0x18800] =	vst v63  }
0x84c: {  	s22 =	simm.s32 $0x11800  }
0x84d: {  	[tilespmem:s22], [sflag:$0x2] =	stream.indirect_vreg.gather [hbm4b:s5+s2], $0x80, v4, vm1, $0xb8;
	[tilespmem:$0x18800] =	vst v63  }
0x84e: {  	s28 =	simm.s32 $0x11C00  }
0x84f: {  	[tilespmem:s28], [sflag:$0x2] =	stream.indirect_vreg.gather [hbm4b:s4+s2], $0x80, v3, vm0, $0xb8;
	[tilespmem:$0x18800] =	vst v63  }
0x850: {  	_ = 	snop  }
0x851: {  	[tilespmem:s10], [sflag:$0x2] =	stream.indirect_vreg.gather [hbm4b:s5+s2], $0x80, v3, vm1, $0xb8;
	[tilespmem:$0x18800] =	vst v63  }
0x852: {  	v3 =	vld [tilespmem:$0x7C0];
	_ =	sdelay $0x4  }
0x853: {  	v60 =	vshrl.u32 v3, $0x3  }
0x854: {  	v4 =	vmul.u32 $0x18, v60  }
0x855: {  	v3 =	vand.u32 $0x7, v3  }
0x856: {  	v3 =	vor.u32 v3, v4  }
0x857: {  	v4 =	vperm.xlane v3, v0;
	_ =	sdelay $0x1  }
0x858: {  	v4 =	vadd.s32 v1, v4;
	_ =	sdelay $0x1  }
0x859: {  	v3 =	vperm.xlane v3, v2;
	_ =	sdelay $0x1  }
0x85a: {  	s15 =	simm.s32 $0x12800;
	v3 =	vadd.s32 v1, v3  }
0x85b: {  	[tilespmem:s15], [sflag:$0x2] =	stream.indirect_vreg.gather [hbm4b:s4+s2], $0x80, v4, vm0, $0xb8;
	[tilespmem:$0x18800] =	vst v63  }
0x85c: {  	s29 =	simm.s32 $0x13000  }
0x85d: {  	[tilespmem:s29], [sflag:$0x2] =	stream.indirect_vreg.gather [hbm4b:s5+s2], $0x80, v4, vm1, $0xb8;
	[tilespmem:$0x18800] =	vst v63  }
0x85e: {  	s30 =	simm.s32 $0x13400  }
0x85f: {  	[tilespmem:s30], [sflag:$0x2] =	stream.indirect_vreg.gather [hbm4b:s4+s2], $0x80, v3, vm0, $0xb8;
	[tilespmem:$0x18800] =	vst v63  }
0x860: {  	_ = 	snop  }
0x861: {  	[tilespmem:s11], [sflag:$0x2] =	stream.indirect_vreg.gather [hbm4b:s5+s2], $0x80, v3, vm1, $0xb8;
	[tilespmem:$0x18800] =	vst v63  }
0x862: {  	v3 =	vld [tilespmem:$0x7D0];
	_ =	sdelay $0x4  }
0x863: {  	v61 =	vshrl.u32 v3, $0x3  }
0x864: {  	v4 =	vmul.u32 $0x18, v61  }
0x865: {  	v3 =	vand.u32 $0x7, v3  }
0x866: {  	v3 =	vor.u32 v3, v4  }
0x867: {  	v4 =	vperm.xlane v3, v0;
	_ =	sdelay $0x1  }
0x868: {  	v4 =	vadd.s32 v1, v4;
	_ =	sdelay $0x1  }
0x869: {  	v3 =	vperm.xlane v3, v2;
	_ =	sdelay $0x1  }
0x86a: {  	s16 =	simm.s32 $0x14000;
	v3 =	vadd.s32 v1, v3  }
0x86b: {  	[tilespmem:s16], [sflag:$0x2] =	stream.indirect_vreg.gather [hbm4b:s4+s2], $0x80, v4, vm0, $0xb8;
	[tilespmem:$0x18800] =	vst v63  }
0x86c: {  	s31 =	simm.s32 $0x14800  }
0x86d: {  	[tilespmem:s31], [sflag:$0x2] =	stream.indirect_vreg.gather [hbm4b:s5+s2], $0x80, v4, vm1, $0xb8;
	[tilespmem:$0x18800] =	vst v63  }
0x86e: {  	s17 =	simm.s32 $0x14C00  }
0x86f: {  	[tilespmem:s17], [sflag:$0x2] =	stream.indirect_vreg.gather [hbm4b:s4+s2], $0x80, v3, vm0, $0xb8;
	[tilespmem:$0x18800] =	vst v63  }
0x870: {  	_ = 	snop  }
0x871: {  	[tilespmem:s12], [sflag:$0x2] =	stream.indirect_vreg.gather [hbm4b:s5+s2], $0x80, v3, vm1, $0xb8;
	[tilespmem:$0x18800] =	vst v63  }
0x872: {  	v3 =	vld [tilespmem:$0x7E0];
	_ =	sdelay $0x4  }
0x873: {  	v62 =	vshrl.u32 v3, $0x3  }
0x874: {  	v4 =	vmul.u32 $0x18, v62  }
0x875: {  	v3 =	vand.u32 $0x7, v3  }
0x876: {  	v3 =	vor.u32 v3, v4  }
0x877: {  	v4 =	vperm.xlane v3, v0;
	_ =	sdelay $0x1  }
0x878: {  	v4 =	vadd.s32 v1, v4;
	_ =	sdelay $0x1  }
0x879: {  	v3 =	vperm.xlane v3, v2;
	_ =	sdelay $0x1  }
0x87a: {  	s18 =	simm.s32 $0x15800;
	v3 =	vadd.s32 v1, v3  }
0x87b: {  	[tilespmem:s18], [sflag:$0x2] =	stream.indirect_vreg.gather [hbm4b:s4+s2], $0x80, v4, vm0, $0xb8;
	[tilespmem:$0x18800] =	vst v63  }
0x87c: {  	s19 =	simm.s32 $0x16000  }
0x87d: {  	[tilespmem:s19], [sflag:$0x2] =	stream.indirect_vreg.gather [hbm4b:s5+s2], $0x80, v4, vm1, $0xb8;
	[tilespmem:$0x18800] =	vst v63  }
0x87e: {  	s21 =	simm.s32 $0x16400  }
0x87f: {  	[tilespmem:s21], [sflag:$0x2] =	stream.indirect_vreg.gather [hbm4b:s4+s2], $0x80, v3, vm0, $0xb8;
	[tilespmem:$0x18800] =	vst v63  }
0x880: {  	s22 =	simm.s32 $0x16C00  }
0x881: {  	[tilespmem:s22], [sflag:$0x2] =	stream.indirect_vreg.gather [hbm4b:s5+s2], $0x80, v3, vm1, $0xb8;
	[tilespmem:$0x18800] =	vst v63  }
0x882: {  	v3 =	vld [tilespmem:$0x7F0];
	_ =	sdelay $0x4  }
0x883: {  	v63 =	vshrl.u32 v3, $0x3  }
0x884: {  	v4 =	vmul.u32 $0x18, v63  }
0x885: {  	v3 =	vand.u32 $0x7, v3  }
0x886: {  	v3 =	vor.u32 v3, v4  }
0x887: {  	v4 =	vperm.xlane v3, v0;
	_ =	sdelay $0x1  }
0x888: {  	v4 =	vadd.s32 v1, v4;
	_ =	sdelay $0x1  }
0x889: {  	v3 =	vperm.xlane v3, v2;
	_ =	sdelay $0x1  }
0x88a: {  	s26 =	simm.s32 $0x17000;
	v3 =	vadd.s32 v1, v3  }
0x88b: {  	[tilespmem:s26], [sflag:$0x2] =	stream.indirect_vreg.gather [hbm4b:s4+s2], $0x80, v4, vm0, $0xb8;
	[tilespmem:$0x18800] =	vst v63  }
0x88c: {  	s28 =	simm.s32 $0x17800  }
0x88d: {  	[tilespmem:s28], [sflag:$0x2] =	stream.indirect_vreg.gather [hbm4b:s5+s2], $0x80, v4, vm1, $0xb8;
	[tilespmem:$0x18800] =	vst v63  }
0x88e: {  	s29 =	simm.s32 $0x17C00  }
0x88f: {  	[tilespmem:s29], [sflag:$0x2] =	stream.indirect_vreg.gather [hbm4b:s4+s2], $0x80, v3, vm0, $0xb8;
	[tilespmem:$0x18800] =	vst v63  }
0x890: {  	_ = 	snop  }
0x891: {  	[tilespmem:s13], [sflag:$0x2] =	stream.indirect_vreg.gather [hbm4b:s5+s2], $0x80, v3, vm1, $0xb8;
	[tilespmem:$0x18800] =	vst v63  }
0x892: {  	s1 =	simm.s32 $0x800;
	s30 =	rddreg [dreg:$0x11]  }
0x893: {  	[hbm4b:s30+s2] =	stream.linear.scatter [tilespmem:s1], [sflag:$0x3], $0xC000, $0x38;
	[tilespmem:$0x18800] =	vst v63  }
0x894: {  	s0 =	rddreg [dreg:$0x14];
	_ =	swait.ge [sflag:s23], $0xC000  }
0x895: {  	[sflag:s23] =	ssyncset.done $0x0  }
0x896: {  	s31 =	rddreg [dreg:$0x12];
	[sflag:s23] =	ssyncadd.s32 $0xFFFF4000  }
0x897: {  	[hbm4b:s31+s2] =	stream.linear.scatter [tilespmem:s20], [sflag:$0x4], $0xC000, $0x38;
	[tilespmem:$0x18800] =	vst v63  }
0x898: {  	p0 =	sne.s32 s0, $0x1;
	_ =	swait.ge [sflag:s24], $0xC000  }
.Ltmp0:
0x899: {  	[sflag:s24] =	ssyncset.done $0x0;
	(pc) =	sbr.rel @p0 .LBB2_1-.Ltmp0, $4  }
0x89a: {  	[sflag:s24] =	ssyncadd.s32 $0xFFFF4000  }
0x89b: {  	_ =	swait.ge [sflag:s25], $0xC000  }
0x89c: {  	[sflag:s25] =	ssyncset.done $0x0  }
0x89d: {  	s0 =	sadd.s32 $0xFFFFFFFF, s0;
	[sflag:s25] =	ssyncadd.s32 $0xFFFF4000  }
0x89e: {  	_ =	sfence.sel $0x180000  }
0x89f: {  	[bflag:$0x0] =	sbarrier.arrive $0xFFFF  }
0x8a0: {  	_ =	strace $0x90000047  }
0x8a1: {  	s0 =	stileid.u32;
	[bflag:$0x2] =	sbarrier.arrive $0xFFFF  }
0x8a2: {  	p0 =	sne.s32 s0, $0x0;
	s0 =	rddreg [dreg:$0x2]  }
0x8a3: {  	s0 =	sadd.s32 @!p0 $0x100000, s0  }
0x8a4: {  	[sflag:s0] =	ssyncadd.tile.s32 @!p0 $0x1;
	_ =	shalt  }
.Lfunc_end2:
_tile_overlayer_lowered:
.L_overlay_start_2:
0x8a5: {  	(tag) =	ssettag $0x2  }
0x8a6: {  	s0 =	rddreg [dreg:$0x0];
	s2 =	stileid.u32  }
0x8a7: {  	s1 =	rddreg [dreg:$0x1];
	p0 =	sne.s32 s2, $0x0  }
0x8a8: {  	s3 =	rddreg [dreg:$0x2];
	[bflag:$0x3] =	sbarrier.arrive $0xFFFF;
	s2 =	simm.s32 @!p0 $0x1C05  }
0x8a9: {  	[timem:s3], [sflag:s2] =	dma.local @!p0 [hbm:s0], s1  }
0x8aa: {  	s0 =	simm.s32 @!p0 $0x5  }
0x8ab: {  	_ =	swait.ge @!p0 [sflag:s0], s1  }
0x8ac: {  	s1 =	ssub.s32 @!p0 $0x0, s1;
	[sflag:s0] =	ssyncset.done @!p0 $0x0  }
0x8ad: {  	[sflag:s0] =	ssyncadd.s32 @!p0 s1  }
0x8ae: {  	[bflag:$0x3] =	sbarrier.arrive $0xFFFF  }
0x8af: {  	_ =	shalt  }

</sc_bundles>
